<compile_context>
chip_gen: v7x
topology: tpu7x:2x2x1
jax: 0.10.2.dev20260603
libtpu: 0.0.44.dev20260713+nightly
codegen_flags: <defaults>
</compile_context>

<pallas_src>
import jax
import jax.numpy as jnp
from jax import lax
from jax.experimental import pallas as pl
from jax.experimental.pallas import tpu as pltpu
from jax.experimental.pallas import tpu_sc as plsc

MAX_NODE = 20000
MAX_CUT = 4
MAX_LEVEL = 8
NNZ = 400000
NLEV = MAX_LEVEL - 1
ROWS = 2 * MAX_NODE * MAX_CUT * 5
SRC = 2 * MAX_LEVEL * MAX_NODE
PN = 2 * MAX_NODE

NT = 16
WIN = 3200
NWG = NNZ // WIN
NWR = (NWG + NT - 1) // NT
G = 100
GE = G * 20
NCH = (PN // NT) // G
LN2 = 0.6931471805599453


def _logf(s):
    y = plsc.bitcast(s, jnp.int32)
    e = (y >> 23) - 127
    m = plsc.bitcast((y & 0x007FFFFF) | 0x3F800000, jnp.float32)
    big = m > 1.4142135
    m = jnp.where(big, m * 0.5, m)
    e = e + jnp.where(big, 1, 0)
    r = (m - 1.0) / (m + 1.0)
    r2 = r * r
    p = r * (2.0 + r2 * (0.6666667 + r2 * (0.4 + r2 * (0.2857143 + r2 * 0.22222222))))
    return e.astype(jnp.float32) * LN2 + p


def kernel(arrival, slew, loads, choices, adj_indices, coeffs):
    def _idx(adj_ref, src_ref, dst_ref):
        i1 = adj_ref[0, 1, :]
        i2 = adj_ref[0, 2, :]
        i3 = adj_ref[0, 3, :]
        src_ref[...] = ((i1 * MAX_LEVEL + i2) * MAX_NODE + i3).reshape(1, 1, NNZ)
        dst_ref[...] = adj_ref[0, 0, :].reshape(1, 1, NNZ)

    src_idx, dst_idx = pl.pallas_call(
        _idx,
        grid=(NLEV,),
        in_specs=[pl.BlockSpec((1, 4, NNZ), lambda i: (i, 0, 0))],
        out_specs=(pl.BlockSpec((1, 1, NNZ), lambda i: (i, 0, 0)),
                   pl.BlockSpec((1, 1, NNZ), lambda i: (i, 0, 0))),
        out_shape=(jax.ShapeDtypeStruct((NLEV, 1, NNZ), jnp.int32),
                   jax.ShapeDtypeStruct((NLEV, 1, NNZ), jnp.int32)),
    )(adj_indices)

    def _flat(a_ref, s_ref, oa_ref, os_ref):
        for p in range(2):
            for l in range(MAX_LEVEL):
                off = (p * MAX_LEVEL + l) * MAX_NODE
                oa_ref[pl.ds(off, MAX_NODE)] = a_ref[p, l, :]
                os_ref[pl.ds(off, MAX_NODE)] = s_ref[p, l, :]

    a0, s0 = pl.pallas_call(
        _flat,
        out_shape=(jax.ShapeDtypeStruct((SRC,), jnp.float32),
                   jax.ShapeDtypeStruct((SRC,), jnp.float32)),
    )(arrival, slew)
    loads_t = loads.reshape(-1)
    ch_t = choices.reshape(-1)
    coeffs_r = coeffs.reshape(-1)
    zeros_in = jnp.zeros((GE // 2,), jnp.float32)

    mesh = plsc.VectorSubcoreMesh(core_axis_name="c", subcore_axis_name="s",
                                  num_cores=1)
    cp = pltpu.CompilerParams(needs_layout_passes=False)

    @pl.kernel(
        out_type=(jax.ShapeDtypeStruct((SRC,), jnp.float32),
                  jax.ShapeDtypeStruct((SRC,), jnp.float32)),
        mesh=mesh,
        compiler_params=cp,
        scratch_types=[
            pltpu.VMEM_SHARED((ROWS,), jnp.float32),
            pltpu.VMEM((WIN,), jnp.int32),
            pltpu.VMEM((WIN,), jnp.int32),
            pltpu.VMEM((WIN,), jnp.float32),
            pltpu.VMEM((GE,), jnp.float32),
            pltpu.VMEM((GE,), jnp.float32),
            [pltpu.VMEM((GE,), jnp.float32) for _ in range(6)],
            pltpu.VMEM((G + 8,), jnp.float32),
            pltpu.VMEM((G * MAX_CUT,), jnp.float32),
            pltpu.VMEM((G * MAX_CUT,), jnp.float32),
            pltpu.VMEM((G,), jnp.float32),
            pltpu.VMEM((G,), jnp.int32),
            pltpu.VMEM((GE // 2,), jnp.float32),
        ],
    )
    def _ker(a0_h, s0_h, src_h, dst_h, coef_h, loads_h, ch_h, zero_h,
             ta_h, ts_h,
             acc, sidx, didx, vals, accv, part, cbuf,
             lb, chb, prod, outv, oidx, zpair):
        tid = lax.axis_index("s")
        lane = lax.iota(jnp.int32, 16)

        @pl.loop(0, (SRC // NT) // GE)
        def _(q):
            off = tid * (SRC // NT) + q * GE
            pltpu.sync_copy(a0_h.at[pl.ds(off, GE)], accv)
            pltpu.sync_copy(accv, ta_h.at[pl.ds(off, GE)])
            pltpu.sync_copy(s0_h.at[pl.ds(off, GE)], accv)
            pltpu.sync_copy(accv, ts_h.at[pl.ds(off, GE)])

        pltpu.sync_copy(zero_h, zpair)

        @pl.loop(0, (ROWS // NT) // (GE // 2))
        def _(q):
            off = tid * (ROWS // NT) + q * (GE // 2)
            pltpu.sync_copy(zpair, acc.at[pl.ds(off, GE // 2)])

        plsc.subcore_barrier()

        def sparse_phase(li, table_h, add):
            @pl.loop(0, NWR)
            def _(q):
                w = q * NT + tid

                @pl.when(w < NWG)
                def _():
                    base = w * WIN
                    pltpu.sync_copy(src_h.at[li, 0, pl.ds(base, WIN)], sidx)
                    pltpu.sync_copy(dst_h.at[li, 0, pl.ds(base, WIN)], didx)
                    pltpu.sync_copy(table_h.at[sidx], vals)
                    pltpu.sync_copy(vals, acc.at[didx], add=add)

        def lse_cut_reduce(lvl, pn0, p, table_h):
            @pl.loop(0, G * MAX_CUT, step=16)
            def _(b):
                g = b + lane
                gv = [plsc.load_gather(accv, [g * 5 + f]) for f in range(5)]
                m = jnp.maximum(jnp.maximum(jnp.maximum(gv[0], gv[1]),
                                            jnp.maximum(gv[2], gv[3])), gv[4])
                sm = (jnp.exp(gv[0] - m) + jnp.exp(gv[1] - m)
                      + jnp.exp(gv[2] - m) + jnp.exp(gv[3] - m)
                      + jnp.exp(gv[4] - m))
                chv = chb[pl.ds(b, 16)]
                prod[pl.ds(b, 16)] = (m + _logf(sm)) * chv

            asb = (p * MAX_LEVEL + lvl) * MAX_NODE + (pn0 - p * MAX_NODE)

            @pl.loop(0, (G + 15) // 16)
            def _(i):
                b = jnp.minimum(i * 16, G - 16)
                r = b + lane
                o = (plsc.load_gather(prod, [r * 4])
                     + plsc.load_gather(prod, [r * 4 + 1])
                     + plsc.load_gather(prod, [r * 4 + 2])
                     + plsc.load_gather(prod, [r * 4 + 3]))
                plsc.store_scatter(outv, [r], o)
                plsc.store_scatter(oidx, [r], asb + r)

            pltpu.sync_copy(outv, table_h.at[oidx])

        @pl.loop(0, NLEV)
        def _level(li):
            lvl = li + 1

            sparse_phase(li, ts_h, True)
            plsc.subcore_barrier()

            @pl.loop(0, NCH)
            def _chunk(k):
                pn0 = tid * (PN // NT) + k * G
                e0 = pn0 * 20
                p = tid // 8
                nn0 = pn0 - p * MAX_NODE
                loff = (p * MAX_LEVEL + lvl) * MAX_NODE + nn0
                pltpu.sync_copy(acc.at[pl.ds(e0, GE)], accv)
                for j in range(6):
                    coff = (li * 6 + j) * ROWS + e0
                    pltpu.sync_copy(coef_h.at[pl.ds(coff, GE)], cbuf[j])
                loff_al = (loff // 8) * 8
                slack = loff - loff_al
                pltpu.sync_copy(loads_h.at[pl.ds(loff_al, G + 8)], lb)
                pltpu.sync_copy(ch_h.at[pl.ds(loff * 4, G * 4)], chb)

                @pl.loop(0, GE, step=16)
                def _(b):
                    e = b + lane
                    lval = plsc.load_gather(lb, [e // 20 + slack])
                    sV = accv[pl.ds(b, 16)]
                    c_ls = cbuf[0][pl.ds(b, 16)]
                    c_ss = cbuf[1][pl.ds(b, 16)]
                    c_bs = cbuf[2][pl.ds(b, 16)]
                    c_la = cbuf[3][pl.ds(b, 16)]
                    c_sa = cbuf[4][pl.ds(b, 16)]
                    c_ba = cbuf[5][pl.ds(b, 16)]
                    part[pl.ds(b, 16)] = sV * c_sa + lval * c_la + c_ba
                    accv[pl.ds(b, 16)] = sV * c_ss + lval * c_ls + c_bs

                pltpu.sync_copy(part, acc.at[pl.ds(e0, GE)])
                lse_cut_reduce(lvl, pn0, tid // 8, ts_h)

            plsc.subcore_barrier()

            sparse_phase(li, ta_h, True)
            plsc.subcore_barrier()

            @pl.loop(0, NCH)
            def _chunk(k):
                pn0 = tid * (PN // NT) + k * G
                e0 = pn0 * 20
                p = tid // 8
                loff = (p * MAX_LEVEL + lvl) * MAX_NODE + (pn0 - p * MAX_NODE)
                pltpu.sync_copy(acc.at[pl.ds(e0, GE)], accv)
                pltpu.sync_copy(ch_h.at[pl.ds(loff * 4, G * 4)], chb)
                lse_cut_reduce(lvl, pn0, tid // 8, ta_h)
                pltpu.sync_copy(zpair, acc.at[pl.ds(e0, GE // 2)])
                pltpu.sync_copy(zpair, acc.at[pl.ds(e0 + GE // 2, GE // 2)])

            plsc.subcore_barrier()

    ta, ts = _ker(a0, s0, src_idx, dst_idx, coeffs_r, loads_t, ch_t, zeros_in)

    def _asm(ta_ref, ts_ref, o_ref):
        for s, t_ref in ((0, ta_ref), (1, ts_ref)):
            for p in range(2):
                for l in range(MAX_LEVEL):
                    v = t_ref[pl.ds((p * MAX_LEVEL + l) * MAX_NODE, MAX_NODE)]
                    o_ref[s, p, l, :] = v

    out = pl.pallas_call(
        _asm,
        out_shape=jax.ShapeDtypeStruct((2, 2, MAX_LEVEL, MAX_NODE), jnp.float32),
    )(ta, ts)
    return out

# --- scband reference (transcript-rebuilt; emitter-appended) ---
"""Pipeline reference for scband-mlaig-mgr-1322849927757 (READ-ONLY COPY).

The authoritative reference and input builder live on the scoring server;
editing this copy changes nothing except your own understanding.
"""

import jax, jax.numpy as jnp
import numpy as np

MAX_NODE = 20000
MAX_CUT = 4
MAX_LEVEL = 8
NNZ = 400000
NLEV = MAX_LEVEL - 1
ROWS = 2 * MAX_NODE * MAX_CUT * 5


def setup_inputs() -> dict:
    rng = np.random.default_rng(0)
    arrival = jnp.asarray(rng.normal(size=(2, MAX_LEVEL, MAX_NODE)).astype(np.float32))
    slew = jnp.asarray(rng.normal(size=(2, MAX_LEVEL, MAX_NODE)).astype(np.float32))
    loads = jnp.asarray(rng.uniform(size=(2, MAX_LEVEL, MAX_NODE)).astype(np.float32))
    choices = jnp.asarray(rng.uniform(size=(2, MAX_LEVEL, MAX_NODE, MAX_CUT)).astype(np.float32))
    # per-level sparse ADJ indices: rows of the coalesced COO tensor
    # idx0 in [0, ROWS), idx1 (polarity) in {0,1}, idx2 (level) in [0, MAX_LEVEL), idx3 (node) in [0, MAX_NODE)
    idx0 = rng.integers(0, ROWS, size=(NLEV, NNZ))
    idx1 = rng.integers(0, 2, size=(NLEV, NNZ))
    idx2 = rng.integers(0, MAX_LEVEL, size=(NLEV, NNZ))
    idx3 = rng.integers(0, MAX_NODE, size=(NLEV, NNZ))
    adj_indices = jnp.asarray(np.stack([idx0, idx1, idx2, idx3], axis=1).astype(np.int32))
    # per-level coefficient params (loadS, slewS, bodyS, loadA, slewA, bodyA), non-trainable in original
    coeffs = jnp.asarray((rng.normal(size=(NLEV, 6, 2, MAX_NODE, MAX_CUT, 5)) * 0.1).astype(np.float32))
    return {"arrival": arrival, "slew": slew, "loads": loads, "choices": choices,
            "adj_indices": adj_indices, "coeffs": coeffs}


def reference(arrival, slew, loads, choices, adj_indices, coeffs):
    for li in range(NLEV):
        lvl = li + 1
        idx = adj_indices[li]
        i0 = idx[0]; i1 = idx[1]; i2 = idx[2]; i3 = idx[3]
        # sparse_coo_tensor(indices, arrival[gather]).to_dense().sum(dims 1,2,3) == segment-sum over idx0
        aT = jnp.zeros((ROWS,), jnp.float32).at[i0].add(arrival[i1, i2, i3])
        arrivalArranged = aT.reshape(2, MAX_NODE, MAX_CUT, 5)
        sT = jnp.zeros((ROWS,), jnp.float32).at[i0].add(slew[i1, i2, i3])
        slewArranged = sT.reshape(2, MAX_NODE, MAX_CUT, 5)
        loadSC = coeffs[li, 0]; slewSC = coeffs[li, 1]; bodySC = coeffs[li, 2]
        loadAC = coeffs[li, 3]; slewAC = coeffs[li, 4]; bodyAC = coeffs[li, 5]
        load = loads[:, lvl, :][:, :, None, None]  # broadcast == repeat(1,1,maxCut,5)
        pinArrival = arrivalArranged + slewArranged * slewAC + load * loadAC + bodyAC
        pinSlew = slewArranged * slewSC + load * loadSC + bodySC
        newArrival = jax.nn.logsumexp(pinArrival, axis=-1)
        newSlew = jax.nn.logsumexp(pinSlew, axis=-1)
        ch = choices[:, lvl]
        newArrival = (newArrival * ch).sum(axis=-1)
        newSlew = (newSlew * ch).sum(axis=-1)
        arrival = arrival.at[:, lvl, :].set(newArrival)
        slew = slew.at[:, lvl, :].set(newSlew)
    return jnp.stack([arrival, slew])

if __name__ == "__main__":
    import jax
    _d = setup_inputs()
    print(jax.jit(kernel)(*tuple(_d.values())))

</pallas_src>

<mosaic_0001>
#map = affine_map<(d0, d1) -> (0)>
#map1 = affine_map<(d0, d1) -> (0, 0, 0)>
module attributes {stable_mosaic.version = 14 : i64} {
  func.func @_ker(%arg0: i32, %arg1: i32, %arg2: memref<320000xf32, #tpu.memory_space<hbm>>, %arg3: memref<320000xf32, #tpu.memory_space<hbm>>, %arg4: memref<7x1x400000xi32, #tpu.memory_space<hbm>>, %arg5: memref<7x1x400000xi32, #tpu.memory_space<hbm>>, %arg6: memref<33600000xf32, #tpu.memory_space<hbm>>, %arg7: memref<320000xf32, #tpu.memory_space<hbm>>, %arg8: memref<1280000xf32, #tpu.memory_space<hbm>>, %arg9: memref<1000xf32, #tpu.memory_space<hbm>>, %arg10: memref<320000xf32, #tpu.memory_space<hbm>>, %arg11: memref<320000xf32, #tpu.memory_space<hbm>>, %arg12: memref<800000xf32, #tpu.memory_space<vmem_shared>>, %arg13: memref<3200xi32, #tpu.memory_space<vmem>>, %arg14: memref<3200xi32, #tpu.memory_space<vmem>>, %arg15: memref<3200xf32, #tpu.memory_space<vmem>>, %arg16: memref<2000xf32, #tpu.memory_space<vmem>>, %arg17: memref<2000xf32, #tpu.memory_space<vmem>>, %arg18: memref<2000xf32, #tpu.memory_space<vmem>>, %arg19: memref<2000xf32, #tpu.memory_space<vmem>>, %arg20: memref<2000xf32, #tpu.memory_space<vmem>>, %arg21: memref<2000xf32, #tpu.memory_space<vmem>>, %arg22: memref<2000xf32, #tpu.memory_space<vmem>>, %arg23: memref<2000xf32, #tpu.memory_space<vmem>>, %arg24: memref<108xf32, #tpu.memory_space<vmem>>, %arg25: memref<400xf32, #tpu.memory_space<vmem>>, %arg26: memref<400xf32, #tpu.memory_space<vmem>>, %arg27: memref<100xf32, #tpu.memory_space<vmem>>, %arg28: memref<100xi32, #tpu.memory_space<vmem>>, %arg29: memref<1000xf32, #tpu.memory_space<vmem>>) attributes {dimension_semantics = [#tpu.dimension_semantics<core_parallel>, #tpu.dimension_semantics<subcore_parallel>], iteration_bounds = array<i64: 1, 16>, scalar_prefetch = 0 : i64, scratch_operands = 18 : i64, tpu.core_type = #tpu.core_type<sc_vector_subcore>, window_params = [{transform_indices = #map}, {transform_indices = #map}, {transform_indices = #map1}, {transform_indices = #map1}, {transform_indices = #map}, {transform_indices = #map}, {transform_indices = #map}, {transform_indices = #map}, {transform_indices = #map}, {transform_indices = #map}]} {
    %iota3A = tpu.iota {dimensions = array<i32: 0>} : vector<16xi32>
    %scan3A = arith.constant 0 : i32
    %scan3A_0 = arith.constant 10 : i32
    %scan3A_1 = arith.addi %scan3A, %scan3A_0 : i32
    %scan3A_2 = arith.constant 1 : i32
    scf.for %scan3A_14 = %scan3A to %scan3A_1 step %scan3A_2  : i32 {
      %mul3A = arith.constant 1 : i32
      %mul3A_15 = arith.muli %scan3A_14, %mul3A : i32
      %add3A = arith.constant 0 : i32
      %add3A_16 = arith.addi %add3A, %mul3A_15 : i32
      %mul3A_17 = arith.constant 20000 : i32
      %mul3A_18 = arith.muli %arg1, %mul3A_17 : i32
      %mul3A_19 = arith.constant 2000 : i32
      %mul3A_20 = arith.muli %add3A_16, %mul3A_19 : i32
      %add3A_21 = arith.addi %mul3A_18, %mul3A_20 : i32
      "tpu.region"() ({
        %run_scoped3A = tpu.sem_alloc : memref<!tpu.dma_semaphore, #tpu.memory_space<semaphore_mem>>
        %dma_start3A = tpu.memref_slice %arg2[%add3A_21] : memref<320000xf32, #tpu.memory_space<hbm>> -> memref<2000xf32, #tpu.memory_space<hbm>>
        %dma_start3A_22 = tpu.memref_slice %arg2[%add3A_21] : memref<320000xf32, #tpu.memory_space<hbm>> -> memref<2000xf32, #tpu.memory_space<hbm>>
        tpu.enqueue_dma source(%dma_start3A_22 : memref<2000xf32, #tpu.memory_space<hbm>>) target(%arg16 : memref<2000xf32, #tpu.memory_space<vmem>>) target_semaphore(%run_scoped3A : memref<!tpu.dma_semaphore, #tpu.memory_space<semaphore_mem>>)
        %dma_wait3A = tpu.memref_slice %arg2[%add3A_21] : memref<320000xf32, #tpu.memory_space<hbm>> -> memref<2000xf32, #tpu.memory_space<hbm>>
        %dma_wait3A_23 = tpu.memref_slice %arg2[%add3A_21] : memref<320000xf32, #tpu.memory_space<hbm>> -> memref<2000xf32, #tpu.memory_space<hbm>>
        tpu.wait_dma2 semaphore(%run_scoped3A : memref<!tpu.dma_semaphore, #tpu.memory_space<semaphore_mem>>) src(%dma_wait3A_23 : memref<2000xf32, #tpu.memory_space<hbm>>) dst(%arg16 : memref<2000xf32, #tpu.memory_space<vmem>>)
        tpu.yield
      }) : () -> ()
      "tpu.region"() ({
        %run_scoped3A = tpu.sem_alloc : memref<!tpu.dma_semaphore, #tpu.memory_space<semaphore_mem>>
        %dma_start3A = tpu.memref_slice %arg10[%add3A_21] : memref<320000xf32, #tpu.memory_space<hbm>> -> memref<2000xf32, #tpu.memory_space<hbm>>
        %dma_start3A_22 = tpu.memref_slice %arg10[%add3A_21] : memref<320000xf32, #tpu.memory_space<hbm>> -> memref<2000xf32, #tpu.memory_space<hbm>>
        tpu.enqueue_dma source(%arg16 : memref<2000xf32, #tpu.memory_space<vmem>>) target(%dma_start3A_22 : memref<2000xf32, #tpu.memory_space<hbm>>) target_semaphore(%run_scoped3A : memref<!tpu.dma_semaphore, #tpu.memory_space<semaphore_mem>>)
        %dma_wait3A = tpu.memref_slice %arg10[%add3A_21] : memref<320000xf32, #tpu.memory_space<hbm>> -> memref<2000xf32, #tpu.memory_space<hbm>>
        %dma_wait3A_23 = tpu.memref_slice %arg10[%add3A_21] : memref<320000xf32, #tpu.memory_space<hbm>> -> memref<2000xf32, #tpu.memory_space<hbm>>
        tpu.wait_dma2 semaphore(%run_scoped3A : memref<!tpu.dma_semaphore, #tpu.memory_space<semaphore_mem>>) src(%arg16 : memref<2000xf32, #tpu.memory_space<vmem>>) dst(%dma_wait3A_23 : memref<2000xf32, #tpu.memory_space<hbm>>)
        tpu.yield
      }) : () -> ()
      "tpu.region"() ({
        %run_scoped3A = tpu.sem_alloc : memref<!tpu.dma_semaphore, #tpu.memory_space<semaphore_mem>>
        %dma_start3A = tpu.memref_slice %arg3[%add3A_21] : memref<320000xf32, #tpu.memory_space<hbm>> -> memref<2000xf32, #tpu.memory_space<hbm>>
        %dma_start3A_22 = tpu.memref_slice %arg3[%add3A_21] : memref<320000xf32, #tpu.memory_space<hbm>> -> memref<2000xf32, #tpu.memory_space<hbm>>
        tpu.enqueue_dma source(%dma_start3A_22 : memref<2000xf32, #tpu.memory_space<hbm>>) target(%arg16 : memref<2000xf32, #tpu.memory_space<vmem>>) target_semaphore(%run_scoped3A : memref<!tpu.dma_semaphore, #tpu.memory_space<semaphore_mem>>)
        %dma_wait3A = tpu.memref_slice %arg3[%add3A_21] : memref<320000xf32, #tpu.memory_space<hbm>> -> memref<2000xf32, #tpu.memory_space<hbm>>
        %dma_wait3A_23 = tpu.memref_slice %arg3[%add3A_21] : memref<320000xf32, #tpu.memory_space<hbm>> -> memref<2000xf32, #tpu.memory_space<hbm>>
        tpu.wait_dma2 semaphore(%run_scoped3A : memref<!tpu.dma_semaphore, #tpu.memory_space<semaphore_mem>>) src(%dma_wait3A_23 : memref<2000xf32, #tpu.memory_space<hbm>>) dst(%arg16 : memref<2000xf32, #tpu.memory_space<vmem>>)
        tpu.yield
      }) : () -> ()
      "tpu.region"() ({
        %run_scoped3A = tpu.sem_alloc : memref<!tpu.dma_semaphore, #tpu.memory_space<semaphore_mem>>
        %dma_start3A = tpu.memref_slice %arg11[%add3A_21] : memref<320000xf32, #tpu.memory_space<hbm>> -> memref<2000xf32, #tpu.memory_space<hbm>>
        %dma_start3A_22 = tpu.memref_slice %arg11[%add3A_21] : memref<320000xf32, #tpu.memory_space<hbm>> -> memref<2000xf32, #tpu.memory_space<hbm>>
        tpu.enqueue_dma source(%arg16 : memref<2000xf32, #tpu.memory_space<vmem>>) target(%dma_start3A_22 : memref<2000xf32, #tpu.memory_space<hbm>>) target_semaphore(%run_scoped3A : memref<!tpu.dma_semaphore, #tpu.memory_space<semaphore_mem>>)
        %dma_wait3A = tpu.memref_slice %arg11[%add3A_21] : memref<320000xf32, #tpu.memory_space<hbm>> -> memref<2000xf32, #tpu.memory_space<hbm>>
        %dma_wait3A_23 = tpu.memref_slice %arg11[%add3A_21] : memref<320000xf32, #tpu.memory_space<hbm>> -> memref<2000xf32, #tpu.memory_space<hbm>>
        tpu.wait_dma2 semaphore(%run_scoped3A : memref<!tpu.dma_semaphore, #tpu.memory_space<semaphore_mem>>) src(%arg16 : memref<2000xf32, #tpu.memory_space<vmem>>) dst(%dma_wait3A_23 : memref<2000xf32, #tpu.memory_space<hbm>>)
        tpu.yield
      }) : () -> ()
    }
    %scan3A_3 = arith.constant 10 : i32
    "tpu.region"() ({
      %run_scoped3A = tpu.sem_alloc : memref<!tpu.dma_semaphore, #tpu.memory_space<semaphore_mem>>
      tpu.enqueue_dma source(%arg9 : memref<1000xf32, #tpu.memory_space<hbm>>) target(%arg29 : memref<1000xf32, #tpu.memory_space<vmem>>) target_semaphore(%run_scoped3A : memref<!tpu.dma_semaphore, #tpu.memory_space<semaphore_mem>>)
      tpu.wait_dma2 semaphore(%run_scoped3A : memref<!tpu.dma_semaphore, #tpu.memory_space<semaphore_mem>>) src(%arg9 : memref<1000xf32, #tpu.memory_space<hbm>>) dst(%arg29 : memref<1000xf32, #tpu.memory_space<vmem>>)
      tpu.yield
    }) : () -> ()
    %scan3A_4 = arith.constant 0 : i32
    %scan3A_5 = arith.constant 50 : i32
    %scan3A_6 = arith.addi %scan3A_4, %scan3A_5 : i32
    %scan3A_7 = arith.constant 1 : i32
    scf.for %scan3A_14 = %scan3A_4 to %scan3A_6 step %scan3A_7  : i32 {
      %mul3A = arith.constant 1 : i32
      %mul3A_15 = arith.muli %scan3A_14, %mul3A : i32
      %add3A = arith.constant 0 : i32
      %add3A_16 = arith.addi %add3A, %mul3A_15 : i32
      %mul3A_17 = arith.constant 50000 : i32
      %mul3A_18 = arith.muli %arg1, %mul3A_17 : i32
      %mul3A_19 = arith.constant 1000 : i32
      %mul3A_20 = arith.muli %add3A_16, %mul3A_19 : i32
      %add3A_21 = arith.addi %mul3A_18, %mul3A_20 : i32
      "tpu.region"() ({
        %run_scoped3A = tpu.sem_alloc : memref<!tpu.dma_semaphore, #tpu.memory_space<semaphore_mem>>
        %dma_start3A = tpu.memref_slice %arg12[%add3A_21] : memref<800000xf32, #tpu.memory_space<vmem_shared>> -> memref<1000xf32, #tpu.memory_space<vmem_shared>>
        %dma_start3A_22 = tpu.memref_slice %arg12[%add3A_21] : memref<800000xf32, #tpu.memory_space<vmem_shared>> -> memref<1000xf32, #tpu.memory_space<vmem_shared>>
        tpu.enqueue_dma source(%arg29 : memref<1000xf32, #tpu.memory_space<vmem>>) target(%dma_start3A_22 : memref<1000xf32, #tpu.memory_space<vmem_shared>>) target_semaphore(%run_scoped3A : memref<!tpu.dma_semaphore, #tpu.memory_space<semaphore_mem>>)
        %dma_wait3A = tpu.memref_slice %arg12[%add3A_21] : memref<800000xf32, #tpu.memory_space<vmem_shared>> -> memref<1000xf32, #tpu.memory_space<vmem_shared>>
        %dma_wait3A_23 = tpu.memref_slice %arg12[%add3A_21] : memref<800000xf32, #tpu.memory_space<vmem_shared>> -> memref<1000xf32, #tpu.memory_space<vmem_shared>>
        tpu.wait_dma2 semaphore(%run_scoped3A : memref<!tpu.dma_semaphore, #tpu.memory_space<semaphore_mem>>) src(%arg29 : memref<1000xf32, #tpu.memory_space<vmem>>) dst(%dma_wait3A_23 : memref<1000xf32, #tpu.memory_space<vmem_shared>>)
        tpu.yield
      }) : () -> ()
    }
    %scan3A_8 = arith.constant 50 : i32
    %barrier3A = arith.constant 0 : index
    tpu.barrier barrier_id(%barrier3A)
    %scan3A_9 = arith.constant 0 : i32
    %scan3A_10 = arith.constant 7 : i32
    %scan3A_11 = arith.addi %scan3A_9, %scan3A_10 : i32
    %scan3A_12 = arith.constant 1 : i32
    scf.for %scan3A_14 = %scan3A_9 to %scan3A_11 step %scan3A_12  : i32 {
      %mul3A = arith.constant 1 : i32
      %mul3A_15 = arith.muli %scan3A_14, %mul3A : i32
      %add3A = arith.constant 0 : i32
      %add3A_16 = arith.addi %add3A, %mul3A_15 : i32
      %add3A_17 = arith.constant 1 : i32
      %add3A_18 = arith.addi %add3A_16, %add3A_17 : i32
      %scan3A_19 = arith.constant 0 : i32
      %scan3A_20 = arith.constant 8 : i32
      %scan3A_21 = arith.addi %scan3A_19, %scan3A_20 : i32
      %scan3A_22 = arith.constant 1 : i32
      scf.for %scan3A_43 = %scan3A_19 to %scan3A_21 step %scan3A_22  : i32 {
        %mul3A_44 = arith.constant 1 : i32
        %mul3A_45 = arith.muli %scan3A_43, %mul3A_44 : i32
        %add3A_46 = arith.constant 0 : i32
        %add3A_47 = arith.addi %add3A_46, %mul3A_45 : i32
        %mul3A_48 = arith.constant 16 : i32
        %mul3A_49 = arith.muli %add3A_47, %mul3A_48 : i32
        %add3A_50 = arith.addi %mul3A_49, %arg1 : i32
        %lt3A = arith.constant 125 : i32
        %lt3A_51 = arith.cmpi slt, %add3A_50, %lt3A : i32
        %convert_element_type3A = arith.extui %lt3A_51 : i1 to i32
        %cond3A = arith.constant 0 : i32
        %cond3A_52 = arith.cmpi ne, %convert_element_type3A, %cond3A : i32
        scf.if %cond3A_52 {
          %mul3A_53 = arith.constant 3200 : i32
          %mul3A_54 = arith.muli %add3A_50, %mul3A_53 : i32
          %run_scoped3A = arith.constant 0 : i32
          "tpu.region"() ({
            %run_scoped3A_56 = tpu.sem_alloc : memref<!tpu.dma_semaphore, #tpu.memory_space<semaphore_mem>>
            %dma_start3A = tpu.memref_slice %arg4[%add3A_16, %run_scoped3A, %mul3A_54] : memref<7x1x400000xi32, #tpu.memory_space<hbm>> -> memref<1x1x3200xi32, #tpu.memory_space<hbm>>
            %dma_start3A_57 = tpu.memref_squeeze %dma_start3A : memref<1x1x3200xi32, #tpu.memory_space<hbm>> -> memref<3200xi32, #tpu.memory_space<hbm>>
            %dma_start3A_58 = tpu.memref_slice %arg4[%add3A_16, %run_scoped3A, %mul3A_54] : memref<7x1x400000xi32, #tpu.memory_space<hbm>> -> memref<1x1x3200xi32, #tpu.memory_space<hbm>>
            %dma_start3A_59 = tpu.memref_squeeze %dma_start3A_58 : memref<1x1x3200xi32, #tpu.memory_space<hbm>> -> memref<3200xi32, #tpu.memory_space<hbm>>
            tpu.enqueue_dma source(%dma_start3A_59 : memref<3200xi32, #tpu.memory_space<hbm>>) target(%arg13 : memref<3200xi32, #tpu.memory_space<vmem>>) target_semaphore(%run_scoped3A_56 : memref<!tpu.dma_semaphore, #tpu.memory_space<semaphore_mem>>)
            %dma_wait3A = tpu.memref_slice %arg4[%add3A_16, %run_scoped3A, %mul3A_54] : memref<7x1x400000xi32, #tpu.memory_space<hbm>> -> memref<1x1x3200xi32, #tpu.memory_space<hbm>>
            %dma_wait3A_60 = tpu.memref_squeeze %dma_wait3A : memref<1x1x3200xi32, #tpu.memory_space<hbm>> -> memref<3200xi32, #tpu.memory_space<hbm>>
            %dma_wait3A_61 = tpu.memref_slice %arg4[%add3A_16, %run_scoped3A, %mul3A_54] : memref<7x1x400000xi32, #tpu.memory_space<hbm>> -> memref<1x1x3200xi32, #tpu.memory_space<hbm>>
            %dma_wait3A_62 = tpu.memref_squeeze %dma_wait3A_61 : memref<1x1x3200xi32, #tpu.memory_space<hbm>> -> memref<3200xi32, #tpu.memory_space<hbm>>
            tpu.wait_dma2 semaphore(%run_scoped3A_56 : memref<!tpu.dma_semaphore, #tpu.memory_space<semaphore_mem>>) src(%dma_wait3A_62 : memref<3200xi32, #tpu.memory_space<hbm>>) dst(%arg13 : memref<3200xi32, #tpu.memory_space<vmem>>)
            tpu.yield
          }) : () -> ()
          %run_scoped3A_55 = arith.constant 0 : i32
          "tpu.region"() ({
            %run_scoped3A_56 = tpu.sem_alloc : memref<!tpu.dma_semaphore, #tpu.memory_space<semaphore_mem>>
            %dma_start3A = tpu.memref_slice %arg5[%add3A_16, %run_scoped3A_55, %mul3A_54] : memref<7x1x400000xi32, #tpu.memory_space<hbm>> -> memref<1x1x3200xi32, #tpu.memory_space<hbm>>
            %dma_start3A_57 = tpu.memref_squeeze %dma_start3A : memref<1x1x3200xi32, #tpu.memory_space<hbm>> -> memref<3200xi32, #tpu.memory_space<hbm>>
            %dma_start3A_58 = tpu.memref_slice %arg5[%add3A_16, %run_scoped3A_55, %mul3A_54] : memref<7x1x400000xi32, #tpu.memory_space<hbm>> -> memref<1x1x3200xi32, #tpu.memory_space<hbm>>
            %dma_start3A_59 = tpu.memref_squeeze %dma_start3A_58 : memref<1x1x3200xi32, #tpu.memory_space<hbm>> -> memref<3200xi32, #tpu.memory_space<hbm>>
            tpu.enqueue_dma source(%dma_start3A_59 : memref<3200xi32, #tpu.memory_space<hbm>>) target(%arg14 : memref<3200xi32, #tpu.memory_space<vmem>>) target_semaphore(%run_scoped3A_56 : memref<!tpu.dma_semaphore, #tpu.memory_space<semaphore_mem>>)
            %dma_wait3A = tpu.memref_slice %arg5[%add3A_16, %run_scoped3A_55, %mul3A_54] : memref<7x1x400000xi32, #tpu.memory_space<hbm>> -> memref<1x1x3200xi32, #tpu.memory_space<hbm>>
            %dma_wait3A_60 = tpu.memref_squeeze %dma_wait3A : memref<1x1x3200xi32, #tpu.memory_space<hbm>> -> memref<3200xi32, #tpu.memory_space<hbm>>
            %dma_wait3A_61 = tpu.memref_slice %arg5[%add3A_16, %run_scoped3A_55, %mul3A_54] : memref<7x1x400000xi32, #tpu.memory_space<hbm>> -> memref<1x1x3200xi32, #tpu.memory_space<hbm>>
            %dma_wait3A_62 = tpu.memref_squeeze %dma_wait3A_61 : memref<1x1x3200xi32, #tpu.memory_space<hbm>> -> memref<3200xi32, #tpu.memory_space<hbm>>
            tpu.wait_dma2 semaphore(%run_scoped3A_56 : memref<!tpu.dma_semaphore, #tpu.memory_space<semaphore_mem>>) src(%dma_wait3A_62 : memref<3200xi32, #tpu.memory_space<hbm>>) dst(%arg14 : memref<3200xi32, #tpu.memory_space<vmem>>)
            tpu.yield
          }) : () -> ()
          "tpu.region"() ({
            %run_scoped3A_56 = tpu.sem_alloc : memref<!tpu.dma_semaphore, #tpu.memory_space<semaphore_mem>>
            %dma_start3A = arith.constant 0 : i32
            %dma_start3A_57 = tpu.memref_slice %arg11[%dma_start3A] : memref<320000xf32, #tpu.memory_space<hbm>> -> memref<320000xf32, #tpu.memory_space<hbm>>
            tpu.enqueue_indirect_dma source(%dma_start3A_57 : memref<320000xf32, #tpu.memory_space<hbm>>) target(%arg15 : memref<3200xf32, #tpu.memory_space<vmem>>) offsets(%arg13 : memref<3200xi32, #tpu.memory_space<vmem>>) semaphore(%run_scoped3A_56 : memref<!tpu.dma_semaphore, #tpu.memory_space<semaphore_mem>>)
            %dma_wait3A = arith.constant 0 : i32
            %dma_wait3A_58 = tpu.memref_slice %arg11[%dma_wait3A] : memref<320000xf32, #tpu.memory_space<hbm>> -> memref<320000xf32, #tpu.memory_space<hbm>>
            tpu.wait_indirect_dma semaphore(%run_scoped3A_56 : memref<!tpu.dma_semaphore, #tpu.memory_space<semaphore_mem>>) src(%dma_wait3A_58 : memref<320000xf32, #tpu.memory_space<hbm>>) dst(%arg15 : memref<3200xf32, #tpu.memory_space<vmem>>)
            tpu.yield
          }) : () -> ()
          "tpu.region"() ({
            %run_scoped3A_56 = tpu.sem_alloc : memref<!tpu.dma_semaphore, #tpu.memory_space<semaphore_mem>>
            %dma_start3A = arith.constant 0 : i32
            %dma_start3A_57 = tpu.memref_slice %arg12[%dma_start3A] : memref<800000xf32, #tpu.memory_space<vmem_shared>> -> memref<800000xf32, #tpu.memory_space<vmem_shared>>
            tpu.enqueue_indirect_dma source(%arg15 : memref<3200xf32, #tpu.memory_space<vmem>>) target(%dma_start3A_57 : memref<800000xf32, #tpu.memory_space<vmem_shared>>) offsets(%arg14 : memref<3200xi32, #tpu.memory_space<vmem>>) semaphore(%run_scoped3A_56 : memref<!tpu.dma_semaphore, #tpu.memory_space<semaphore_mem>>) {add = true}
            %dma_wait3A = arith.constant 0 : i32
            %dma_wait3A_58 = tpu.memref_slice %arg12[%dma_wait3A] : memref<800000xf32, #tpu.memory_space<vmem_shared>> -> memref<800000xf32, #tpu.memory_space<vmem_shared>>
            tpu.wait_indirect_dma semaphore(%run_scoped3A_56 : memref<!tpu.dma_semaphore, #tpu.memory_space<semaphore_mem>>) src(%arg15 : memref<3200xf32, #tpu.memory_space<vmem>>) dst(%dma_wait3A_58 : memref<800000xf32, #tpu.memory_space<vmem_shared>>)
            tpu.yield
          }) : () -> ()
        } else {
        }
      }
      %scan3A_23 = arith.constant 8 : i32
      %barrier3A_24 = arith.constant 0 : index
      tpu.barrier barrier_id(%barrier3A_24)
      %scan3A_25 = arith.constant 0 : i32
      %scan3A_26 = arith.constant 25 : i32
      %scan3A_27 = arith.addi %scan3A_25, %scan3A_26 : i32
      %scan3A_28 = arith.constant 1 : i32
      scf.for %scan3A_43 = %scan3A_25 to %scan3A_27 step %scan3A_28  : i32 {
        %mul3A_44 = arith.constant 1 : i32
        %mul3A_45 = arith.muli %scan3A_43, %mul3A_44 : i32
        %add3A_46 = arith.constant 0 : i32
        %add3A_47 = arith.addi %add3A_46, %mul3A_45 : i32
        %mul3A_48 = arith.constant 2500 : i32
        %mul3A_49 = arith.muli %arg1, %mul3A_48 : i32
        %mul3A_50 = arith.constant 100 : i32
        %mul3A_51 = arith.muli %add3A_47, %mul3A_50 : i32
        %add3A_52 = arith.addi %mul3A_49, %mul3A_51 : i32
        %mul3A_53 = arith.constant 20 : i32
        %mul3A_54 = arith.muli %add3A_52, %mul3A_53 : i32
        %jit3A = arith.constant 8 : i32
        %div3A = arith.divsi %arg1, %jit3A : i32
        %sign3A = arith.constant 0 : i32
        %sign3A_55 = arith.cmpi sgt, %arg1, %sign3A : i32
        %sign3A_56 = arith.extui %sign3A_55 : i1 to i32
        %sign3A_57 = arith.constant 0 : i32
        %sign3A_58 = arith.cmpi slt, %arg1, %sign3A_57 : i32
        %sign3A_59 = arith.extui %sign3A_58 : i1 to i32
        %sign3A_60 = arith.subi %sign3A_56, %sign3A_59 : i32
        %sign3A_61 = arith.constant 0 : i32
        %sign3A_62 = arith.cmpi sgt, %jit3A, %sign3A_61 : i32
        %sign3A_63 = arith.extui %sign3A_62 : i1 to i32
        %sign3A_64 = arith.constant 0 : i32
        %sign3A_65 = arith.cmpi slt, %jit3A, %sign3A_64 : i32
        %sign3A_66 = arith.extui %sign3A_65 : i1 to i32
        %sign3A_67 = arith.subi %sign3A_63, %sign3A_66 : i32
        %ne3A = arith.cmpi ne, %sign3A_60, %sign3A_67 : i32
        %rem3A = arith.remsi %arg1, %jit3A : i32
        %ne3A_68 = arith.constant 0 : i32
        %ne3A_69 = arith.cmpi ne, %rem3A, %ne3A_68 : i32
        %and3A = arith.andi %ne3A, %ne3A_69 : i1
        %sub3A = arith.constant 1 : i32
        %sub3A_70 = arith.subi %div3A, %sub3A : i32
        %select_n3A = arith.select %and3A, %sub3A_70, %div3A : i32
        %mul3A_71 = arith.constant 20000 : i32
        %mul3A_72 = arith.muli %select_n3A, %mul3A_71 : i32
        %sub3A_73 = arith.subi %add3A_52, %mul3A_72 : i32
        %mul3A_74 = arith.constant 8 : i32
        %mul3A_75 = arith.muli %select_n3A, %mul3A_74 : i32
        %add3A_76 = arith.addi %mul3A_75, %add3A_18 : i32
        %mul3A_77 = arith.constant 20000 : i32
        %mul3A_78 = arith.muli %add3A_76, %mul3A_77 : i32
        %add3A_79 = arith.addi %mul3A_78, %sub3A_73 : i32
        "tpu.region"() ({
          %run_scoped3A = tpu.sem_alloc : memref<!tpu.dma_semaphore, #tpu.memory_space<semaphore_mem>>
          %dma_start3A = tpu.memref_slice %arg12[%mul3A_54] : memref<800000xf32, #tpu.memory_space<vmem_shared>> -> memref<2000xf32, #tpu.memory_space<vmem_shared>>
          %dma_start3A_199 = tpu.memref_slice %arg12[%mul3A_54] : memref<800000xf32, #tpu.memory_space<vmem_shared>> -> memref<2000xf32, #tpu.memory_space<vmem_shared>>
          tpu.enqueue_dma source(%dma_start3A_199 : memref<2000xf32, #tpu.memory_space<vmem_shared>>) target(%arg16 : memref<2000xf32, #tpu.memory_space<vmem>>) target_semaphore(%run_scoped3A : memref<!tpu.dma_semaphore, #tpu.memory_space<semaphore_mem>>)
          %dma_wait3A = tpu.memref_slice %arg12[%mul3A_54] : memref<800000xf32, #tpu.memory_space<vmem_shared>> -> memref<2000xf32, #tpu.memory_space<vmem_shared>>
          %dma_wait3A_200 = tpu.memref_slice %arg12[%mul3A_54] : memref<800000xf32, #tpu.memory_space<vmem_shared>> -> memref<2000xf32, #tpu.memory_space<vmem_shared>>
          tpu.wait_dma2 semaphore(%run_scoped3A : memref<!tpu.dma_semaphore, #tpu.memory_space<semaphore_mem>>) src(%dma_wait3A_200 : memref<2000xf32, #tpu.memory_space<vmem_shared>>) dst(%arg16 : memref<2000xf32, #tpu.memory_space<vmem>>)
          tpu.yield
        }) : () -> ()
        %mul3A_80 = arith.constant 6 : i32
        %mul3A_81 = arith.muli %add3A_16, %mul3A_80 : i32
        %add3A_82 = arith.constant 0 : i32
        %add3A_83 = arith.addi %mul3A_81, %add3A_82 : i32
        %mul3A_84 = arith.constant 800000 : i32
        %mul3A_85 = arith.muli %add3A_83, %mul3A_84 : i32
        %add3A_86 = arith.addi %mul3A_85, %mul3A_54 : i32
        "tpu.region"() ({
          %run_scoped3A = tpu.sem_alloc : memref<!tpu.dma_semaphore, #tpu.memory_space<semaphore_mem>>
          %dma_start3A = tpu.memref_slice %arg6[%add3A_86] : memref<33600000xf32, #tpu.memory_space<hbm>> -> memref<2000xf32, #tpu.memory_space<hbm>>
          %dma_start3A_199 = tpu.memref_slice %arg6[%add3A_86] : memref<33600000xf32, #tpu.memory_space<hbm>> -> memref<2000xf32, #tpu.memory_space<hbm>>
          tpu.enqueue_dma source(%dma_start3A_199 : memref<2000xf32, #tpu.memory_space<hbm>>) target(%arg18 : memref<2000xf32, #tpu.memory_space<vmem>>) target_semaphore(%run_scoped3A : memref<!tpu.dma_semaphore, #tpu.memory_space<semaphore_mem>>)
          %dma_wait3A = tpu.memref_slice %arg6[%add3A_86] : memref<33600000xf32, #tpu.memory_space<hbm>> -> memref<2000xf32, #tpu.memory_space<hbm>>
          %dma_wait3A_200 = tpu.memref_slice %arg6[%add3A_86] : memref<33600000xf32, #tpu.memory_space<hbm>> -> memref<2000xf32, #tpu.memory_space<hbm>>
          tpu.wait_dma2 semaphore(%run_scoped3A : memref<!tpu.dma_semaphore, #tpu.memory_space<semaphore_mem>>) src(%dma_wait3A_200 : memref<2000xf32, #tpu.memory_space<hbm>>) dst(%arg18 : memref<2000xf32, #tpu.memory_space<vmem>>)
          tpu.yield
        }) : () -> ()
        %mul3A_87 = arith.constant 6 : i32
        %mul3A_88 = arith.muli %add3A_16, %mul3A_87 : i32
        %add3A_89 = arith.constant 1 : i32
        %add3A_90 = arith.addi %mul3A_88, %add3A_89 : i32
        %mul3A_91 = arith.constant 800000 : i32
        %mul3A_92 = arith.muli %add3A_90, %mul3A_91 : i32
        %add3A_93 = arith.addi %mul3A_92, %mul3A_54 : i32
        "tpu.region"() ({
          %run_scoped3A = tpu.sem_alloc : memref<!tpu.dma_semaphore, #tpu.memory_space<semaphore_mem>>
          %dma_start3A = tpu.memref_slice %arg6[%add3A_93] : memref<33600000xf32, #tpu.memory_space<hbm>> -> memref<2000xf32, #tpu.memory_space<hbm>>
          %dma_start3A_199 = tpu.memref_slice %arg6[%add3A_93] : memref<33600000xf32, #tpu.memory_space<hbm>> -> memref<2000xf32, #tpu.memory_space<hbm>>
          tpu.enqueue_dma source(%dma_start3A_199 : memref<2000xf32, #tpu.memory_space<hbm>>) target(%arg19 : memref<2000xf32, #tpu.memory_space<vmem>>) target_semaphore(%run_scoped3A : memref<!tpu.dma_semaphore, #tpu.memory_space<semaphore_mem>>)
          %dma_wait3A = tpu.memref_slice %arg6[%add3A_93] : memref<33600000xf32, #tpu.memory_space<hbm>> -> memref<2000xf32, #tpu.memory_space<hbm>>
          %dma_wait3A_200 = tpu.memref_slice %arg6[%add3A_93] : memref<33600000xf32, #tpu.memory_space<hbm>> -> memref<2000xf32, #tpu.memory_space<hbm>>
          tpu.wait_dma2 semaphore(%run_scoped3A : memref<!tpu.dma_semaphore, #tpu.memory_space<semaphore_mem>>) src(%dma_wait3A_200 : memref<2000xf32, #tpu.memory_space<hbm>>) dst(%arg19 : memref<2000xf32, #tpu.memory_space<vmem>>)
          tpu.yield
        }) : () -> ()
        %mul3A_94 = arith.constant 6 : i32
        %mul3A_95 = arith.muli %add3A_16, %mul3A_94 : i32
        %add3A_96 = arith.constant 2 : i32
        %add3A_97 = arith.addi %mul3A_95, %add3A_96 : i32
        %mul3A_98 = arith.constant 800000 : i32
        %mul3A_99 = arith.muli %add3A_97, %mul3A_98 : i32
        %add3A_100 = arith.addi %mul3A_99, %mul3A_54 : i32
        "tpu.region"() ({
          %run_scoped3A = tpu.sem_alloc : memref<!tpu.dma_semaphore, #tpu.memory_space<semaphore_mem>>
          %dma_start3A = tpu.memref_slice %arg6[%add3A_100] : memref<33600000xf32, #tpu.memory_space<hbm>> -> memref<2000xf32, #tpu.memory_space<hbm>>
          %dma_start3A_199 = tpu.memref_slice %arg6[%add3A_100] : memref<33600000xf32, #tpu.memory_space<hbm>> -> memref<2000xf32, #tpu.memory_space<hbm>>
          tpu.enqueue_dma source(%dma_start3A_199 : memref<2000xf32, #tpu.memory_space<hbm>>) target(%arg20 : memref<2000xf32, #tpu.memory_space<vmem>>) target_semaphore(%run_scoped3A : memref<!tpu.dma_semaphore, #tpu.memory_space<semaphore_mem>>)
          %dma_wait3A = tpu.memref_slice %arg6[%add3A_100] : memref<33600000xf32, #tpu.memory_space<hbm>> -> memref<2000xf32, #tpu.memory_space<hbm>>
          %dma_wait3A_200 = tpu.memref_slice %arg6[%add3A_100] : memref<33600000xf32, #tpu.memory_space<hbm>> -> memref<2000xf32, #tpu.memory_space<hbm>>
          tpu.wait_dma2 semaphore(%run_scoped3A : memref<!tpu.dma_semaphore, #tpu.memory_space<semaphore_mem>>) src(%dma_wait3A_200 : memref<2000xf32, #tpu.memory_space<hbm>>) dst(%arg20 : memref<2000xf32, #tpu.memory_space<vmem>>)
          tpu.yield
        }) : () -> ()
        %mul3A_101 = arith.constant 6 : i32
        %mul3A_102 = arith.muli %add3A_16, %mul3A_101 : i32
        %add3A_103 = arith.constant 3 : i32
        %add3A_104 = arith.addi %mul3A_102, %add3A_103 : i32
        %mul3A_105 = arith.constant 800000 : i32
        %mul3A_106 = arith.muli %add3A_104, %mul3A_105 : i32
        %add3A_107 = arith.addi %mul3A_106, %mul3A_54 : i32
        "tpu.region"() ({
          %run_scoped3A = tpu.sem_alloc : memref<!tpu.dma_semaphore, #tpu.memory_space<semaphore_mem>>
          %dma_start3A = tpu.memref_slice %arg6[%add3A_107] : memref<33600000xf32, #tpu.memory_space<hbm>> -> memref<2000xf32, #tpu.memory_space<hbm>>
          %dma_start3A_199 = tpu.memref_slice %arg6[%add3A_107] : memref<33600000xf32, #tpu.memory_space<hbm>> -> memref<2000xf32, #tpu.memory_space<hbm>>
          tpu.enqueue_dma source(%dma_start3A_199 : memref<2000xf32, #tpu.memory_space<hbm>>) target(%arg21 : memref<2000xf32, #tpu.memory_space<vmem>>) target_semaphore(%run_scoped3A : memref<!tpu.dma_semaphore, #tpu.memory_space<semaphore_mem>>)
          %dma_wait3A = tpu.memref_slice %arg6[%add3A_107] : memref<33600000xf32, #tpu.memory_space<hbm>> -> memref<2000xf32, #tpu.memory_space<hbm>>
          %dma_wait3A_200 = tpu.memref_slice %arg6[%add3A_107] : memref<33600000xf32, #tpu.memory_space<hbm>> -> memref<2000xf32, #tpu.memory_space<hbm>>
          tpu.wait_dma2 semaphore(%run_scoped3A : memref<!tpu.dma_semaphore, #tpu.memory_space<semaphore_mem>>) src(%dma_wait3A_200 : memref<2000xf32, #tpu.memory_space<hbm>>) dst(%arg21 : memref<2000xf32, #tpu.memory_space<vmem>>)
          tpu.yield
        }) : () -> ()
        %mul3A_108 = arith.constant 6 : i32
        %mul3A_109 = arith.muli %add3A_16, %mul3A_108 : i32
        %add3A_110 = arith.constant 4 : i32
        %add3A_111 = arith.addi %mul3A_109, %add3A_110 : i32
        %mul3A_112 = arith.constant 800000 : i32
        %mul3A_113 = arith.muli %add3A_111, %mul3A_112 : i32
        %add3A_114 = arith.addi %mul3A_113, %mul3A_54 : i32
        "tpu.region"() ({
          %run_scoped3A = tpu.sem_alloc : memref<!tpu.dma_semaphore, #tpu.memory_space<semaphore_mem>>
          %dma_start3A = tpu.memref_slice %arg6[%add3A_114] : memref<33600000xf32, #tpu.memory_space<hbm>> -> memref<2000xf32, #tpu.memory_space<hbm>>
          %dma_start3A_199 = tpu.memref_slice %arg6[%add3A_114] : memref<33600000xf32, #tpu.memory_space<hbm>> -> memref<2000xf32, #tpu.memory_space<hbm>>
          tpu.enqueue_dma source(%dma_start3A_199 : memref<2000xf32, #tpu.memory_space<hbm>>) target(%arg22 : memref<2000xf32, #tpu.memory_space<vmem>>) target_semaphore(%run_scoped3A : memref<!tpu.dma_semaphore, #tpu.memory_space<semaphore_mem>>)
          %dma_wait3A = tpu.memref_slice %arg6[%add3A_114] : memref<33600000xf32, #tpu.memory_space<hbm>> -> memref<2000xf32, #tpu.memory_space<hbm>>
          %dma_wait3A_200 = tpu.memref_slice %arg6[%add3A_114] : memref<33600000xf32, #tpu.memory_space<hbm>> -> memref<2000xf32, #tpu.memory_space<hbm>>
          tpu.wait_dma2 semaphore(%run_scoped3A : memref<!tpu.dma_semaphore, #tpu.memory_space<semaphore_mem>>) src(%dma_wait3A_200 : memref<2000xf32, #tpu.memory_space<hbm>>) dst(%arg22 : memref<2000xf32, #tpu.memory_space<vmem>>)
          tpu.yield
        }) : () -> ()
        %mul3A_115 = arith.constant 6 : i32
        %mul3A_116 = arith.muli %add3A_16, %mul3A_115 : i32
        %add3A_117 = arith.constant 5 : i32
        %add3A_118 = arith.addi %mul3A_116, %add3A_117 : i32
        %mul3A_119 = arith.constant 800000 : i32
        %mul3A_120 = arith.muli %add3A_118, %mul3A_119 : i32
        %add3A_121 = arith.addi %mul3A_120, %mul3A_54 : i32
        "tpu.region"() ({
          %run_scoped3A = tpu.sem_alloc : memref<!tpu.dma_semaphore, #tpu.memory_space<semaphore_mem>>
          %dma_start3A = tpu.memref_slice %arg6[%add3A_121] : memref<33600000xf32, #tpu.memory_space<hbm>> -> memref<2000xf32, #tpu.memory_space<hbm>>
          %dma_start3A_199 = tpu.memref_slice %arg6[%add3A_121] : memref<33600000xf32, #tpu.memory_space<hbm>> -> memref<2000xf32, #tpu.memory_space<hbm>>
          tpu.enqueue_dma source(%dma_start3A_199 : memref<2000xf32, #tpu.memory_space<hbm>>) target(%arg23 : memref<2000xf32, #tpu.memory_space<vmem>>) target_semaphore(%run_scoped3A : memref<!tpu.dma_semaphore, #tpu.memory_space<semaphore_mem>>)
          %dma_wait3A = tpu.memref_slice %arg6[%add3A_121] : memref<33600000xf32, #tpu.memory_space<hbm>> -> memref<2000xf32, #tpu.memory_space<hbm>>
          %dma_wait3A_200 = tpu.memref_slice %arg6[%add3A_121] : memref<33600000xf32, #tpu.memory_space<hbm>> -> memref<2000xf32, #tpu.memory_space<hbm>>
          tpu.wait_dma2 semaphore(%run_scoped3A : memref<!tpu.dma_semaphore, #tpu.memory_space<semaphore_mem>>) src(%dma_wait3A_200 : memref<2000xf32, #tpu.memory_space<hbm>>) dst(%arg23 : memref<2000xf32, #tpu.memory_space<vmem>>)
          tpu.yield
        }) : () -> ()
        %jit3A_122 = arith.constant 8 : i32
        %div3A_123 = arith.divsi %add3A_79, %jit3A_122 : i32
        %sign3A_124 = arith.constant 0 : i32
        %sign3A_125 = arith.cmpi sgt, %add3A_79, %sign3A_124 : i32
        %sign3A_126 = arith.extui %sign3A_125 : i1 to i32
        %sign3A_127 = arith.constant 0 : i32
        %sign3A_128 = arith.cmpi slt, %add3A_79, %sign3A_127 : i32
        %sign3A_129 = arith.extui %sign3A_128 : i1 to i32
        %sign3A_130 = arith.subi %sign3A_126, %sign3A_129 : i32
        %sign3A_131 = arith.constant 0 : i32
        %sign3A_132 = arith.cmpi sgt, %jit3A_122, %sign3A_131 : i32
        %sign3A_133 = arith.extui %sign3A_132 : i1 to i32
        %sign3A_134 = arith.constant 0 : i32
        %sign3A_135 = arith.cmpi slt, %jit3A_122, %sign3A_134 : i32
        %sign3A_136 = arith.extui %sign3A_135 : i1 to i32
        %sign3A_137 = arith.subi %sign3A_133, %sign3A_136 : i32
        %ne3A_138 = arith.cmpi ne, %sign3A_130, %sign3A_137 : i32
        %rem3A_139 = arith.remsi %add3A_79, %jit3A_122 : i32
        %ne3A_140 = arith.constant 0 : i32
        %ne3A_141 = arith.cmpi ne, %rem3A_139, %ne3A_140 : i32
        %and3A_142 = arith.andi %ne3A_138, %ne3A_141 : i1
        %sub3A_143 = arith.constant 1 : i32
        %sub3A_144 = arith.subi %div3A_123, %sub3A_143 : i32
        %select_n3A_145 = arith.select %and3A_142, %sub3A_144, %div3A_123 : i32
        %mul3A_146 = arith.constant 8 : i32
        %mul3A_147 = arith.muli %select_n3A_145, %mul3A_146 : i32
        %sub3A_148 = arith.subi %add3A_79, %mul3A_147 : i32
        "tpu.region"() ({
          %run_scoped3A = tpu.sem_alloc : memref<!tpu.dma_semaphore, #tpu.memory_space<semaphore_mem>>
          %dma_start3A = tpu.memref_slice %arg7[%mul3A_147] : memref<320000xf32, #tpu.memory_space<hbm>> -> memref<108xf32, #tpu.memory_space<hbm>>
          %dma_start3A_199 = tpu.memref_slice %arg7[%mul3A_147] : memref<320000xf32, #tpu.memory_space<hbm>> -> memref<108xf32, #tpu.memory_space<hbm>>
          tpu.enqueue_dma source(%dma_start3A_199 : memref<108xf32, #tpu.memory_space<hbm>>) target(%arg24 : memref<108xf32, #tpu.memory_space<vmem>>) target_semaphore(%run_scoped3A : memref<!tpu.dma_semaphore, #tpu.memory_space<semaphore_mem>>)
          %dma_wait3A = tpu.memref_slice %arg7[%mul3A_147] : memref<320000xf32, #tpu.memory_space<hbm>> -> memref<108xf32, #tpu.memory_space<hbm>>
          %dma_wait3A_200 = tpu.memref_slice %arg7[%mul3A_147] : memref<320000xf32, #tpu.memory_space<hbm>> -> memref<108xf32, #tpu.memory_space<hbm>>
          tpu.wait_dma2 semaphore(%run_scoped3A : memref<!tpu.dma_semaphore, #tpu.memory_space<semaphore_mem>>) src(%dma_wait3A_200 : memref<108xf32, #tpu.memory_space<hbm>>) dst(%arg24 : memref<108xf32, #tpu.memory_space<vmem>>)
          tpu.yield
        }) : () -> ()
        %mul3A_149 = arith.constant 4 : i32
        %mul3A_150 = arith.muli %add3A_79, %mul3A_149 : i32
        "tpu.region"() ({
          %run_scoped3A = tpu.sem_alloc : memref<!tpu.dma_semaphore, #tpu.memory_space<semaphore_mem>>
          %dma_start3A = tpu.memref_slice %arg8[%mul3A_150] : memref<1280000xf32, #tpu.memory_space<hbm>> -> memref<400xf32, #tpu.memory_space<hbm>>
          %dma_start3A_199 = tpu.memref_slice %arg8[%mul3A_150] : memref<1280000xf32, #tpu.memory_space<hbm>> -> memref<400xf32, #tpu.memory_space<hbm>>
          tpu.enqueue_dma source(%dma_start3A_199 : memref<400xf32, #tpu.memory_space<hbm>>) target(%arg25 : memref<400xf32, #tpu.memory_space<vmem>>) target_semaphore(%run_scoped3A : memref<!tpu.dma_semaphore, #tpu.memory_space<semaphore_mem>>)
          %dma_wait3A = tpu.memref_slice %arg8[%mul3A_150] : memref<1280000xf32, #tpu.memory_space<hbm>> -> memref<400xf32, #tpu.memory_space<hbm>>
          %dma_wait3A_200 = tpu.memref_slice %arg8[%mul3A_150] : memref<1280000xf32, #tpu.memory_space<hbm>> -> memref<400xf32, #tpu.memory_space<hbm>>
          tpu.wait_dma2 semaphore(%run_scoped3A : memref<!tpu.dma_semaphore, #tpu.memory_space<semaphore_mem>>) src(%dma_wait3A_200 : memref<400xf32, #tpu.memory_space<hbm>>) dst(%arg25 : memref<400xf32, #tpu.memory_space<vmem>>)
          tpu.yield
        }) : () -> ()
        %scan3A_151 = arith.constant 0 : i32
        %scan3A_152 = arith.constant 125 : i32
        %scan3A_153 = arith.addi %scan3A_151, %scan3A_152 : i32
        %scan3A_154 = arith.constant 1 : i32
        scf.for %scan3A_199 = %scan3A_151 to %scan3A_153 step %scan3A_154  : i32 {
          %mul3A_200 = arith.constant 16 : i32
          %mul3A_201 = arith.muli %scan3A_199, %mul3A_200 : i32
          %add3A_202 = arith.constant 0 : i32
          %add3A_203 = arith.addi %add3A_202, %mul3A_201 : i32
          %add3A_204 = vector.broadcast %add3A_203 : i32 to vector<16xi32>
          %add3A_205 = arith.addi %add3A_204, %iota3A : vector<16xi32>
          %jit3A_206 = arith.constant 20 : i32
          %div3A_207 = vector.broadcast %jit3A_206 : i32 to vector<16xi32>
          %div3A_208 = arith.divsi %add3A_205, %div3A_207 : vector<16xi32>
          %sign3A_209 = arith.constant 0 : i32
          %sign3A_210 = vector.broadcast %sign3A_209 : i32 to vector<16xi32>
          %sign3A_211 = arith.cmpi sgt, %add3A_205, %sign3A_210 : vector<16xi32>
          %sign3A_212 = arith.extui %sign3A_211 : vector<16xi1> to vector<16xi32>
          %sign3A_213 = arith.constant 0 : i32
          %sign3A_214 = vector.broadcast %sign3A_213 : i32 to vector<16xi32>
          %sign3A_215 = arith.cmpi slt, %add3A_205, %sign3A_214 : vector<16xi32>
          %sign3A_216 = arith.extui %sign3A_215 : vector<16xi1> to vector<16xi32>
          %sign3A_217 = arith.subi %sign3A_212, %sign3A_216 : vector<16xi32>
          %sign3A_218 = arith.constant 0 : i32
          %sign3A_219 = arith.cmpi sgt, %jit3A_206, %sign3A_218 : i32
          %sign3A_220 = arith.extui %sign3A_219 : i1 to i32
          %sign3A_221 = arith.constant 0 : i32
          %sign3A_222 = arith.cmpi slt, %jit3A_206, %sign3A_221 : i32
          %sign3A_223 = arith.extui %sign3A_222 : i1 to i32
          %sign3A_224 = arith.subi %sign3A_220, %sign3A_223 : i32
          %ne3A_225 = vector.broadcast %sign3A_224 : i32 to vector<16xi32>
          %ne3A_226 = arith.cmpi ne, %sign3A_217, %ne3A_225 : vector<16xi32>
          %rem3A_227 = vector.broadcast %jit3A_206 : i32 to vector<16xi32>
          %rem3A_228 = arith.remsi %add3A_205, %rem3A_227 : vector<16xi32>
          %ne3A_229 = arith.constant 0 : i32
          %ne3A_230 = vector.broadcast %ne3A_229 : i32 to vector<16xi32>
          %ne3A_231 = arith.cmpi ne, %rem3A_228, %ne3A_230 : vector<16xi32>
          %and3A_232 = arith.andi %ne3A_226, %ne3A_231 : vector<16xi1>
          %sub3A_233 = arith.constant 1 : i32
          %sub3A_234 = vector.broadcast %sub3A_233 : i32 to vector<16xi32>
          %sub3A_235 = arith.subi %div3A_208, %sub3A_234 : vector<16xi32>
          %select_n3A_236 = arith.select %and3A_232, %sub3A_235, %div3A_208 : vector<16xi1>, vector<16xi32>
          %add3A_237 = vector.broadcast %sub3A_148 : i32 to vector<16xi32>
          %add3A_238 = arith.addi %select_n3A_236, %add3A_237 : vector<16xi32>
          %gather3A = tpu.vector_load_idx %arg24[%add3A_238] : memref<108xf32, #tpu.memory_space<vmem>>[vector<16xi32>], vector<16xf32>,
          %get3A = arith.index_cast %add3A_203 : i32 to index
          %get3A_239 = tpu.vector_load %arg16[%get3A] {strides = array<i32>} : memref<2000xf32, #tpu.memory_space<vmem>>, vector<16xf32>,
          %get3A_240 = arith.index_cast %add3A_203 : i32 to index
          %get3A_241 = tpu.vector_load %arg18[%get3A_240] {strides = array<i32>} : memref<2000xf32, #tpu.memory_space<vmem>>, vector<16xf32>,
          %get3A_242 = arith.index_cast %add3A_203 : i32 to index
          %get3A_243 = tpu.vector_load %arg19[%get3A_242] {strides = array<i32>} : memref<2000xf32, #tpu.memory_space<vmem>>, vector<16xf32>,
          %get3A_244 = arith.index_cast %add3A_203 : i32 to index
          %get3A_245 = tpu.vector_load %arg20[%get3A_244] {strides = array<i32>} : memref<2000xf32, #tpu.memory_space<vmem>>, vector<16xf32>,
          %get3A_246 = arith.index_cast %add3A_203 : i32 to index
          %get3A_247 = tpu.vector_load %arg21[%get3A_246] {strides = array<i32>} : memref<2000xf32, #tpu.memory_space<vmem>>, vector<16xf32>,
          %get3A_248 = arith.index_cast %add3A_203 : i32 to index
          %get3A_249 = tpu.vector_load %arg22[%get3A_248] {strides = array<i32>} : memref<2000xf32, #tpu.memory_space<vmem>>, vector<16xf32>,
          %get3A_250 = arith.index_cast %add3A_203 : i32 to index
          %get3A_251 = tpu.vector_load %arg23[%get3A_250] {strides = array<i32>} : memref<2000xf32, #tpu.memory_space<vmem>>, vector<16xf32>,
          %mul3A_252 = arith.mulf %get3A_239, %get3A_249 : vector<16xf32>
          %mul3A_253 = arith.mulf %gather3A, %get3A_247 : vector<16xf32>
          %add3A_254 = arith.addf %mul3A_252, %mul3A_253 : vector<16xf32>
          %add3A_255 = arith.addf %add3A_254, %get3A_251 : vector<16xf32>
          %swap3A = arith.index_cast %add3A_203 : i32 to index
          %swap3A_256 = tpu.vector_load %arg17[%swap3A] {strides = array<i32>} : memref<2000xf32, #tpu.memory_space<vmem>>, vector<16xf32>,
          tpu.vector_store %arg17[%swap3A], %add3A_255 {strides = array<i32>} : memref<2000xf32, #tpu.memory_space<vmem>>, vector<16xf32>,
          %mul3A_257 = arith.mulf %get3A_239, %get3A_243 : vector<16xf32>
          %mul3A_258 = arith.mulf %gather3A, %get3A_241 : vector<16xf32>
          %add3A_259 = arith.addf %mul3A_257, %mul3A_258 : vector<16xf32>
          %add3A_260 = arith.addf %add3A_259, %get3A_245 : vector<16xf32>
          %swap3A_261 = arith.index_cast %add3A_203 : i32 to index
          %swap3A_262 = tpu.vector_load %arg16[%swap3A_261] {strides = array<i32>} : memref<2000xf32, #tpu.memory_space<vmem>>, vector<16xf32>,
          tpu.vector_store %arg16[%swap3A_261], %add3A_260 {strides = array<i32>} : memref<2000xf32, #tpu.memory_space<vmem>>, vector<16xf32>,
        }
        %scan3A_155 = arith.constant 125 : i32
        "tpu.region"() ({
          %run_scoped3A = tpu.sem_alloc : memref<!tpu.dma_semaphore, #tpu.memory_space<semaphore_mem>>
          %dma_start3A = tpu.memref_slice %arg12[%mul3A_54] : memref<800000xf32, #tpu.memory_space<vmem_shared>> -> memref<2000xf32, #tpu.memory_space<vmem_shared>>
          %dma_start3A_199 = tpu.memref_slice %arg12[%mul3A_54] : memref<800000xf32, #tpu.memory_space<vmem_shared>> -> memref<2000xf32, #tpu.memory_space<vmem_shared>>
          tpu.enqueue_dma source(%arg17 : memref<2000xf32, #tpu.memory_space<vmem>>) target(%dma_start3A_199 : memref<2000xf32, #tpu.memory_space<vmem_shared>>) target_semaphore(%run_scoped3A : memref<!tpu.dma_semaphore, #tpu.memory_space<semaphore_mem>>)
          %dma_wait3A = tpu.memref_slice %arg12[%mul3A_54] : memref<800000xf32, #tpu.memory_space<vmem_shared>> -> memref<2000xf32, #tpu.memory_space<vmem_shared>>
          %dma_wait3A_200 = tpu.memref_slice %arg12[%mul3A_54] : memref<800000xf32, #tpu.memory_space<vmem_shared>> -> memref<2000xf32, #tpu.memory_space<vmem_shared>>
          tpu.wait_dma2 semaphore(%run_scoped3A : memref<!tpu.dma_semaphore, #tpu.memory_space<semaphore_mem>>) src(%arg17 : memref<2000xf32, #tpu.memory_space<vmem>>) dst(%dma_wait3A_200 : memref<2000xf32, #tpu.memory_space<vmem_shared>>)
          tpu.yield
        }) : () -> ()
        %jit3A_156 = arith.constant 8 : i32
        %div3A_157 = arith.divsi %arg1, %jit3A_156 : i32
        %sign3A_158 = arith.constant 0 : i32
        %sign3A_159 = arith.cmpi sgt, %arg1, %sign3A_158 : i32
        %sign3A_160 = arith.extui %sign3A_159 : i1 to i32
        %sign3A_161 = arith.constant 0 : i32
        %sign3A_162 = arith.cmpi slt, %arg1, %sign3A_161 : i32
        %sign3A_163 = arith.extui %sign3A_162 : i1 to i32
        %sign3A_164 = arith.subi %sign3A_160, %sign3A_163 : i32
        %sign3A_165 = arith.constant 0 : i32
        %sign3A_166 = arith.cmpi sgt, %jit3A_156, %sign3A_165 : i32
        %sign3A_167 = arith.extui %sign3A_166 : i1 to i32
        %sign3A_168 = arith.constant 0 : i32
        %sign3A_169 = arith.cmpi slt, %jit3A_156, %sign3A_168 : i32
        %sign3A_170 = arith.extui %sign3A_169 : i1 to i32
        %sign3A_171 = arith.subi %sign3A_167, %sign3A_170 : i32
        %ne3A_172 = arith.cmpi ne, %sign3A_164, %sign3A_171 : i32
        %rem3A_173 = arith.remsi %arg1, %jit3A_156 : i32
        %ne3A_174 = arith.constant 0 : i32
        %ne3A_175 = arith.cmpi ne, %rem3A_173, %ne3A_174 : i32
        %and3A_176 = arith.andi %ne3A_172, %ne3A_175 : i1
        %sub3A_177 = arith.constant 1 : i32
        %sub3A_178 = arith.subi %div3A_157, %sub3A_177 : i32
        %select_n3A_179 = arith.select %and3A_176, %sub3A_178, %div3A_157 : i32
        %scan3A_180 = arith.constant 0 : i32
        %scan3A_181 = arith.constant 25 : i32
        %scan3A_182 = arith.addi %scan3A_180, %scan3A_181 : i32
        %scan3A_183 = arith.constant 1 : i32
        scf.for %scan3A_199 = %scan3A_180 to %scan3A_182 step %scan3A_183  : i32 {
          %mul3A_200 = arith.constant 16 : i32
          %mul3A_201 = arith.muli %scan3A_199, %mul3A_200 : i32
          %add3A_202 = arith.constant 0 : i32
          %add3A_203 = arith.addi %add3A_202, %mul3A_201 : i32
          %add3A_204 = vector.broadcast %add3A_203 : i32 to vector<16xi32>
          %add3A_205 = arith.addi %add3A_204, %iota3A : vector<16xi32>
          %mul3A_206 = arith.constant 5 : i32
          %mul3A_207 = vector.broadcast %mul3A_206 : i32 to vector<16xi32>
          %mul3A_208 = arith.muli %add3A_205, %mul3A_207 : vector<16xi32>
          %add3A_209 = arith.constant 0 : i32
          %add3A_210 = vector.broadcast %add3A_209 : i32 to vector<16xi32>
          %add3A_211 = arith.addi %mul3A_208, %add3A_210 : vector<16xi32>
          %gather3A = tpu.vector_load_idx %arg16[%add3A_211] : memref<2000xf32, #tpu.memory_space<vmem>>[vector<16xi32>], vector<16xf32>,
          %mul3A_212 = arith.constant 5 : i32
          %mul3A_213 = vector.broadcast %mul3A_212 : i32 to vector<16xi32>
          %mul3A_214 = arith.muli %add3A_205, %mul3A_213 : vector<16xi32>
          %add3A_215 = arith.constant 1 : i32
          %add3A_216 = vector.broadcast %add3A_215 : i32 to vector<16xi32>
          %add3A_217 = arith.addi %mul3A_214, %add3A_216 : vector<16xi32>
          %gather3A_218 = tpu.vector_load_idx %arg16[%add3A_217] : memref<2000xf32, #tpu.memory_space<vmem>>[vector<16xi32>], vector<16xf32>,
          %mul3A_219 = arith.constant 5 : i32
          %mul3A_220 = vector.broadcast %mul3A_219 : i32 to vector<16xi32>
          %mul3A_221 = arith.muli %add3A_205, %mul3A_220 : vector<16xi32>
          %add3A_222 = arith.constant 2 : i32
          %add3A_223 = vector.broadcast %add3A_222 : i32 to vector<16xi32>
          %add3A_224 = arith.addi %mul3A_221, %add3A_223 : vector<16xi32>
          %gather3A_225 = tpu.vector_load_idx %arg16[%add3A_224] : memref<2000xf32, #tpu.memory_space<vmem>>[vector<16xi32>], vector<16xf32>,
          %mul3A_226 = arith.constant 5 : i32
          %mul3A_227 = vector.broadcast %mul3A_226 : i32 to vector<16xi32>
          %mul3A_228 = arith.muli %add3A_205, %mul3A_227 : vector<16xi32>
          %add3A_229 = arith.constant 3 : i32
          %add3A_230 = vector.broadcast %add3A_229 : i32 to vector<16xi32>
          %add3A_231 = arith.addi %mul3A_228, %add3A_230 : vector<16xi32>
          %gather3A_232 = tpu.vector_load_idx %arg16[%add3A_231] : memref<2000xf32, #tpu.memory_space<vmem>>[vector<16xi32>], vector<16xf32>,
          %mul3A_233 = arith.constant 5 : i32
          %mul3A_234 = vector.broadcast %mul3A_233 : i32 to vector<16xi32>
          %mul3A_235 = arith.muli %add3A_205, %mul3A_234 : vector<16xi32>
          %add3A_236 = arith.constant 4 : i32
          %add3A_237 = vector.broadcast %add3A_236 : i32 to vector<16xi32>
          %add3A_238 = arith.addi %mul3A_235, %add3A_237 : vector<16xi32>
          %gather3A_239 = tpu.vector_load_idx %arg16[%add3A_238] : memref<2000xf32, #tpu.memory_space<vmem>>[vector<16xi32>], vector<16xf32>,
          %max3A = arith.maximumf %gather3A, %gather3A_218 : vector<16xf32>
          %max3A_240 = arith.maximumf %gather3A_225, %gather3A_232 : vector<16xf32>
          %max3A_241 = arith.maximumf %max3A, %max3A_240 : vector<16xf32>
          %max3A_242 = arith.maximumf %max3A_241, %gather3A_239 : vector<16xf32>
          %sub3A_243 = arith.subf %gather3A, %max3A_242 : vector<16xf32>
          %exp3A = math.exp %sub3A_243 : vector<16xf32>
          %sub3A_244 = arith.subf %gather3A_218, %max3A_242 : vector<16xf32>
          %exp3A_245 = math.exp %sub3A_244 : vector<16xf32>
          %add3A_246 = arith.addf %exp3A, %exp3A_245 : vector<16xf32>
          %sub3A_247 = arith.subf %gather3A_225, %max3A_242 : vector<16xf32>
          %exp3A_248 = math.exp %sub3A_247 : vector<16xf32>
          %add3A_249 = arith.addf %add3A_246, %exp3A_248 : vector<16xf32>
          %sub3A_250 = arith.subf %gather3A_232, %max3A_242 : vector<16xf32>
          %exp3A_251 = math.exp %sub3A_250 : vector<16xf32>
          %add3A_252 = arith.addf %add3A_249, %exp3A_251 : vector<16xf32>
          %sub3A_253 = arith.subf %gather3A_239, %max3A_242 : vector<16xf32>
          %exp3A_254 = math.exp %sub3A_253 : vector<16xf32>
          %add3A_255 = arith.addf %add3A_252, %exp3A_254 : vector<16xf32>
          %get3A = arith.index_cast %add3A_203 : i32 to index
          %get3A_256 = tpu.vector_load %arg25[%get3A] {strides = array<i32>} : memref<400xf32, #tpu.memory_space<vmem>>, vector<16xf32>,
          %bitcast3A = vector.bitcast %add3A_255 : vector<16xf32> to vector<16xi32>
          %shift_right_arithmetic3A = arith.constant 23 : i32
          %shift_right_arithmetic3A_257 = vector.broadcast %shift_right_arithmetic3A : i32 to vector<16xi32>
          %shift_right_arithmetic3A_258 = arith.shrsi %bitcast3A, %shift_right_arithmetic3A_257 : vector<16xi32>
          %sub3A_259 = arith.constant 127 : i32
          %sub3A_260 = vector.broadcast %sub3A_259 : i32 to vector<16xi32>
          %sub3A_261 = arith.subi %shift_right_arithmetic3A_258, %sub3A_260 : vector<16xi32>
          %and3A_262 = arith.constant 8388607 : i32
          %and3A_263 = vector.broadcast %and3A_262 : i32 to vector<16xi32>
          %and3A_264 = arith.andi %bitcast3A, %and3A_263 : vector<16xi32>
          %or3A = arith.constant 1065353216 : i32
          %or3A_265 = vector.broadcast %or3A : i32 to vector<16xi32>
          %or3A_266 = arith.ori %and3A_264, %or3A_265 : vector<16xi32>
          %bitcast3A_267 = vector.bitcast %or3A_266 : vector<16xi32> to vector<16xf32>
          %gt3A = arith.constant 1.41421354 : f32
          %gt3A_268 = vector.broadcast %gt3A : f32 to vector<16xf32>
          %gt3A_269 = arith.cmpf ogt, %bitcast3A_267, %gt3A_268 : vector<16xf32>
          %mul3A_270 = arith.constant 5.000000e-01 : f32
          %mul3A_271 = vector.broadcast %mul3A_270 : f32 to vector<16xf32>
          %mul3A_272 = arith.mulf %bitcast3A_267, %mul3A_271 : vector<16xf32>
          %select_n3A_273 = arith.select %gt3A_269, %mul3A_272, %bitcast3A_267 : vector<16xi1>, vector<16xf32>
          %jit3A_274 = arith.constant 1 : i32
          %jit3A_275 = arith.constant 0 : i32
          %broadcast_in_dim3A = vector.broadcast %jit3A_274 : i32 to vector<16xi32>
          %broadcast_in_dim3A_276 = vector.broadcast %jit3A_275 : i32 to vector<16xi32>
          %select_n3A_277 = arith.select %gt3A_269, %broadcast_in_dim3A, %broadcast_in_dim3A_276 : vector<16xi1>, vector<16xi32>
          %add3A_278 = arith.addi %sub3A_261, %select_n3A_277 : vector<16xi32>
          %sub3A_279 = arith.constant 1.000000e+00 : f32
          %sub3A_280 = vector.broadcast %sub3A_279 : f32 to vector<16xf32>
          %sub3A_281 = arith.subf %select_n3A_273, %sub3A_280 : vector<16xf32>
          %add3A_282 = arith.constant 1.000000e+00 : f32
          %add3A_283 = vector.broadcast %add3A_282 : f32 to vector<16xf32>
          %add3A_284 = arith.addf %select_n3A_273, %add3A_283 : vector<16xf32>
          %div3A_285 = arith.divf %sub3A_281, %add3A_284 : vector<16xf32>
          %mul3A_286 = arith.mulf %div3A_285, %div3A_285 : vector<16xf32>
          %mul3A_287 = arith.constant 0.222222224 : f32
          %mul3A_288 = vector.broadcast %mul3A_287 : f32 to vector<16xf32>
          %mul3A_289 = arith.mulf %mul3A_286, %mul3A_288 : vector<16xf32>
          %add3A_290 = arith.constant 0.285714298 : f32
          %add3A_291 = vector.broadcast %add3A_290 : f32 to vector<16xf32>
          %add3A_292 = arith.addf %add3A_291, %mul3A_289 : vector<16xf32>
          %mul3A_293 = arith.mulf %mul3A_286, %add3A_292 : vector<16xf32>
          %add3A_294 = arith.constant 4.000000e-01 : f32
          %add3A_295 = vector.broadcast %add3A_294 : f32 to vector<16xf32>
          %add3A_296 = arith.addf %add3A_295, %mul3A_293 : vector<16xf32>
          %mul3A_297 = arith.mulf %mul3A_286, %add3A_296 : vector<16xf32>
          %add3A_298 = arith.constant 0.666666686 : f32
          %add3A_299 = vector.broadcast %add3A_298 : f32 to vector<16xf32>
          %add3A_300 = arith.addf %add3A_299, %mul3A_297 : vector<16xf32>
          %mul3A_301 = arith.mulf %mul3A_286, %add3A_300 : vector<16xf32>
          %add3A_302 = arith.constant 2.000000e+00 : f32
          %add3A_303 = vector.broadcast %add3A_302 : f32 to vector<16xf32>
          %add3A_304 = arith.addf %add3A_303, %mul3A_301 : vector<16xf32>
          %mul3A_305 = arith.mulf %div3A_285, %add3A_304 : vector<16xf32>
          %convert_element_type3A = arith.sitofp %add3A_278 : vector<16xi32> to vector<16xf32>
          %mul3A_306 = arith.constant 0.693147182 : f32
          %mul3A_307 = vector.broadcast %mul3A_306 : f32 to vector<16xf32>
          %mul3A_308 = arith.mulf %convert_element_type3A, %mul3A_307 : vector<16xf32>
          %add3A_309 = arith.addf %mul3A_308, %mul3A_305 : vector<16xf32>
          %add3A_310 = arith.addf %max3A_242, %add3A_309 : vector<16xf32>
          %mul3A_311 = arith.mulf %add3A_310, %get3A_256 : vector<16xf32>
          %swap3A = arith.index_cast %add3A_203 : i32 to index
          %swap3A_312 = tpu.vector_load %arg26[%swap3A] {strides = array<i32>} : memref<400xf32, #tpu.memory_space<vmem>>, vector<16xf32>,
          tpu.vector_store %arg26[%swap3A], %mul3A_311 {strides = array<i32>} : memref<400xf32, #tpu.memory_space<vmem>>, vector<16xf32>,
        }
        %scan3A_184 = arith.constant 25 : i32
        %mul3A_185 = arith.constant 8 : i32
        %mul3A_186 = arith.muli %select_n3A_179, %mul3A_185 : i32
        %add3A_187 = arith.addi %mul3A_186, %add3A_18 : i32
        %mul3A_188 = arith.constant 20000 : i32
        %mul3A_189 = arith.muli %add3A_187, %mul3A_188 : i32
        %mul3A_190 = arith.constant 20000 : i32
        %mul3A_191 = arith.muli %select_n3A_179, %mul3A_190 : i32
        %sub3A_192 = arith.subi %add3A_52, %mul3A_191 : i32
        %add3A_193 = arith.addi %mul3A_189, %sub3A_192 : i32
        %scan3A_194 = arith.constant 0 : i32
        %scan3A_195 = arith.constant 7 : i32
        %scan3A_196 = arith.addi %scan3A_194, %scan3A_195 : i32
        %scan3A_197 = arith.constant 1 : i32
        scf.for %scan3A_199 = %scan3A_194 to %scan3A_196 step %scan3A_197  : i32 {
          %mul3A_200 = arith.constant 1 : i32
          %mul3A_201 = arith.muli %scan3A_199, %mul3A_200 : i32
          %add3A_202 = arith.constant 0 : i32
          %add3A_203 = arith.addi %add3A_202, %mul3A_201 : i32
          %mul3A_204 = arith.constant 16 : i32
          %mul3A_205 = arith.muli %add3A_203, %mul3A_204 : i32
          %min3A = arith.constant 84 : i32
          %min3A_206 = arith.minsi %mul3A_205, %min3A : i32
          %add3A_207 = vector.broadcast %min3A_206 : i32 to vector<16xi32>
          %add3A_208 = arith.addi %add3A_207, %iota3A : vector<16xi32>
          %mul3A_209 = arith.constant 4 : i32
          %mul3A_210 = vector.broadcast %mul3A_209 : i32 to vector<16xi32>
          %mul3A_211 = arith.muli %add3A_208, %mul3A_210 : vector<16xi32>
          %gather3A = tpu.vector_load_idx %arg26[%mul3A_211] : memref<400xf32, #tpu.memory_space<vmem>>[vector<16xi32>], vector<16xf32>,
          %mul3A_212 = arith.constant 4 : i32
          %mul3A_213 = vector.broadcast %mul3A_212 : i32 to vector<16xi32>
          %mul3A_214 = arith.muli %add3A_208, %mul3A_213 : vector<16xi32>
          %add3A_215 = arith.constant 1 : i32
          %add3A_216 = vector.broadcast %add3A_215 : i32 to vector<16xi32>
          %add3A_217 = arith.addi %mul3A_214, %add3A_216 : vector<16xi32>
          %gather3A_218 = tpu.vector_load_idx %arg26[%add3A_217] : memref<400xf32, #tpu.memory_space<vmem>>[vector<16xi32>], vector<16xf32>,
          %add3A_219 = arith.addf %gather3A, %gather3A_218 : vector<16xf32>
          %mul3A_220 = arith.constant 4 : i32
          %mul3A_221 = vector.broadcast %mul3A_220 : i32 to vector<16xi32>
          %mul3A_222 = arith.muli %add3A_208, %mul3A_221 : vector<16xi32>
          %add3A_223 = arith.constant 2 : i32
          %add3A_224 = vector.broadcast %add3A_223 : i32 to vector<16xi32>
          %add3A_225 = arith.addi %mul3A_222, %add3A_224 : vector<16xi32>
          %gather3A_226 = tpu.vector_load_idx %arg26[%add3A_225] : memref<400xf32, #tpu.memory_space<vmem>>[vector<16xi32>], vector<16xf32>,
          %add3A_227 = arith.addf %add3A_219, %gather3A_226 : vector<16xf32>
          %mul3A_228 = arith.constant 4 : i32
          %mul3A_229 = vector.broadcast %mul3A_228 : i32 to vector<16xi32>
          %mul3A_230 = arith.muli %add3A_208, %mul3A_229 : vector<16xi32>
          %add3A_231 = arith.constant 3 : i32
          %add3A_232 = vector.broadcast %add3A_231 : i32 to vector<16xi32>
          %add3A_233 = arith.addi %mul3A_230, %add3A_232 : vector<16xi32>
          %gather3A_234 = tpu.vector_load_idx %arg26[%add3A_233] : memref<400xf32, #tpu.memory_space<vmem>>[vector<16xi32>], vector<16xf32>,
          %add3A_235 = arith.addf %add3A_227, %gather3A_234 : vector<16xf32>
          tpu.vector_store_idx %arg27[%add3A_208], %add3A_235 : memref<100xf32, #tpu.memory_space<vmem>>[vector<16xi32>], vector<16xf32>,
          %add3A_236 = vector.broadcast %add3A_193 : i32 to vector<16xi32>
          %add3A_237 = arith.addi %add3A_236, %add3A_208 : vector<16xi32>
          tpu.vector_store_idx %arg28[%add3A_208], %add3A_237 : memref<100xi32, #tpu.memory_space<vmem>>[vector<16xi32>], vector<16xi32>,
        }
        %scan3A_198 = arith.constant 7 : i32
        "tpu.region"() ({
          %run_scoped3A = tpu.sem_alloc : memref<!tpu.dma_semaphore, #tpu.memory_space<semaphore_mem>>
          %dma_start3A = arith.constant 0 : i32
          %dma_start3A_199 = tpu.memref_slice %arg11[%dma_start3A] : memref<320000xf32, #tpu.memory_space<hbm>> -> memref<320000xf32, #tpu.memory_space<hbm>>
          tpu.enqueue_indirect_dma source(%arg27 : memref<100xf32, #tpu.memory_space<vmem>>) target(%dma_start3A_199 : memref<320000xf32, #tpu.memory_space<hbm>>) offsets(%arg28 : memref<100xi32, #tpu.memory_space<vmem>>) semaphore(%run_scoped3A : memref<!tpu.dma_semaphore, #tpu.memory_space<semaphore_mem>>)
          %dma_wait3A = arith.constant 0 : i32
          %dma_wait3A_200 = tpu.memref_slice %arg11[%dma_wait3A] : memref<320000xf32, #tpu.memory_space<hbm>> -> memref<320000xf32, #tpu.memory_space<hbm>>
          tpu.wait_indirect_dma semaphore(%run_scoped3A : memref<!tpu.dma_semaphore, #tpu.memory_space<semaphore_mem>>) src(%arg27 : memref<100xf32, #tpu.memory_space<vmem>>) dst(%dma_wait3A_200 : memref<320000xf32, #tpu.memory_space<hbm>>)
          tpu.yield
        }) : () -> ()
      }
      %scan3A_29 = arith.constant 25 : i32
      %barrier3A_30 = arith.constant 0 : index
      tpu.barrier barrier_id(%barrier3A_30)
      %scan3A_31 = arith.constant 0 : i32
      %scan3A_32 = arith.constant 8 : i32
      %scan3A_33 = arith.addi %scan3A_31, %scan3A_32 : i32
      %scan3A_34 = arith.constant 1 : i32
      scf.for %scan3A_43 = %scan3A_31 to %scan3A_33 step %scan3A_34  : i32 {
        %mul3A_44 = arith.constant 1 : i32
        %mul3A_45 = arith.muli %scan3A_43, %mul3A_44 : i32
        %add3A_46 = arith.constant 0 : i32
        %add3A_47 = arith.addi %add3A_46, %mul3A_45 : i32
        %mul3A_48 = arith.constant 16 : i32
        %mul3A_49 = arith.muli %add3A_47, %mul3A_48 : i32
        %add3A_50 = arith.addi %mul3A_49, %arg1 : i32
        %lt3A = arith.constant 125 : i32
        %lt3A_51 = arith.cmpi slt, %add3A_50, %lt3A : i32
        %convert_element_type3A = arith.extui %lt3A_51 : i1 to i32
        %cond3A = arith.constant 0 : i32
        %cond3A_52 = arith.cmpi ne, %convert_element_type3A, %cond3A : i32
        scf.if %cond3A_52 {
          %mul3A_53 = arith.constant 3200 : i32
          %mul3A_54 = arith.muli %add3A_50, %mul3A_53 : i32
          %run_scoped3A = arith.constant 0 : i32
          "tpu.region"() ({
            %run_scoped3A_56 = tpu.sem_alloc : memref<!tpu.dma_semaphore, #tpu.memory_space<semaphore_mem>>
            %dma_start3A = tpu.memref_slice %arg4[%add3A_16, %run_scoped3A, %mul3A_54] : memref<7x1x400000xi32, #tpu.memory_space<hbm>> -> memref<1x1x3200xi32, #tpu.memory_space<hbm>>
            %dma_start3A_57 = tpu.memref_squeeze %dma_start3A : memref<1x1x3200xi32, #tpu.memory_space<hbm>> -> memref<3200xi32, #tpu.memory_space<hbm>>
            %dma_start3A_58 = tpu.memref_slice %arg4[%add3A_16, %run_scoped3A, %mul3A_54] : memref<7x1x400000xi32, #tpu.memory_space<hbm>> -> memref<1x1x3200xi32, #tpu.memory_space<hbm>>
            %dma_start3A_59 = tpu.memref_squeeze %dma_start3A_58 : memref<1x1x3200xi32, #tpu.memory_space<hbm>> -> memref<3200xi32, #tpu.memory_space<hbm>>
            tpu.enqueue_dma source(%dma_start3A_59 : memref<3200xi32, #tpu.memory_space<hbm>>) target(%arg13 : memref<3200xi32, #tpu.memory_space<vmem>>) target_semaphore(%run_scoped3A_56 : memref<!tpu.dma_semaphore, #tpu.memory_space<semaphore_mem>>)
            %dma_wait3A = tpu.memref_slice %arg4[%add3A_16, %run_scoped3A, %mul3A_54] : memref<7x1x400000xi32, #tpu.memory_space<hbm>> -> memref<1x1x3200xi32, #tpu.memory_space<hbm>>
            %dma_wait3A_60 = tpu.memref_squeeze %dma_wait3A : memref<1x1x3200xi32, #tpu.memory_space<hbm>> -> memref<3200xi32, #tpu.memory_space<hbm>>
            %dma_wait3A_61 = tpu.memref_slice %arg4[%add3A_16, %run_scoped3A, %mul3A_54] : memref<7x1x400000xi32, #tpu.memory_space<hbm>> -> memref<1x1x3200xi32, #tpu.memory_space<hbm>>
            %dma_wait3A_62 = tpu.memref_squeeze %dma_wait3A_61 : memref<1x1x3200xi32, #tpu.memory_space<hbm>> -> memref<3200xi32, #tpu.memory_space<hbm>>
            tpu.wait_dma2 semaphore(%run_scoped3A_56 : memref<!tpu.dma_semaphore, #tpu.memory_space<semaphore_mem>>) src(%dma_wait3A_62 : memref<3200xi32, #tpu.memory_space<hbm>>) dst(%arg13 : memref<3200xi32, #tpu.memory_space<vmem>>)
            tpu.yield
          }) : () -> ()
          %run_scoped3A_55 = arith.constant 0 : i32
          "tpu.region"() ({
            %run_scoped3A_56 = tpu.sem_alloc : memref<!tpu.dma_semaphore, #tpu.memory_space<semaphore_mem>>
            %dma_start3A = tpu.memref_slice %arg5[%add3A_16, %run_scoped3A_55, %mul3A_54] : memref<7x1x400000xi32, #tpu.memory_space<hbm>> -> memref<1x1x3200xi32, #tpu.memory_space<hbm>>
            %dma_start3A_57 = tpu.memref_squeeze %dma_start3A : memref<1x1x3200xi32, #tpu.memory_space<hbm>> -> memref<3200xi32, #tpu.memory_space<hbm>>
            %dma_start3A_58 = tpu.memref_slice %arg5[%add3A_16, %run_scoped3A_55, %mul3A_54] : memref<7x1x400000xi32, #tpu.memory_space<hbm>> -> memref<1x1x3200xi32, #tpu.memory_space<hbm>>
            %dma_start3A_59 = tpu.memref_squeeze %dma_start3A_58 : memref<1x1x3200xi32, #tpu.memory_space<hbm>> -> memref<3200xi32, #tpu.memory_space<hbm>>
            tpu.enqueue_dma source(%dma_start3A_59 : memref<3200xi32, #tpu.memory_space<hbm>>) target(%arg14 : memref<3200xi32, #tpu.memory_space<vmem>>) target_semaphore(%run_scoped3A_56 : memref<!tpu.dma_semaphore, #tpu.memory_space<semaphore_mem>>)
            %dma_wait3A = tpu.memref_slice %arg5[%add3A_16, %run_scoped3A_55, %mul3A_54] : memref<7x1x400000xi32, #tpu.memory_space<hbm>> -> memref<1x1x3200xi32, #tpu.memory_space<hbm>>
            %dma_wait3A_60 = tpu.memref_squeeze %dma_wait3A : memref<1x1x3200xi32, #tpu.memory_space<hbm>> -> memref<3200xi32, #tpu.memory_space<hbm>>
            %dma_wait3A_61 = tpu.memref_slice %arg5[%add3A_16, %run_scoped3A_55, %mul3A_54] : memref<7x1x400000xi32, #tpu.memory_space<hbm>> -> memref<1x1x3200xi32, #tpu.memory_space<hbm>>
            %dma_wait3A_62 = tpu.memref_squeeze %dma_wait3A_61 : memref<1x1x3200xi32, #tpu.memory_space<hbm>> -> memref<3200xi32, #tpu.memory_space<hbm>>
            tpu.wait_dma2 semaphore(%run_scoped3A_56 : memref<!tpu.dma_semaphore, #tpu.memory_space<semaphore_mem>>) src(%dma_wait3A_62 : memref<3200xi32, #tpu.memory_space<hbm>>) dst(%arg14 : memref<3200xi32, #tpu.memory_space<vmem>>)
            tpu.yield
          }) : () -> ()
          "tpu.region"() ({
            %run_scoped3A_56 = tpu.sem_alloc : memref<!tpu.dma_semaphore, #tpu.memory_space<semaphore_mem>>
            %dma_start3A = arith.constant 0 : i32
            %dma_start3A_57 = tpu.memref_slice %arg10[%dma_start3A] : memref<320000xf32, #tpu.memory_space<hbm>> -> memref<320000xf32, #tpu.memory_space<hbm>>
            tpu.enqueue_indirect_dma source(%dma_start3A_57 : memref<320000xf32, #tpu.memory_space<hbm>>) target(%arg15 : memref<3200xf32, #tpu.memory_space<vmem>>) offsets(%arg13 : memref<3200xi32, #tpu.memory_space<vmem>>) semaphore(%run_scoped3A_56 : memref<!tpu.dma_semaphore, #tpu.memory_space<semaphore_mem>>)
            %dma_wait3A = arith.constant 0 : i32
            %dma_wait3A_58 = tpu.memref_slice %arg10[%dma_wait3A] : memref<320000xf32, #tpu.memory_space<hbm>> -> memref<320000xf32, #tpu.memory_space<hbm>>
            tpu.wait_indirect_dma semaphore(%run_scoped3A_56 : memref<!tpu.dma_semaphore, #tpu.memory_space<semaphore_mem>>) src(%dma_wait3A_58 : memref<320000xf32, #tpu.memory_space<hbm>>) dst(%arg15 : memref<3200xf32, #tpu.memory_space<vmem>>)
            tpu.yield
          }) : () -> ()
          "tpu.region"() ({
            %run_scoped3A_56 = tpu.sem_alloc : memref<!tpu.dma_semaphore, #tpu.memory_space<semaphore_mem>>
            %dma_start3A = arith.constant 0 : i32
            %dma_start3A_57 = tpu.memref_slice %arg12[%dma_start3A] : memref<800000xf32, #tpu.memory_space<vmem_shared>> -> memref<800000xf32, #tpu.memory_space<vmem_shared>>
            tpu.enqueue_indirect_dma source(%arg15 : memref<3200xf32, #tpu.memory_space<vmem>>) target(%dma_start3A_57 : memref<800000xf32, #tpu.memory_space<vmem_shared>>) offsets(%arg14 : memref<3200xi32, #tpu.memory_space<vmem>>) semaphore(%run_scoped3A_56 : memref<!tpu.dma_semaphore, #tpu.memory_space<semaphore_mem>>) {add = true}
            %dma_wait3A = arith.constant 0 : i32
            %dma_wait3A_58 = tpu.memref_slice %arg12[%dma_wait3A] : memref<800000xf32, #tpu.memory_space<vmem_shared>> -> memref<800000xf32, #tpu.memory_space<vmem_shared>>
            tpu.wait_indirect_dma semaphore(%run_scoped3A_56 : memref<!tpu.dma_semaphore, #tpu.memory_space<semaphore_mem>>) src(%arg15 : memref<3200xf32, #tpu.memory_space<vmem>>) dst(%dma_wait3A_58 : memref<800000xf32, #tpu.memory_space<vmem_shared>>)
            tpu.yield
          }) : () -> ()
        } else {
        }
      }
      %scan3A_35 = arith.constant 8 : i32
      %barrier3A_36 = arith.constant 0 : index
      tpu.barrier barrier_id(%barrier3A_36)
      %scan3A_37 = arith.constant 0 : i32
      %scan3A_38 = arith.constant 25 : i32
      %scan3A_39 = arith.addi %scan3A_37, %scan3A_38 : i32
      %scan3A_40 = arith.constant 1 : i32
      scf.for %scan3A_43 = %scan3A_37 to %scan3A_39 step %scan3A_40  : i32 {
        %mul3A_44 = arith.constant 1 : i32
        %mul3A_45 = arith.muli %scan3A_43, %mul3A_44 : i32
        %add3A_46 = arith.constant 0 : i32
        %add3A_47 = arith.addi %add3A_46, %mul3A_45 : i32
        %mul3A_48 = arith.constant 2500 : i32
        %mul3A_49 = arith.muli %arg1, %mul3A_48 : i32
        %mul3A_50 = arith.constant 100 : i32
        %mul3A_51 = arith.muli %add3A_47, %mul3A_50 : i32
        %add3A_52 = arith.addi %mul3A_49, %mul3A_51 : i32
        %mul3A_53 = arith.constant 20 : i32
        %mul3A_54 = arith.muli %add3A_52, %mul3A_53 : i32
        %jit3A = arith.constant 8 : i32
        %div3A = arith.divsi %arg1, %jit3A : i32
        %sign3A = arith.constant 0 : i32
        %sign3A_55 = arith.cmpi sgt, %arg1, %sign3A : i32
        %sign3A_56 = arith.extui %sign3A_55 : i1 to i32
        %sign3A_57 = arith.constant 0 : i32
        %sign3A_58 = arith.cmpi slt, %arg1, %sign3A_57 : i32
        %sign3A_59 = arith.extui %sign3A_58 : i1 to i32
        %sign3A_60 = arith.subi %sign3A_56, %sign3A_59 : i32
        %sign3A_61 = arith.constant 0 : i32
        %sign3A_62 = arith.cmpi sgt, %jit3A, %sign3A_61 : i32
        %sign3A_63 = arith.extui %sign3A_62 : i1 to i32
        %sign3A_64 = arith.constant 0 : i32
        %sign3A_65 = arith.cmpi slt, %jit3A, %sign3A_64 : i32
        %sign3A_66 = arith.extui %sign3A_65 : i1 to i32
        %sign3A_67 = arith.subi %sign3A_63, %sign3A_66 : i32
        %ne3A = arith.cmpi ne, %sign3A_60, %sign3A_67 : i32
        %rem3A = arith.remsi %arg1, %jit3A : i32
        %ne3A_68 = arith.constant 0 : i32
        %ne3A_69 = arith.cmpi ne, %rem3A, %ne3A_68 : i32
        %and3A = arith.andi %ne3A, %ne3A_69 : i1
        %sub3A = arith.constant 1 : i32
        %sub3A_70 = arith.subi %div3A, %sub3A : i32
        %select_n3A = arith.select %and3A, %sub3A_70, %div3A : i32
        %mul3A_71 = arith.constant 8 : i32
        %mul3A_72 = arith.muli %select_n3A, %mul3A_71 : i32
        %add3A_73 = arith.addi %mul3A_72, %add3A_18 : i32
        %mul3A_74 = arith.constant 20000 : i32
        %mul3A_75 = arith.muli %add3A_73, %mul3A_74 : i32
        %mul3A_76 = arith.constant 20000 : i32
        %mul3A_77 = arith.muli %select_n3A, %mul3A_76 : i32
        %sub3A_78 = arith.subi %add3A_52, %mul3A_77 : i32
        %add3A_79 = arith.addi %mul3A_75, %sub3A_78 : i32
        "tpu.region"() ({
          %run_scoped3A = tpu.sem_alloc : memref<!tpu.dma_semaphore, #tpu.memory_space<semaphore_mem>>
          %dma_start3A = tpu.memref_slice %arg12[%mul3A_54] : memref<800000xf32, #tpu.memory_space<vmem_shared>> -> memref<2000xf32, #tpu.memory_space<vmem_shared>>
          %dma_start3A_127 = tpu.memref_slice %arg12[%mul3A_54] : memref<800000xf32, #tpu.memory_space<vmem_shared>> -> memref<2000xf32, #tpu.memory_space<vmem_shared>>
          tpu.enqueue_dma source(%dma_start3A_127 : memref<2000xf32, #tpu.memory_space<vmem_shared>>) target(%arg16 : memref<2000xf32, #tpu.memory_space<vmem>>) target_semaphore(%run_scoped3A : memref<!tpu.dma_semaphore, #tpu.memory_space<semaphore_mem>>)
          %dma_wait3A = tpu.memref_slice %arg12[%mul3A_54] : memref<800000xf32, #tpu.memory_space<vmem_shared>> -> memref<2000xf32, #tpu.memory_space<vmem_shared>>
          %dma_wait3A_128 = tpu.memref_slice %arg12[%mul3A_54] : memref<800000xf32, #tpu.memory_space<vmem_shared>> -> memref<2000xf32, #tpu.memory_space<vmem_shared>>
          tpu.wait_dma2 semaphore(%run_scoped3A : memref<!tpu.dma_semaphore, #tpu.memory_space<semaphore_mem>>) src(%dma_wait3A_128 : memref<2000xf32, #tpu.memory_space<vmem_shared>>) dst(%arg16 : memref<2000xf32, #tpu.memory_space<vmem>>)
          tpu.yield
        }) : () -> ()
        %mul3A_80 = arith.constant 4 : i32
        %mul3A_81 = arith.muli %add3A_79, %mul3A_80 : i32
        "tpu.region"() ({
          %run_scoped3A = tpu.sem_alloc : memref<!tpu.dma_semaphore, #tpu.memory_space<semaphore_mem>>
          %dma_start3A = tpu.memref_slice %arg8[%mul3A_81] : memref<1280000xf32, #tpu.memory_space<hbm>> -> memref<400xf32, #tpu.memory_space<hbm>>
          %dma_start3A_127 = tpu.memref_slice %arg8[%mul3A_81] : memref<1280000xf32, #tpu.memory_space<hbm>> -> memref<400xf32, #tpu.memory_space<hbm>>
          tpu.enqueue_dma source(%dma_start3A_127 : memref<400xf32, #tpu.memory_space<hbm>>) target(%arg25 : memref<400xf32, #tpu.memory_space<vmem>>) target_semaphore(%run_scoped3A : memref<!tpu.dma_semaphore, #tpu.memory_space<semaphore_mem>>)
          %dma_wait3A = tpu.memref_slice %arg8[%mul3A_81] : memref<1280000xf32, #tpu.memory_space<hbm>> -> memref<400xf32, #tpu.memory_space<hbm>>
          %dma_wait3A_128 = tpu.memref_slice %arg8[%mul3A_81] : memref<1280000xf32, #tpu.memory_space<hbm>> -> memref<400xf32, #tpu.memory_space<hbm>>
          tpu.wait_dma2 semaphore(%run_scoped3A : memref<!tpu.dma_semaphore, #tpu.memory_space<semaphore_mem>>) src(%dma_wait3A_128 : memref<400xf32, #tpu.memory_space<hbm>>) dst(%arg25 : memref<400xf32, #tpu.memory_space<vmem>>)
          tpu.yield
        }) : () -> ()
        %jit3A_82 = arith.constant 8 : i32
        %div3A_83 = arith.divsi %arg1, %jit3A_82 : i32
        %sign3A_84 = arith.constant 0 : i32
        %sign3A_85 = arith.cmpi sgt, %arg1, %sign3A_84 : i32
        %sign3A_86 = arith.extui %sign3A_85 : i1 to i32
        %sign3A_87 = arith.constant 0 : i32
        %sign3A_88 = arith.cmpi slt, %arg1, %sign3A_87 : i32
        %sign3A_89 = arith.extui %sign3A_88 : i1 to i32
        %sign3A_90 = arith.subi %sign3A_86, %sign3A_89 : i32
        %sign3A_91 = arith.constant 0 : i32
        %sign3A_92 = arith.cmpi sgt, %jit3A_82, %sign3A_91 : i32
        %sign3A_93 = arith.extui %sign3A_92 : i1 to i32
        %sign3A_94 = arith.constant 0 : i32
        %sign3A_95 = arith.cmpi slt, %jit3A_82, %sign3A_94 : i32
        %sign3A_96 = arith.extui %sign3A_95 : i1 to i32
        %sign3A_97 = arith.subi %sign3A_93, %sign3A_96 : i32
        %ne3A_98 = arith.cmpi ne, %sign3A_90, %sign3A_97 : i32
        %rem3A_99 = arith.remsi %arg1, %jit3A_82 : i32
        %ne3A_100 = arith.constant 0 : i32
        %ne3A_101 = arith.cmpi ne, %rem3A_99, %ne3A_100 : i32
        %and3A_102 = arith.andi %ne3A_98, %ne3A_101 : i1
        %sub3A_103 = arith.constant 1 : i32
        %sub3A_104 = arith.subi %div3A_83, %sub3A_103 : i32
        %select_n3A_105 = arith.select %and3A_102, %sub3A_104, %div3A_83 : i32
        %scan3A_106 = arith.constant 0 : i32
        %scan3A_107 = arith.constant 25 : i32
        %scan3A_108 = arith.addi %scan3A_106, %scan3A_107 : i32
        %scan3A_109 = arith.constant 1 : i32
        scf.for %scan3A_127 = %scan3A_106 to %scan3A_108 step %scan3A_109  : i32 {
          %mul3A_128 = arith.constant 16 : i32
          %mul3A_129 = arith.muli %scan3A_127, %mul3A_128 : i32
          %add3A_130 = arith.constant 0 : i32
          %add3A_131 = arith.addi %add3A_130, %mul3A_129 : i32
          %add3A_132 = vector.broadcast %add3A_131 : i32 to vector<16xi32>
          %add3A_133 = arith.addi %add3A_132, %iota3A : vector<16xi32>
          %mul3A_134 = arith.constant 5 : i32
          %mul3A_135 = vector.broadcast %mul3A_134 : i32 to vector<16xi32>
          %mul3A_136 = arith.muli %add3A_133, %mul3A_135 : vector<16xi32>
          %add3A_137 = arith.constant 0 : i32
          %add3A_138 = vector.broadcast %add3A_137 : i32 to vector<16xi32>
          %add3A_139 = arith.addi %mul3A_136, %add3A_138 : vector<16xi32>
          %gather3A = tpu.vector_load_idx %arg16[%add3A_139] : memref<2000xf32, #tpu.memory_space<vmem>>[vector<16xi32>], vector<16xf32>,
          %mul3A_140 = arith.constant 5 : i32
          %mul3A_141 = vector.broadcast %mul3A_140 : i32 to vector<16xi32>
          %mul3A_142 = arith.muli %add3A_133, %mul3A_141 : vector<16xi32>
          %add3A_143 = arith.constant 1 : i32
          %add3A_144 = vector.broadcast %add3A_143 : i32 to vector<16xi32>
          %add3A_145 = arith.addi %mul3A_142, %add3A_144 : vector<16xi32>
          %gather3A_146 = tpu.vector_load_idx %arg16[%add3A_145] : memref<2000xf32, #tpu.memory_space<vmem>>[vector<16xi32>], vector<16xf32>,
          %mul3A_147 = arith.constant 5 : i32
          %mul3A_148 = vector.broadcast %mul3A_147 : i32 to vector<16xi32>
          %mul3A_149 = arith.muli %add3A_133, %mul3A_148 : vector<16xi32>
          %add3A_150 = arith.constant 2 : i32
          %add3A_151 = vector.broadcast %add3A_150 : i32 to vector<16xi32>
          %add3A_152 = arith.addi %mul3A_149, %add3A_151 : vector<16xi32>
          %gather3A_153 = tpu.vector_load_idx %arg16[%add3A_152] : memref<2000xf32, #tpu.memory_space<vmem>>[vector<16xi32>], vector<16xf32>,
          %mul3A_154 = arith.constant 5 : i32
          %mul3A_155 = vector.broadcast %mul3A_154 : i32 to vector<16xi32>
          %mul3A_156 = arith.muli %add3A_133, %mul3A_155 : vector<16xi32>
          %add3A_157 = arith.constant 3 : i32
          %add3A_158 = vector.broadcast %add3A_157 : i32 to vector<16xi32>
          %add3A_159 = arith.addi %mul3A_156, %add3A_158 : vector<16xi32>
          %gather3A_160 = tpu.vector_load_idx %arg16[%add3A_159] : memref<2000xf32, #tpu.memory_space<vmem>>[vector<16xi32>], vector<16xf32>,
          %mul3A_161 = arith.constant 5 : i32
          %mul3A_162 = vector.broadcast %mul3A_161 : i32 to vector<16xi32>
          %mul3A_163 = arith.muli %add3A_133, %mul3A_162 : vector<16xi32>
          %add3A_164 = arith.constant 4 : i32
          %add3A_165 = vector.broadcast %add3A_164 : i32 to vector<16xi32>
          %add3A_166 = arith.addi %mul3A_163, %add3A_165 : vector<16xi32>
          %gather3A_167 = tpu.vector_load_idx %arg16[%add3A_166] : memref<2000xf32, #tpu.memory_space<vmem>>[vector<16xi32>], vector<16xf32>,
          %max3A = arith.maximumf %gather3A, %gather3A_146 : vector<16xf32>
          %max3A_168 = arith.maximumf %gather3A_153, %gather3A_160 : vector<16xf32>
          %max3A_169 = arith.maximumf %max3A, %max3A_168 : vector<16xf32>
          %max3A_170 = arith.maximumf %max3A_169, %gather3A_167 : vector<16xf32>
          %sub3A_171 = arith.subf %gather3A, %max3A_170 : vector<16xf32>
          %exp3A = math.exp %sub3A_171 : vector<16xf32>
          %sub3A_172 = arith.subf %gather3A_146, %max3A_170 : vector<16xf32>
          %exp3A_173 = math.exp %sub3A_172 : vector<16xf32>
          %add3A_174 = arith.addf %exp3A, %exp3A_173 : vector<16xf32>
          %sub3A_175 = arith.subf %gather3A_153, %max3A_170 : vector<16xf32>
          %exp3A_176 = math.exp %sub3A_175 : vector<16xf32>
          %add3A_177 = arith.addf %add3A_174, %exp3A_176 : vector<16xf32>
          %sub3A_178 = arith.subf %gather3A_160, %max3A_170 : vector<16xf32>
          %exp3A_179 = math.exp %sub3A_178 : vector<16xf32>
          %add3A_180 = arith.addf %add3A_177, %exp3A_179 : vector<16xf32>
          %sub3A_181 = arith.subf %gather3A_167, %max3A_170 : vector<16xf32>
          %exp3A_182 = math.exp %sub3A_181 : vector<16xf32>
          %add3A_183 = arith.addf %add3A_180, %exp3A_182 : vector<16xf32>
          %get3A = arith.index_cast %add3A_131 : i32 to index
          %get3A_184 = tpu.vector_load %arg25[%get3A] {strides = array<i32>} : memref<400xf32, #tpu.memory_space<vmem>>, vector<16xf32>,
          %bitcast3A = vector.bitcast %add3A_183 : vector<16xf32> to vector<16xi32>
          %shift_right_arithmetic3A = arith.constant 23 : i32
          %shift_right_arithmetic3A_185 = vector.broadcast %shift_right_arithmetic3A : i32 to vector<16xi32>
          %shift_right_arithmetic3A_186 = arith.shrsi %bitcast3A, %shift_right_arithmetic3A_185 : vector<16xi32>
          %sub3A_187 = arith.constant 127 : i32
          %sub3A_188 = vector.broadcast %sub3A_187 : i32 to vector<16xi32>
          %sub3A_189 = arith.subi %shift_right_arithmetic3A_186, %sub3A_188 : vector<16xi32>
          %and3A_190 = arith.constant 8388607 : i32
          %and3A_191 = vector.broadcast %and3A_190 : i32 to vector<16xi32>
          %and3A_192 = arith.andi %bitcast3A, %and3A_191 : vector<16xi32>
          %or3A = arith.constant 1065353216 : i32
          %or3A_193 = vector.broadcast %or3A : i32 to vector<16xi32>
          %or3A_194 = arith.ori %and3A_192, %or3A_193 : vector<16xi32>
          %bitcast3A_195 = vector.bitcast %or3A_194 : vector<16xi32> to vector<16xf32>
          %gt3A = arith.constant 1.41421354 : f32
          %gt3A_196 = vector.broadcast %gt3A : f32 to vector<16xf32>
          %gt3A_197 = arith.cmpf ogt, %bitcast3A_195, %gt3A_196 : vector<16xf32>
          %mul3A_198 = arith.constant 5.000000e-01 : f32
          %mul3A_199 = vector.broadcast %mul3A_198 : f32 to vector<16xf32>
          %mul3A_200 = arith.mulf %bitcast3A_195, %mul3A_199 : vector<16xf32>
          %select_n3A_201 = arith.select %gt3A_197, %mul3A_200, %bitcast3A_195 : vector<16xi1>, vector<16xf32>
          %jit3A_202 = arith.constant 1 : i32
          %jit3A_203 = arith.constant 0 : i32
          %broadcast_in_dim3A = vector.broadcast %jit3A_202 : i32 to vector<16xi32>
          %broadcast_in_dim3A_204 = vector.broadcast %jit3A_203 : i32 to vector<16xi32>
          %select_n3A_205 = arith.select %gt3A_197, %broadcast_in_dim3A, %broadcast_in_dim3A_204 : vector<16xi1>, vector<16xi32>
          %add3A_206 = arith.addi %sub3A_189, %select_n3A_205 : vector<16xi32>
          %sub3A_207 = arith.constant 1.000000e+00 : f32
          %sub3A_208 = vector.broadcast %sub3A_207 : f32 to vector<16xf32>
          %sub3A_209 = arith.subf %select_n3A_201, %sub3A_208 : vector<16xf32>
          %add3A_210 = arith.constant 1.000000e+00 : f32
          %add3A_211 = vector.broadcast %add3A_210 : f32 to vector<16xf32>
          %add3A_212 = arith.addf %select_n3A_201, %add3A_211 : vector<16xf32>
          %div3A_213 = arith.divf %sub3A_209, %add3A_212 : vector<16xf32>
          %mul3A_214 = arith.mulf %div3A_213, %div3A_213 : vector<16xf32>
          %mul3A_215 = arith.constant 0.222222224 : f32
          %mul3A_216 = vector.broadcast %mul3A_215 : f32 to vector<16xf32>
          %mul3A_217 = arith.mulf %mul3A_214, %mul3A_216 : vector<16xf32>
          %add3A_218 = arith.constant 0.285714298 : f32
          %add3A_219 = vector.broadcast %add3A_218 : f32 to vector<16xf32>
          %add3A_220 = arith.addf %add3A_219, %mul3A_217 : vector<16xf32>
          %mul3A_221 = arith.mulf %mul3A_214, %add3A_220 : vector<16xf32>
          %add3A_222 = arith.constant 4.000000e-01 : f32
          %add3A_223 = vector.broadcast %add3A_222 : f32 to vector<16xf32>
          %add3A_224 = arith.addf %add3A_223, %mul3A_221 : vector<16xf32>
          %mul3A_225 = arith.mulf %mul3A_214, %add3A_224 : vector<16xf32>
          %add3A_226 = arith.constant 0.666666686 : f32
          %add3A_227 = vector.broadcast %add3A_226 : f32 to vector<16xf32>
          %add3A_228 = arith.addf %add3A_227, %mul3A_225 : vector<16xf32>
          %mul3A_229 = arith.mulf %mul3A_214, %add3A_228 : vector<16xf32>
          %add3A_230 = arith.constant 2.000000e+00 : f32
          %add3A_231 = vector.broadcast %add3A_230 : f32 to vector<16xf32>
          %add3A_232 = arith.addf %add3A_231, %mul3A_229 : vector<16xf32>
          %mul3A_233 = arith.mulf %div3A_213, %add3A_232 : vector<16xf32>
          %convert_element_type3A = arith.sitofp %add3A_206 : vector<16xi32> to vector<16xf32>
          %mul3A_234 = arith.constant 0.693147182 : f32
          %mul3A_235 = vector.broadcast %mul3A_234 : f32 to vector<16xf32>
          %mul3A_236 = arith.mulf %convert_element_type3A, %mul3A_235 : vector<16xf32>
          %add3A_237 = arith.addf %mul3A_236, %mul3A_233 : vector<16xf32>
          %add3A_238 = arith.addf %max3A_170, %add3A_237 : vector<16xf32>
          %mul3A_239 = arith.mulf %add3A_238, %get3A_184 : vector<16xf32>
          %swap3A = arith.index_cast %add3A_131 : i32 to index
          %swap3A_240 = tpu.vector_load %arg26[%swap3A] {strides = array<i32>} : memref<400xf32, #tpu.memory_space<vmem>>, vector<16xf32>,
          tpu.vector_store %arg26[%swap3A], %mul3A_239 {strides = array<i32>} : memref<400xf32, #tpu.memory_space<vmem>>, vector<16xf32>,
        }
        %scan3A_110 = arith.constant 25 : i32
        %mul3A_111 = arith.constant 8 : i32
        %mul3A_112 = arith.muli %select_n3A_105, %mul3A_111 : i32
        %add3A_113 = arith.addi %mul3A_112, %add3A_18 : i32
        %mul3A_114 = arith.constant 20000 : i32
        %mul3A_115 = arith.muli %add3A_113, %mul3A_114 : i32
        %mul3A_116 = arith.constant 20000 : i32
        %mul3A_117 = arith.muli %select_n3A_105, %mul3A_116 : i32
        %sub3A_118 = arith.subi %add3A_52, %mul3A_117 : i32
        %add3A_119 = arith.addi %mul3A_115, %sub3A_118 : i32
        %scan3A_120 = arith.constant 0 : i32
        %scan3A_121 = arith.constant 7 : i32
        %scan3A_122 = arith.addi %scan3A_120, %scan3A_121 : i32
        %scan3A_123 = arith.constant 1 : i32
        scf.for %scan3A_127 = %scan3A_120 to %scan3A_122 step %scan3A_123  : i32 {
          %mul3A_128 = arith.constant 1 : i32
          %mul3A_129 = arith.muli %scan3A_127, %mul3A_128 : i32
          %add3A_130 = arith.constant 0 : i32
          %add3A_131 = arith.addi %add3A_130, %mul3A_129 : i32
          %mul3A_132 = arith.constant 16 : i32
          %mul3A_133 = arith.muli %add3A_131, %mul3A_132 : i32
          %min3A = arith.constant 84 : i32
          %min3A_134 = arith.minsi %mul3A_133, %min3A : i32
          %add3A_135 = vector.broadcast %min3A_134 : i32 to vector<16xi32>
          %add3A_136 = arith.addi %add3A_135, %iota3A : vector<16xi32>
          %mul3A_137 = arith.constant 4 : i32
          %mul3A_138 = vector.broadcast %mul3A_137 : i32 to vector<16xi32>
          %mul3A_139 = arith.muli %add3A_136, %mul3A_138 : vector<16xi32>
          %gather3A = tpu.vector_load_idx %arg26[%mul3A_139] : memref<400xf32, #tpu.memory_space<vmem>>[vector<16xi32>], vector<16xf32>,
          %mul3A_140 = arith.constant 4 : i32
          %mul3A_141 = vector.broadcast %mul3A_140 : i32 to vector<16xi32>
          %mul3A_142 = arith.muli %add3A_136, %mul3A_141 : vector<16xi32>
          %add3A_143 = arith.constant 1 : i32
          %add3A_144 = vector.broadcast %add3A_143 : i32 to vector<16xi32>
          %add3A_145 = arith.addi %mul3A_142, %add3A_144 : vector<16xi32>
          %gather3A_146 = tpu.vector_load_idx %arg26[%add3A_145] : memref<400xf32, #tpu.memory_space<vmem>>[vector<16xi32>], vector<16xf32>,
          %add3A_147 = arith.addf %gather3A, %gather3A_146 : vector<16xf32>
          %mul3A_148 = arith.constant 4 : i32
          %mul3A_149 = vector.broadcast %mul3A_148 : i32 to vector<16xi32>
          %mul3A_150 = arith.muli %add3A_136, %mul3A_149 : vector<16xi32>
          %add3A_151 = arith.constant 2 : i32
          %add3A_152 = vector.broadcast %add3A_151 : i32 to vector<16xi32>
          %add3A_153 = arith.addi %mul3A_150, %add3A_152 : vector<16xi32>
          %gather3A_154 = tpu.vector_load_idx %arg26[%add3A_153] : memref<400xf32, #tpu.memory_space<vmem>>[vector<16xi32>], vector<16xf32>,
          %add3A_155 = arith.addf %add3A_147, %gather3A_154 : vector<16xf32>
          %mul3A_156 = arith.constant 4 : i32
          %mul3A_157 = vector.broadcast %mul3A_156 : i32 to vector<16xi32>
          %mul3A_158 = arith.muli %add3A_136, %mul3A_157 : vector<16xi32>
          %add3A_159 = arith.constant 3 : i32
          %add3A_160 = vector.broadcast %add3A_159 : i32 to vector<16xi32>
          %add3A_161 = arith.addi %mul3A_158, %add3A_160 : vector<16xi32>
          %gather3A_162 = tpu.vector_load_idx %arg26[%add3A_161] : memref<400xf32, #tpu.memory_space<vmem>>[vector<16xi32>], vector<16xf32>,
          %add3A_163 = arith.addf %add3A_155, %gather3A_162 : vector<16xf32>
          tpu.vector_store_idx %arg27[%add3A_136], %add3A_163 : memref<100xf32, #tpu.memory_space<vmem>>[vector<16xi32>], vector<16xf32>,
          %add3A_164 = vector.broadcast %add3A_119 : i32 to vector<16xi32>
          %add3A_165 = arith.addi %add3A_164, %add3A_136 : vector<16xi32>
          tpu.vector_store_idx %arg28[%add3A_136], %add3A_165 : memref<100xi32, #tpu.memory_space<vmem>>[vector<16xi32>], vector<16xi32>,
        }
        %scan3A_124 = arith.constant 7 : i32
        "tpu.region"() ({
          %run_scoped3A = tpu.sem_alloc : memref<!tpu.dma_semaphore, #tpu.memory_space<semaphore_mem>>
          %dma_start3A = arith.constant 0 : i32
          %dma_start3A_127 = tpu.memref_slice %arg10[%dma_start3A] : memref<320000xf32, #tpu.memory_space<hbm>> -> memref<320000xf32, #tpu.memory_space<hbm>>
          tpu.enqueue_indirect_dma source(%arg27 : memref<100xf32, #tpu.memory_space<vmem>>) target(%dma_start3A_127 : memref<320000xf32, #tpu.memory_space<hbm>>) offsets(%arg28 : memref<100xi32, #tpu.memory_space<vmem>>) semaphore(%run_scoped3A : memref<!tpu.dma_semaphore, #tpu.memory_space<semaphore_mem>>)
          %dma_wait3A = arith.constant 0 : i32
          %dma_wait3A_128 = tpu.memref_slice %arg10[%dma_wait3A] : memref<320000xf32, #tpu.memory_space<hbm>> -> memref<320000xf32, #tpu.memory_space<hbm>>
          tpu.wait_indirect_dma semaphore(%run_scoped3A : memref<!tpu.dma_semaphore, #tpu.memory_space<semaphore_mem>>) src(%arg27 : memref<100xf32, #tpu.memory_space<vmem>>) dst(%dma_wait3A_128 : memref<320000xf32, #tpu.memory_space<hbm>>)
          tpu.yield
        }) : () -> ()
        "tpu.region"() ({
          %run_scoped3A = tpu.sem_alloc : memref<!tpu.dma_semaphore, #tpu.memory_space<semaphore_mem>>
          %dma_start3A = tpu.memref_slice %arg12[%mul3A_54] : memref<800000xf32, #tpu.memory_space<vmem_shared>> -> memref<1000xf32, #tpu.memory_space<vmem_shared>>
          %dma_start3A_127 = tpu.memref_slice %arg12[%mul3A_54] : memref<800000xf32, #tpu.memory_space<vmem_shared>> -> memref<1000xf32, #tpu.memory_space<vmem_shared>>
          tpu.enqueue_dma source(%arg29 : memref<1000xf32, #tpu.memory_space<vmem>>) target(%dma_start3A_127 : memref<1000xf32, #tpu.memory_space<vmem_shared>>) target_semaphore(%run_scoped3A : memref<!tpu.dma_semaphore, #tpu.memory_space<semaphore_mem>>)
          %dma_wait3A = tpu.memref_slice %arg12[%mul3A_54] : memref<800000xf32, #tpu.memory_space<vmem_shared>> -> memref<1000xf32, #tpu.memory_space<vmem_shared>>
          %dma_wait3A_128 = tpu.memref_slice %arg12[%mul3A_54] : memref<800000xf32, #tpu.memory_space<vmem_shared>> -> memref<1000xf32, #tpu.memory_space<vmem_shared>>
          tpu.wait_dma2 semaphore(%run_scoped3A : memref<!tpu.dma_semaphore, #tpu.memory_space<semaphore_mem>>) src(%arg29 : memref<1000xf32, #tpu.memory_space<vmem>>) dst(%dma_wait3A_128 : memref<1000xf32, #tpu.memory_space<vmem_shared>>)
          tpu.yield
        }) : () -> ()
        %add3A_125 = arith.constant 1000 : i32
        %add3A_126 = arith.addi %mul3A_54, %add3A_125 : i32
        "tpu.region"() ({
          %run_scoped3A = tpu.sem_alloc : memref<!tpu.dma_semaphore, #tpu.memory_space<semaphore_mem>>
          %dma_start3A = tpu.memref_slice %arg12[%add3A_126] : memref<800000xf32, #tpu.memory_space<vmem_shared>> -> memref<1000xf32, #tpu.memory_space<vmem_shared>>
          %dma_start3A_127 = tpu.memref_slice %arg12[%add3A_126] : memref<800000xf32, #tpu.memory_space<vmem_shared>> -> memref<1000xf32, #tpu.memory_space<vmem_shared>>
          tpu.enqueue_dma source(%arg29 : memref<1000xf32, #tpu.memory_space<vmem>>) target(%dma_start3A_127 : memref<1000xf32, #tpu.memory_space<vmem_shared>>) target_semaphore(%run_scoped3A : memref<!tpu.dma_semaphore, #tpu.memory_space<semaphore_mem>>)
          %dma_wait3A = tpu.memref_slice %arg12[%add3A_126] : memref<800000xf32, #tpu.memory_space<vmem_shared>> -> memref<1000xf32, #tpu.memory_space<vmem_shared>>
          %dma_wait3A_128 = tpu.memref_slice %arg12[%add3A_126] : memref<800000xf32, #tpu.memory_space<vmem_shared>> -> memref<1000xf32, #tpu.memory_space<vmem_shared>>
          tpu.wait_dma2 semaphore(%run_scoped3A : memref<!tpu.dma_semaphore, #tpu.memory_space<semaphore_mem>>) src(%arg29 : memref<1000xf32, #tpu.memory_space<vmem>>) dst(%dma_wait3A_128 : memref<1000xf32, #tpu.memory_space<vmem_shared>>)
          tpu.yield
        }) : () -> ()
      }
      %scan3A_41 = arith.constant 25 : i32
      %barrier3A_42 = arith.constant 0 : index
      tpu.barrier barrier_id(%barrier3A_42)
    }
    %scan3A_13 = arith.constant 7 : i32
    return
  }
}

module attributes {stable_mosaic.version = 14 : i64} {
  func.func @_idx(%arg0: i32, %arg1: memref<1x4x400000xi32, #tpu.memory_space<vmem>>, %arg2: memref<1x1x400000xi32, #tpu.memory_space<vmem>>, %arg3: memref<1x1x400000xi32, #tpu.memory_space<vmem>>) attributes {dimension_semantics = [#tpu.dimension_semantics<arbitrary>], iteration_bounds = array<i64: 7>, scalar_prefetch = 0 : i64, scratch_operands = 0 : i64, tpu.core_type = #tpu.core_type<tc>, window_params = [{transform_indices = @transform_0, window_bounds = array<i64: 1, 4, 400000>}, {transform_indices = @transform_1, window_bounds = array<i64: 1, 1, 400000>}, {transform_indices = @transform_2, window_bounds = array<i64: 1, 1, 400000>}]} {
    %get3A = arith.constant 0 : index
    %get3A_0 = arith.constant 1 : index
    %get3A_1 = arith.constant 0 : index
    %get3A_2 = vector.load %arg1[%get3A, %get3A_0, %get3A_1] : memref<1x4x400000xi32, #tpu.memory_space<vmem>>, vector<1x1x400000xi32>
    %get3A_3 = vector.shape_cast %get3A_2 : vector<1x1x400000xi32> to vector<400000xi32>
    %get3A_4 = arith.constant 0 : index
    %get3A_5 = arith.constant 2 : index
    %get3A_6 = arith.constant 0 : index
    %get3A_7 = vector.load %arg1[%get3A_4, %get3A_5, %get3A_6] : memref<1x4x400000xi32, #tpu.memory_space<vmem>>, vector<1x1x400000xi32>
    %get3A_8 = vector.shape_cast %get3A_7 : vector<1x1x400000xi32> to vector<400000xi32>
    %get3A_9 = arith.constant 0 : index
    %get3A_10 = arith.constant 3 : index
    %get3A_11 = arith.constant 0 : index
    %get3A_12 = vector.load %arg1[%get3A_9, %get3A_10, %get3A_11] : memref<1x4x400000xi32, #tpu.memory_space<vmem>>, vector<1x1x400000xi32>
    %get3A_13 = vector.shape_cast %get3A_12 : vector<1x1x400000xi32> to vector<400000xi32>
    %mul3A = arith.constant 8 : i32
    %mul3A_14 = vector.broadcast %mul3A : i32 to vector<400000xi32>
    %mul3A_15 = arith.muli %get3A_3, %mul3A_14 : vector<400000xi32>
    %add3A = arith.addi %mul3A_15, %get3A_8 : vector<400000xi32>
    %mul3A_16 = arith.constant 20000 : i32
    %mul3A_17 = vector.broadcast %mul3A_16 : i32 to vector<400000xi32>
    %mul3A_18 = arith.muli %add3A, %mul3A_17 : vector<400000xi32>
    %add3A_19 = arith.addi %mul3A_18, %get3A_13 : vector<400000xi32>
    %reshape3A = vector.shape_cast %add3A_19 : vector<400000xi32> to vector<1x1x400000xi32>
    %swap3A = arith.constant 0 : index
    %swap3A_20 = arith.constant 0 : index
    %swap3A_21 = arith.constant 0 : index
    %swap3A_22 = vector.load %arg2[%swap3A, %swap3A_20, %swap3A_21] : memref<1x1x400000xi32, #tpu.memory_space<vmem>>, vector<1x1x400000xi32>
    tpu.vector_store %arg2[%swap3A, %swap3A_20, %swap3A_21], %reshape3A {strides = array<i32>} : memref<1x1x400000xi32, #tpu.memory_space<vmem>>, vector<1x1x400000xi32>,
    %get3A_23 = arith.constant 0 : index
    %get3A_24 = arith.constant 0 : index
    %get3A_25 = arith.constant 0 : index
    %get3A_26 = vector.load %arg1[%get3A_23, %get3A_24, %get3A_25] : memref<1x4x400000xi32, #tpu.memory_space<vmem>>, vector<1x1x400000xi32>
    %get3A_27 = vector.shape_cast %get3A_26 : vector<1x1x400000xi32> to vector<400000xi32>
    %reshape3A_28 = vector.shape_cast %get3A_27 : vector<400000xi32> to vector<1x1x400000xi32>
    %swap3A_29 = arith.constant 0 : index
    %swap3A_30 = arith.constant 0 : index
    %swap3A_31 = arith.constant 0 : index
    %swap3A_32 = vector.load %arg3[%swap3A_29, %swap3A_30, %swap3A_31] : memref<1x1x400000xi32, #tpu.memory_space<vmem>>, vector<1x1x400000xi32>
    tpu.vector_store %arg3[%swap3A_29, %swap3A_30, %swap3A_31], %reshape3A_28 {strides = array<i32>} : memref<1x1x400000xi32, #tpu.memory_space<vmem>>, vector<1x1x400000xi32>,
    return
  }
  func.func @transform_0(%arg0: i32) -> (i32, i32, i32) {
    %c0_i32 = arith.constant 0 : i32
    %c0_i32_0 = arith.constant 0 : i32
    %c0_i32_1 = arith.constant 0 : i32
    return %arg0, %c0_i32, %c0_i32_0 : i32, i32, i32
  }
  func.func @transform_1(%arg0: i32) -> (i32, i32, i32) {
    %c0_i32 = arith.constant 0 : i32
    %c0_i32_0 = arith.constant 0 : i32
    %c0_i32_1 = arith.constant 0 : i32
    return %arg0, %c0_i32, %c0_i32_0 : i32, i32, i32
  }
  func.func @transform_2(%arg0: i32) -> (i32, i32, i32) {
    %c0_i32 = arith.constant 0 : i32
    %c0_i32_0 = arith.constant 0 : i32
    %c0_i32_1 = arith.constant 0 : i32
    return %arg0, %c0_i32, %c0_i32_0 : i32, i32, i32
  }
}

module attributes {stable_mosaic.version = 14 : i64} {
  func.func @_flat(%arg0: memref<2x8x20000xf32, #tpu.memory_space<vmem>>, %arg1: memref<2x8x20000xf32, #tpu.memory_space<vmem>>, %arg2: memref<320000xf32, #tpu.memory_space<vmem>>, %arg3: memref<320000xf32, #tpu.memory_space<vmem>>) attributes {dimension_semantics = [], scalar_prefetch = 0 : i64, scratch_operands = 0 : i64, tpu.core_type = #tpu.core_type<tc>} {
    %get3A = arith.constant 0 : index
    %get3A_0 = arith.constant 0 : index
    %get3A_1 = arith.constant 0 : index
    %get3A_2 = vector.load %arg0[%get3A, %get3A_0, %get3A_1] : memref<2x8x20000xf32, #tpu.memory_space<vmem>>, vector<1x1x20000xf32>
    %get3A_3 = vector.shape_cast %get3A_2 : vector<1x1x20000xf32> to vector<20000xf32>
    %swap3A = arith.constant 0 : index
    %swap3A_4 = vector.load %arg2[%swap3A] : memref<320000xf32, #tpu.memory_space<vmem>>, vector<20000xf32>
    tpu.vector_store %arg2[%swap3A], %get3A_3 {strides = array<i32>} : memref<320000xf32, #tpu.memory_space<vmem>>, vector<20000xf32>,
    %get3A_5 = arith.constant 0 : index
    %get3A_6 = arith.constant 0 : index
    %get3A_7 = arith.constant 0 : index
    %get3A_8 = vector.load %arg1[%get3A_5, %get3A_6, %get3A_7] : memref<2x8x20000xf32, #tpu.memory_space<vmem>>, vector<1x1x20000xf32>
    %get3A_9 = vector.shape_cast %get3A_8 : vector<1x1x20000xf32> to vector<20000xf32>
    %swap3A_10 = arith.constant 0 : index
    %swap3A_11 = vector.load %arg3[%swap3A_10] : memref<320000xf32, #tpu.memory_space<vmem>>, vector<20000xf32>
    tpu.vector_store %arg3[%swap3A_10], %get3A_9 {strides = array<i32>} : memref<320000xf32, #tpu.memory_space<vmem>>, vector<20000xf32>,
    %get3A_12 = arith.constant 0 : index
    %get3A_13 = arith.constant 1 : index
    %get3A_14 = arith.constant 0 : index
    %get3A_15 = vector.load %arg0[%get3A_12, %get3A_13, %get3A_14] : memref<2x8x20000xf32, #tpu.memory_space<vmem>>, vector<1x1x20000xf32>
    %get3A_16 = vector.shape_cast %get3A_15 : vector<1x1x20000xf32> to vector<20000xf32>
    %swap3A_17 = arith.constant 20000 : index
    %swap3A_18 = vector.load %arg2[%swap3A_17] : memref<320000xf32, #tpu.memory_space<vmem>>, vector<20000xf32>
    tpu.vector_store %arg2[%swap3A_17], %get3A_16 {strides = array<i32>} : memref<320000xf32, #tpu.memory_space<vmem>>, vector<20000xf32>,
    %get3A_19 = arith.constant 0 : index
    %get3A_20 = arith.constant 1 : index
    %get3A_21 = arith.constant 0 : index
    %get3A_22 = vector.load %arg1[%get3A_19, %get3A_20, %get3A_21] : memref<2x8x20000xf32, #tpu.memory_space<vmem>>, vector<1x1x20000xf32>
    %get3A_23 = vector.shape_cast %get3A_22 : vector<1x1x20000xf32> to vector<20000xf32>
    %swap3A_24 = arith.constant 20000 : index
    %swap3A_25 = vector.load %arg3[%swap3A_24] : memref<320000xf32, #tpu.memory_space<vmem>>, vector<20000xf32>
    tpu.vector_store %arg3[%swap3A_24], %get3A_23 {strides = array<i32>} : memref<320000xf32, #tpu.memory_space<vmem>>, vector<20000xf32>,
    %get3A_26 = arith.constant 0 : index
    %get3A_27 = arith.constant 2 : index
    %get3A_28 = arith.constant 0 : index
    %get3A_29 = vector.load %arg0[%get3A_26, %get3A_27, %get3A_28] : memref<2x8x20000xf32, #tpu.memory_space<vmem>>, vector<1x1x20000xf32>
    %get3A_30 = vector.shape_cast %get3A_29 : vector<1x1x20000xf32> to vector<20000xf32>
    %swap3A_31 = arith.constant 40000 : index
    %swap3A_32 = vector.load %arg2[%swap3A_31] : memref<320000xf32, #tpu.memory_space<vmem>>, vector<20000xf32>
    tpu.vector_store %arg2[%swap3A_31], %get3A_30 {strides = array<i32>} : memref<320000xf32, #tpu.memory_space<vmem>>, vector<20000xf32>,
    %get3A_33 = arith.constant 0 : index
    %get3A_34 = arith.constant 2 : index
    %get3A_35 = arith.constant 0 : index
    %get3A_36 = vector.load %arg1[%get3A_33, %get3A_34, %get3A_35] : memref<2x8x20000xf32, #tpu.memory_space<vmem>>, vector<1x1x20000xf32>
    %get3A_37 = vector.shape_cast %get3A_36 : vector<1x1x20000xf32> to vector<20000xf32>
    %swap3A_38 = arith.constant 40000 : index
    %swap3A_39 = vector.load %arg3[%swap3A_38] : memref<320000xf32, #tpu.memory_space<vmem>>, vector<20000xf32>
    tpu.vector_store %arg3[%swap3A_38], %get3A_37 {strides = array<i32>} : memref<320000xf32, #tpu.memory_space<vmem>>, vector<20000xf32>,
    %get3A_40 = arith.constant 0 : index
    %get3A_41 = arith.constant 3 : index
    %get3A_42 = arith.constant 0 : index
    %get3A_43 = vector.load %arg0[%get3A_40, %get3A_41, %get3A_42] : memref<2x8x20000xf32, #tpu.memory_space<vmem>>, vector<1x1x20000xf32>
    %get3A_44 = vector.shape_cast %get3A_43 : vector<1x1x20000xf32> to vector<20000xf32>
    %swap3A_45 = arith.constant 60000 : index
    %swap3A_46 = vector.load %arg2[%swap3A_45] : memref<320000xf32, #tpu.memory_space<vmem>>, vector<20000xf32>
    tpu.vector_store %arg2[%swap3A_45], %get3A_44 {strides = array<i32>} : memref<320000xf32, #tpu.memory_space<vmem>>, vector<20000xf32>,
    %get3A_47 = arith.constant 0 : index
    %get3A_48 = arith.constant 3 : index
    %get3A_49 = arith.constant 0 : index
    %get3A_50 = vector.load %arg1[%get3A_47, %get3A_48, %get3A_49] : memref<2x8x20000xf32, #tpu.memory_space<vmem>>, vector<1x1x20000xf32>
    %get3A_51 = vector.shape_cast %get3A_50 : vector<1x1x20000xf32> to vector<20000xf32>
    %swap3A_52 = arith.constant 60000 : index
    %swap3A_53 = vector.load %arg3[%swap3A_52] : memref<320000xf32, #tpu.memory_space<vmem>>, vector<20000xf32>
    tpu.vector_store %arg3[%swap3A_52], %get3A_51 {strides = array<i32>} : memref<320000xf32, #tpu.memory_space<vmem>>, vector<20000xf32>,
    %get3A_54 = arith.constant 0 : index
    %get3A_55 = arith.constant 4 : index
    %get3A_56 = arith.constant 0 : index
    %get3A_57 = vector.load %arg0[%get3A_54, %get3A_55, %get3A_56] : memref<2x8x20000xf32, #tpu.memory_space<vmem>>, vector<1x1x20000xf32>
    %get3A_58 = vector.shape_cast %get3A_57 : vector<1x1x20000xf32> to vector<20000xf32>
    %swap3A_59 = arith.constant 80000 : index
    %swap3A_60 = vector.load %arg2[%swap3A_59] : memref<320000xf32, #tpu.memory_space<vmem>>, vector<20000xf32>
    tpu.vector_store %arg2[%swap3A_59], %get3A_58 {strides = array<i32>} : memref<320000xf32, #tpu.memory_space<vmem>>, vector<20000xf32>,
    %get3A_61 = arith.constant 0 : index
    %get3A_62 = arith.constant 4 : index
    %get3A_63 = arith.constant 0 : index
    %get3A_64 = vector.load %arg1[%get3A_61, %get3A_62, %get3A_63] : memref<2x8x20000xf32, #tpu.memory_space<vmem>>, vector<1x1x20000xf32>
    %get3A_65 = vector.shape_cast %get3A_64 : vector<1x1x20000xf32> to vector<20000xf32>
    %swap3A_66 = arith.constant 80000 : index
    %swap3A_67 = vector.load %arg3[%swap3A_66] : memref<320000xf32, #tpu.memory_space<vmem>>, vector<20000xf32>
    tpu.vector_store %arg3[%swap3A_66], %get3A_65 {strides = array<i32>} : memref<320000xf32, #tpu.memory_space<vmem>>, vector<20000xf32>,
    %get3A_68 = arith.constant 0 : index
    %get3A_69 = arith.constant 5 : index
    %get3A_70 = arith.constant 0 : index
    %get3A_71 = vector.load %arg0[%get3A_68, %get3A_69, %get3A_70] : memref<2x8x20000xf32, #tpu.memory_space<vmem>>, vector<1x1x20000xf32>
    %get3A_72 = vector.shape_cast %get3A_71 : vector<1x1x20000xf32> to vector<20000xf32>
    %swap3A_73 = arith.constant 100000 : index
    %swap3A_74 = vector.load %arg2[%swap3A_73] : memref<320000xf32, #tpu.memory_space<vmem>>, vector<20000xf32>
    tpu.vector_store %arg2[%swap3A_73], %get3A_72 {strides = array<i32>} : memref<320000xf32, #tpu.memory_space<vmem>>, vector<20000xf32>,
    %get3A_75 = arith.constant 0 : index
    %get3A_76 = arith.constant 5 : index
    %get3A_77 = arith.constant 0 : index
    %get3A_78 = vector.load %arg1[%get3A_75, %get3A_76, %get3A_77] : memref<2x8x20000xf32, #tpu.memory_space<vmem>>, vector<1x1x20000xf32>
    %get3A_79 = vector.shape_cast %get3A_78 : vector<1x1x20000xf32> to vector<20000xf32>
    %swap3A_80 = arith.constant 100000 : index
    %swap3A_81 = vector.load %arg3[%swap3A_80] : memref<320000xf32, #tpu.memory_space<vmem>>, vector<20000xf32>
    tpu.vector_store %arg3[%swap3A_80], %get3A_79 {strides = array<i32>} : memref<320000xf32, #tpu.memory_space<vmem>>, vector<20000xf32>,
    %get3A_82 = arith.constant 0 : index
    %get3A_83 = arith.constant 6 : index
    %get3A_84 = arith.constant 0 : index
    %get3A_85 = vector.load %arg0[%get3A_82, %get3A_83, %get3A_84] : memref<2x8x20000xf32, #tpu.memory_space<vmem>>, vector<1x1x20000xf32>
    %get3A_86 = vector.shape_cast %get3A_85 : vector<1x1x20000xf32> to vector<20000xf32>
    %swap3A_87 = arith.constant 120000 : index
    %swap3A_88 = vector.load %arg2[%swap3A_87] : memref<320000xf32, #tpu.memory_space<vmem>>, vector<20000xf32>
    tpu.vector_store %arg2[%swap3A_87], %get3A_86 {strides = array<i32>} : memref<320000xf32, #tpu.memory_space<vmem>>, vector<20000xf32>,
    %get3A_89 = arith.constant 0 : index
    %get3A_90 = arith.constant 6 : index
    %get3A_91 = arith.constant 0 : index
    %get3A_92 = vector.load %arg1[%get3A_89, %get3A_90, %get3A_91] : memref<2x8x20000xf32, #tpu.memory_space<vmem>>, vector<1x1x20000xf32>
    %get3A_93 = vector.shape_cast %get3A_92 : vector<1x1x20000xf32> to vector<20000xf32>
    %swap3A_94 = arith.constant 120000 : index
    %swap3A_95 = vector.load %arg3[%swap3A_94] : memref<320000xf32, #tpu.memory_space<vmem>>, vector<20000xf32>
    tpu.vector_store %arg3[%swap3A_94], %get3A_93 {strides = array<i32>} : memref<320000xf32, #tpu.memory_space<vmem>>, vector<20000xf32>,
    %get3A_96 = arith.constant 0 : index
    %get3A_97 = arith.constant 7 : index
    %get3A_98 = arith.constant 0 : index
    %get3A_99 = vector.load %arg0[%get3A_96, %get3A_97, %get3A_98] : memref<2x8x20000xf32, #tpu.memory_space<vmem>>, vector<1x1x20000xf32>
    %get3A_100 = vector.shape_cast %get3A_99 : vector<1x1x20000xf32> to vector<20000xf32>
    %swap3A_101 = arith.constant 140000 : index
    %swap3A_102 = vector.load %arg2[%swap3A_101] : memref<320000xf32, #tpu.memory_space<vmem>>, vector<20000xf32>
    tpu.vector_store %arg2[%swap3A_101], %get3A_100 {strides = array<i32>} : memref<320000xf32, #tpu.memory_space<vmem>>, vector<20000xf32>,
    %get3A_103 = arith.constant 0 : index
    %get3A_104 = arith.constant 7 : index
    %get3A_105 = arith.constant 0 : index
    %get3A_106 = vector.load %arg1[%get3A_103, %get3A_104, %get3A_105] : memref<2x8x20000xf32, #tpu.memory_space<vmem>>, vector<1x1x20000xf32>
    %get3A_107 = vector.shape_cast %get3A_106 : vector<1x1x20000xf32> to vector<20000xf32>
    %swap3A_108 = arith.constant 140000 : index
    %swap3A_109 = vector.load %arg3[%swap3A_108] : memref<320000xf32, #tpu.memory_space<vmem>>, vector<20000xf32>
    tpu.vector_store %arg3[%swap3A_108], %get3A_107 {strides = array<i32>} : memref<320000xf32, #tpu.memory_space<vmem>>, vector<20000xf32>,
    %get3A_110 = arith.constant 1 : index
    %get3A_111 = arith.constant 0 : index
    %get3A_112 = arith.constant 0 : index
    %get3A_113 = vector.load %arg0[%get3A_110, %get3A_111, %get3A_112] : memref<2x8x20000xf32, #tpu.memory_space<vmem>>, vector<1x1x20000xf32>
    %get3A_114 = vector.shape_cast %get3A_113 : vector<1x1x20000xf32> to vector<20000xf32>
    %swap3A_115 = arith.constant 160000 : index
    %swap3A_116 = vector.load %arg2[%swap3A_115] : memref<320000xf32, #tpu.memory_space<vmem>>, vector<20000xf32>
    tpu.vector_store %arg2[%swap3A_115], %get3A_114 {strides = array<i32>} : memref<320000xf32, #tpu.memory_space<vmem>>, vector<20000xf32>,
    %get3A_117 = arith.constant 1 : index
    %get3A_118 = arith.constant 0 : index
    %get3A_119 = arith.constant 0 : index
    %get3A_120 = vector.load %arg1[%get3A_117, %get3A_118, %get3A_119] : memref<2x8x20000xf32, #tpu.memory_space<vmem>>, vector<1x1x20000xf32>
    %get3A_121 = vector.shape_cast %get3A_120 : vector<1x1x20000xf32> to vector<20000xf32>
    %swap3A_122 = arith.constant 160000 : index
    %swap3A_123 = vector.load %arg3[%swap3A_122] : memref<320000xf32, #tpu.memory_space<vmem>>, vector<20000xf32>
    tpu.vector_store %arg3[%swap3A_122], %get3A_121 {strides = array<i32>} : memref<320000xf32, #tpu.memory_space<vmem>>, vector<20000xf32>,
    %get3A_124 = arith.constant 1 : index
    %get3A_125 = arith.constant 1 : index
    %get3A_126 = arith.constant 0 : index
    %get3A_127 = vector.load %arg0[%get3A_124, %get3A_125, %get3A_126] : memref<2x8x20000xf32, #tpu.memory_space<vmem>>, vector<1x1x20000xf32>
    %get3A_128 = vector.shape_cast %get3A_127 : vector<1x1x20000xf32> to vector<20000xf32>
    %swap3A_129 = arith.constant 180000 : index
    %swap3A_130 = vector.load %arg2[%swap3A_129] : memref<320000xf32, #tpu.memory_space<vmem>>, vector<20000xf32>
    tpu.vector_store %arg2[%swap3A_129], %get3A_128 {strides = array<i32>} : memref<320000xf32, #tpu.memory_space<vmem>>, vector<20000xf32>,
    %get3A_131 = arith.constant 1 : index
    %get3A_132 = arith.constant 1 : index
    %get3A_133 = arith.constant 0 : index
    %get3A_134 = vector.load %arg1[%get3A_131, %get3A_132, %get3A_133] : memref<2x8x20000xf32, #tpu.memory_space<vmem>>, vector<1x1x20000xf32>
    %get3A_135 = vector.shape_cast %get3A_134 : vector<1x1x20000xf32> to vector<20000xf32>
    %swap3A_136 = arith.constant 180000 : index
    %swap3A_137 = vector.load %arg3[%swap3A_136] : memref<320000xf32, #tpu.memory_space<vmem>>, vector<20000xf32>
    tpu.vector_store %arg3[%swap3A_136], %get3A_135 {strides = array<i32>} : memref<320000xf32, #tpu.memory_space<vmem>>, vector<20000xf32>,
    %get3A_138 = arith.constant 1 : index
    %get3A_139 = arith.constant 2 : index
    %get3A_140 = arith.constant 0 : index
    %get3A_141 = vector.load %arg0[%get3A_138, %get3A_139, %get3A_140] : memref<2x8x20000xf32, #tpu.memory_space<vmem>>, vector<1x1x20000xf32>
    %get3A_142 = vector.shape_cast %get3A_141 : vector<1x1x20000xf32> to vector<20000xf32>
    %swap3A_143 = arith.constant 200000 : index
    %swap3A_144 = vector.load %arg2[%swap3A_143] : memref<320000xf32, #tpu.memory_space<vmem>>, vector<20000xf32>
    tpu.vector_store %arg2[%swap3A_143], %get3A_142 {strides = array<i32>} : memref<320000xf32, #tpu.memory_space<vmem>>, vector<20000xf32>,
    %get3A_145 = arith.constant 1 : index
    %get3A_146 = arith.constant 2 : index
    %get3A_147 = arith.constant 0 : index
    %get3A_148 = vector.load %arg1[%get3A_145, %get3A_146, %get3A_147] : memref<2x8x20000xf32, #tpu.memory_space<vmem>>, vector<1x1x20000xf32>
    %get3A_149 = vector.shape_cast %get3A_148 : vector<1x1x20000xf32> to vector<20000xf32>
    %swap3A_150 = arith.constant 200000 : index
    %swap3A_151 = vector.load %arg3[%swap3A_150] : memref<320000xf32, #tpu.memory_space<vmem>>, vector<20000xf32>
    tpu.vector_store %arg3[%swap3A_150], %get3A_149 {strides = array<i32>} : memref<320000xf32, #tpu.memory_space<vmem>>, vector<20000xf32>,
    %get3A_152 = arith.constant 1 : index
    %get3A_153 = arith.constant 3 : index
    %get3A_154 = arith.constant 0 : index
    %get3A_155 = vector.load %arg0[%get3A_152, %get3A_153, %get3A_154] : memref<2x8x20000xf32, #tpu.memory_space<vmem>>, vector<1x1x20000xf32>
    %get3A_156 = vector.shape_cast %get3A_155 : vector<1x1x20000xf32> to vector<20000xf32>
    %swap3A_157 = arith.constant 220000 : index
    %swap3A_158 = vector.load %arg2[%swap3A_157] : memref<320000xf32, #tpu.memory_space<vmem>>, vector<20000xf32>
    tpu.vector_store %arg2[%swap3A_157], %get3A_156 {strides = array<i32>} : memref<320000xf32, #tpu.memory_space<vmem>>, vector<20000xf32>,
    %get3A_159 = arith.constant 1 : index
    %get3A_160 = arith.constant 3 : index
    %get3A_161 = arith.constant 0 : index
    %get3A_162 = vector.load %arg1[%get3A_159, %get3A_160, %get3A_161] : memref<2x8x20000xf32, #tpu.memory_space<vmem>>, vector<1x1x20000xf32>
    %get3A_163 = vector.shape_cast %get3A_162 : vector<1x1x20000xf32> to vector<20000xf32>
    %swap3A_164 = arith.constant 220000 : index
    %swap3A_165 = vector.load %arg3[%swap3A_164] : memref<320000xf32, #tpu.memory_space<vmem>>, vector<20000xf32>
    tpu.vector_store %arg3[%swap3A_164], %get3A_163 {strides = array<i32>} : memref<320000xf32, #tpu.memory_space<vmem>>, vector<20000xf32>,
    %get3A_166 = arith.constant 1 : index
    %get3A_167 = arith.constant 4 : index
    %get3A_168 = arith.constant 0 : index
    %get3A_169 = vector.load %arg0[%get3A_166, %get3A_167, %get3A_168] : memref<2x8x20000xf32, #tpu.memory_space<vmem>>, vector<1x1x20000xf32>
    %get3A_170 = vector.shape_cast %get3A_169 : vector<1x1x20000xf32> to vector<20000xf32>
    %swap3A_171 = arith.constant 240000 : index
    %swap3A_172 = vector.load %arg2[%swap3A_171] : memref<320000xf32, #tpu.memory_space<vmem>>, vector<20000xf32>
    tpu.vector_store %arg2[%swap3A_171], %get3A_170 {strides = array<i32>} : memref<320000xf32, #tpu.memory_space<vmem>>, vector<20000xf32>,
    %get3A_173 = arith.constant 1 : index
    %get3A_174 = arith.constant 4 : index
    %get3A_175 = arith.constant 0 : index
    %get3A_176 = vector.load %arg1[%get3A_173, %get3A_174, %get3A_175] : memref<2x8x20000xf32, #tpu.memory_space<vmem>>, vector<1x1x20000xf32>
    %get3A_177 = vector.shape_cast %get3A_176 : vector<1x1x20000xf32> to vector<20000xf32>
    %swap3A_178 = arith.constant 240000 : index
    %swap3A_179 = vector.load %arg3[%swap3A_178] : memref<320000xf32, #tpu.memory_space<vmem>>, vector<20000xf32>
    tpu.vector_store %arg3[%swap3A_178], %get3A_177 {strides = array<i32>} : memref<320000xf32, #tpu.memory_space<vmem>>, vector<20000xf32>,
    %get3A_180 = arith.constant 1 : index
    %get3A_181 = arith.constant 5 : index
    %get3A_182 = arith.constant 0 : index
    %get3A_183 = vector.load %arg0[%get3A_180, %get3A_181, %get3A_182] : memref<2x8x20000xf32, #tpu.memory_space<vmem>>, vector<1x1x20000xf32>
    %get3A_184 = vector.shape_cast %get3A_183 : vector<1x1x20000xf32> to vector<20000xf32>
    %swap3A_185 = arith.constant 260000 : index
    %swap3A_186 = vector.load %arg2[%swap3A_185] : memref<320000xf32, #tpu.memory_space<vmem>>, vector<20000xf32>
    tpu.vector_store %arg2[%swap3A_185], %get3A_184 {strides = array<i32>} : memref<320000xf32, #tpu.memory_space<vmem>>, vector<20000xf32>,
    %get3A_187 = arith.constant 1 : index
    %get3A_188 = arith.constant 5 : index
    %get3A_189 = arith.constant 0 : index
    %get3A_190 = vector.load %arg1[%get3A_187, %get3A_188, %get3A_189] : memref<2x8x20000xf32, #tpu.memory_space<vmem>>, vector<1x1x20000xf32>
    %get3A_191 = vector.shape_cast %get3A_190 : vector<1x1x20000xf32> to vector<20000xf32>
    %swap3A_192 = arith.constant 260000 : index
    %swap3A_193 = vector.load %arg3[%swap3A_192] : memref<320000xf32, #tpu.memory_space<vmem>>, vector<20000xf32>
    tpu.vector_store %arg3[%swap3A_192], %get3A_191 {strides = array<i32>} : memref<320000xf32, #tpu.memory_space<vmem>>, vector<20000xf32>,
    %get3A_194 = arith.constant 1 : index
    %get3A_195 = arith.constant 6 : index
    %get3A_196 = arith.constant 0 : index
    %get3A_197 = vector.load %arg0[%get3A_194, %get3A_195, %get3A_196] : memref<2x8x20000xf32, #tpu.memory_space<vmem>>, vector<1x1x20000xf32>
    %get3A_198 = vector.shape_cast %get3A_197 : vector<1x1x20000xf32> to vector<20000xf32>
    %swap3A_199 = arith.constant 280000 : index
    %swap3A_200 = vector.load %arg2[%swap3A_199] : memref<320000xf32, #tpu.memory_space<vmem>>, vector<20000xf32>
    tpu.vector_store %arg2[%swap3A_199], %get3A_198 {strides = array<i32>} : memref<320000xf32, #tpu.memory_space<vmem>>, vector<20000xf32>,
    %get3A_201 = arith.constant 1 : index
    %get3A_202 = arith.constant 6 : index
    %get3A_203 = arith.constant 0 : index
    %get3A_204 = vector.load %arg1[%get3A_201, %get3A_202, %get3A_203] : memref<2x8x20000xf32, #tpu.memory_space<vmem>>, vector<1x1x20000xf32>
    %get3A_205 = vector.shape_cast %get3A_204 : vector<1x1x20000xf32> to vector<20000xf32>
    %swap3A_206 = arith.constant 280000 : index
    %swap3A_207 = vector.load %arg3[%swap3A_206] : memref<320000xf32, #tpu.memory_space<vmem>>, vector<20000xf32>
    tpu.vector_store %arg3[%swap3A_206], %get3A_205 {strides = array<i32>} : memref<320000xf32, #tpu.memory_space<vmem>>, vector<20000xf32>,
    %get3A_208 = arith.constant 1 : index
    %get3A_209 = arith.constant 7 : index
    %get3A_210 = arith.constant 0 : index
    %get3A_211 = vector.load %arg0[%get3A_208, %get3A_209, %get3A_210] : memref<2x8x20000xf32, #tpu.memory_space<vmem>>, vector<1x1x20000xf32>
    %get3A_212 = vector.shape_cast %get3A_211 : vector<1x1x20000xf32> to vector<20000xf32>
    %swap3A_213 = arith.constant 300000 : index
    %swap3A_214 = vector.load %arg2[%swap3A_213] : memref<320000xf32, #tpu.memory_space<vmem>>, vector<20000xf32>
    tpu.vector_store %arg2[%swap3A_213], %get3A_212 {strides = array<i32>} : memref<320000xf32, #tpu.memory_space<vmem>>, vector<20000xf32>,
    %get3A_215 = arith.constant 1 : index
    %get3A_216 = arith.constant 7 : index
    %get3A_217 = arith.constant 0 : index
    %get3A_218 = vector.load %arg1[%get3A_215, %get3A_216, %get3A_217] : memref<2x8x20000xf32, #tpu.memory_space<vmem>>, vector<1x1x20000xf32>
    %get3A_219 = vector.shape_cast %get3A_218 : vector<1x1x20000xf32> to vector<20000xf32>
    %swap3A_220 = arith.constant 300000 : index
    %swap3A_221 = vector.load %arg3[%swap3A_220] : memref<320000xf32, #tpu.memory_space<vmem>>, vector<20000xf32>
    tpu.vector_store %arg3[%swap3A_220], %get3A_219 {strides = array<i32>} : memref<320000xf32, #tpu.memory_space<vmem>>, vector<20000xf32>,
    return
  }
}

module attributes {stable_mosaic.version = 14 : i64} {
  func.func @_asm(%arg0: memref<320000xf32, #tpu.memory_space<vmem>>, %arg1: memref<320000xf32, #tpu.memory_space<vmem>>, %arg2: memref<2x2x8x20000xf32, #tpu.memory_space<vmem>>) attributes {dimension_semantics = [], scalar_prefetch = 0 : i64, scratch_operands = 0 : i64, tpu.core_type = #tpu.core_type<tc>} {
    %get3A = arith.constant 0 : index
    %get3A_0 = vector.load %arg0[%get3A] : memref<320000xf32, #tpu.memory_space<vmem>>, vector<20000xf32>
    %swap3A = arith.constant 0 : index
    %swap3A_1 = arith.constant 0 : index
    %swap3A_2 = arith.constant 0 : index
    %swap3A_3 = arith.constant 0 : index
    %swap3A_4 = vector.load %arg2[%swap3A, %swap3A_1, %swap3A_2, %swap3A_3] : memref<2x2x8x20000xf32, #tpu.memory_space<vmem>>, vector<1x1x1x20000xf32>
    %swap3A_5 = vector.shape_cast %swap3A_4 : vector<1x1x1x20000xf32> to vector<20000xf32>
    %swap3A_6 = vector.shape_cast %get3A_0 : vector<20000xf32> to vector<1x1x1x20000xf32>
    tpu.vector_store %arg2[%swap3A, %swap3A_1, %swap3A_2, %swap3A_3], %swap3A_6 {strides = array<i32>} : memref<2x2x8x20000xf32, #tpu.memory_space<vmem>>, vector<1x1x1x20000xf32>,
    %get3A_7 = arith.constant 20000 : index
    %get3A_8 = vector.load %arg0[%get3A_7] : memref<320000xf32, #tpu.memory_space<vmem>>, vector<20000xf32>
    %swap3A_9 = arith.constant 0 : index
    %swap3A_10 = arith.constant 0 : index
    %swap3A_11 = arith.constant 1 : index
    %swap3A_12 = arith.constant 0 : index
    %swap3A_13 = vector.load %arg2[%swap3A_9, %swap3A_10, %swap3A_11, %swap3A_12] : memref<2x2x8x20000xf32, #tpu.memory_space<vmem>>, vector<1x1x1x20000xf32>
    %swap3A_14 = vector.shape_cast %swap3A_13 : vector<1x1x1x20000xf32> to vector<20000xf32>
    %swap3A_15 = vector.shape_cast %get3A_8 : vector<20000xf32> to vector<1x1x1x20000xf32>
    tpu.vector_store %arg2[%swap3A_9, %swap3A_10, %swap3A_11, %swap3A_12], %swap3A_15 {strides = array<i32>} : memref<2x2x8x20000xf32, #tpu.memory_space<vmem>>, vector<1x1x1x20000xf32>,
    %get3A_16 = arith.constant 40000 : index
    %get3A_17 = vector.load %arg0[%get3A_16] : memref<320000xf32, #tpu.memory_space<vmem>>, vector<20000xf32>
    %swap3A_18 = arith.constant 0 : index
    %swap3A_19 = arith.constant 0 : index
    %swap3A_20 = arith.constant 2 : index
    %swap3A_21 = arith.constant 0 : index
    %swap3A_22 = vector.load %arg2[%swap3A_18, %swap3A_19, %swap3A_20, %swap3A_21] : memref<2x2x8x20000xf32, #tpu.memory_space<vmem>>, vector<1x1x1x20000xf32>
    %swap3A_23 = vector.shape_cast %swap3A_22 : vector<1x1x1x20000xf32> to vector<20000xf32>
    %swap3A_24 = vector.shape_cast %get3A_17 : vector<20000xf32> to vector<1x1x1x20000xf32>
    tpu.vector_store %arg2[%swap3A_18, %swap3A_19, %swap3A_20, %swap3A_21], %swap3A_24 {strides = array<i32>} : memref<2x2x8x20000xf32, #tpu.memory_space<vmem>>, vector<1x1x1x20000xf32>,
    %get3A_25 = arith.constant 60000 : index
    %get3A_26 = vector.load %arg0[%get3A_25] : memref<320000xf32, #tpu.memory_space<vmem>>, vector<20000xf32>
    %swap3A_27 = arith.constant 0 : index
    %swap3A_28 = arith.constant 0 : index
    %swap3A_29 = arith.constant 3 : index
    %swap3A_30 = arith.constant 0 : index
    %swap3A_31 = vector.load %arg2[%swap3A_27, %swap3A_28, %swap3A_29, %swap3A_30] : memref<2x2x8x20000xf32, #tpu.memory_space<vmem>>, vector<1x1x1x20000xf32>
    %swap3A_32 = vector.shape_cast %swap3A_31 : vector<1x1x1x20000xf32> to vector<20000xf32>
    %swap3A_33 = vector.shape_cast %get3A_26 : vector<20000xf32> to vector<1x1x1x20000xf32>
    tpu.vector_store %arg2[%swap3A_27, %swap3A_28, %swap3A_29, %swap3A_30], %swap3A_33 {strides = array<i32>} : memref<2x2x8x20000xf32, #tpu.memory_space<vmem>>, vector<1x1x1x20000xf32>,
    %get3A_34 = arith.constant 80000 : index
    %get3A_35 = vector.load %arg0[%get3A_34] : memref<320000xf32, #tpu.memory_space<vmem>>, vector<20000xf32>
    %swap3A_36 = arith.constant 0 : index
    %swap3A_37 = arith.constant 0 : index
    %swap3A_38 = arith.constant 4 : index
    %swap3A_39 = arith.constant 0 : index
    %swap3A_40 = vector.load %arg2[%swap3A_36, %swap3A_37, %swap3A_38, %swap3A_39] : memref<2x2x8x20000xf32, #tpu.memory_space<vmem>>, vector<1x1x1x20000xf32>
    %swap3A_41 = vector.shape_cast %swap3A_40 : vector<1x1x1x20000xf32> to vector<20000xf32>
    %swap3A_42 = vector.shape_cast %get3A_35 : vector<20000xf32> to vector<1x1x1x20000xf32>
    tpu.vector_store %arg2[%swap3A_36, %swap3A_37, %swap3A_38, %swap3A_39], %swap3A_42 {strides = array<i32>} : memref<2x2x8x20000xf32, #tpu.memory_space<vmem>>, vector<1x1x1x20000xf32>,
    %get3A_43 = arith.constant 100000 : index
    %get3A_44 = vector.load %arg0[%get3A_43] : memref<320000xf32, #tpu.memory_space<vmem>>, vector<20000xf32>
    %swap3A_45 = arith.constant 0 : index
    %swap3A_46 = arith.constant 0 : index
    %swap3A_47 = arith.constant 5 : index
    %swap3A_48 = arith.constant 0 : index
    %swap3A_49 = vector.load %arg2[%swap3A_45, %swap3A_46, %swap3A_47, %swap3A_48] : memref<2x2x8x20000xf32, #tpu.memory_space<vmem>>, vector<1x1x1x20000xf32>
    %swap3A_50 = vector.shape_cast %swap3A_49 : vector<1x1x1x20000xf32> to vector<20000xf32>
    %swap3A_51 = vector.shape_cast %get3A_44 : vector<20000xf32> to vector<1x1x1x20000xf32>
    tpu.vector_store %arg2[%swap3A_45, %swap3A_46, %swap3A_47, %swap3A_48], %swap3A_51 {strides = array<i32>} : memref<2x2x8x20000xf32, #tpu.memory_space<vmem>>, vector<1x1x1x20000xf32>,
    %get3A_52 = arith.constant 120000 : index
    %get3A_53 = vector.load %arg0[%get3A_52] : memref<320000xf32, #tpu.memory_space<vmem>>, vector<20000xf32>
    %swap3A_54 = arith.constant 0 : index
    %swap3A_55 = arith.constant 0 : index
    %swap3A_56 = arith.constant 6 : index
    %swap3A_57 = arith.constant 0 : index
    %swap3A_58 = vector.load %arg2[%swap3A_54, %swap3A_55, %swap3A_56, %swap3A_57] : memref<2x2x8x20000xf32, #tpu.memory_space<vmem>>, vector<1x1x1x20000xf32>
    %swap3A_59 = vector.shape_cast %swap3A_58 : vector<1x1x1x20000xf32> to vector<20000xf32>
    %swap3A_60 = vector.shape_cast %get3A_53 : vector<20000xf32> to vector<1x1x1x20000xf32>
    tpu.vector_store %arg2[%swap3A_54, %swap3A_55, %swap3A_56, %swap3A_57], %swap3A_60 {strides = array<i32>} : memref<2x2x8x20000xf32, #tpu.memory_space<vmem>>, vector<1x1x1x20000xf32>,
    %get3A_61 = arith.constant 140000 : index
    %get3A_62 = vector.load %arg0[%get3A_61] : memref<320000xf32, #tpu.memory_space<vmem>>, vector<20000xf32>
    %swap3A_63 = arith.constant 0 : index
    %swap3A_64 = arith.constant 0 : index
    %swap3A_65 = arith.constant 7 : index
    %swap3A_66 = arith.constant 0 : index
    %swap3A_67 = vector.load %arg2[%swap3A_63, %swap3A_64, %swap3A_65, %swap3A_66] : memref<2x2x8x20000xf32, #tpu.memory_space<vmem>>, vector<1x1x1x20000xf32>
    %swap3A_68 = vector.shape_cast %swap3A_67 : vector<1x1x1x20000xf32> to vector<20000xf32>
    %swap3A_69 = vector.shape_cast %get3A_62 : vector<20000xf32> to vector<1x1x1x20000xf32>
    tpu.vector_store %arg2[%swap3A_63, %swap3A_64, %swap3A_65, %swap3A_66], %swap3A_69 {strides = array<i32>} : memref<2x2x8x20000xf32, #tpu.memory_space<vmem>>, vector<1x1x1x20000xf32>,
    %get3A_70 = arith.constant 160000 : index
    %get3A_71 = vector.load %arg0[%get3A_70] : memref<320000xf32, #tpu.memory_space<vmem>>, vector<20000xf32>
    %swap3A_72 = arith.constant 0 : index
    %swap3A_73 = arith.constant 1 : index
    %swap3A_74 = arith.constant 0 : index
    %swap3A_75 = arith.constant 0 : index
    %swap3A_76 = vector.load %arg2[%swap3A_72, %swap3A_73, %swap3A_74, %swap3A_75] : memref<2x2x8x20000xf32, #tpu.memory_space<vmem>>, vector<1x1x1x20000xf32>
    %swap3A_77 = vector.shape_cast %swap3A_76 : vector<1x1x1x20000xf32> to vector<20000xf32>
    %swap3A_78 = vector.shape_cast %get3A_71 : vector<20000xf32> to vector<1x1x1x20000xf32>
    tpu.vector_store %arg2[%swap3A_72, %swap3A_73, %swap3A_74, %swap3A_75], %swap3A_78 {strides = array<i32>} : memref<2x2x8x20000xf32, #tpu.memory_space<vmem>>, vector<1x1x1x20000xf32>,
    %get3A_79 = arith.constant 180000 : index
    %get3A_80 = vector.load %arg0[%get3A_79] : memref<320000xf32, #tpu.memory_space<vmem>>, vector<20000xf32>
    %swap3A_81 = arith.constant 0 : index
    %swap3A_82 = arith.constant 1 : index
    %swap3A_83 = arith.constant 1 : index
    %swap3A_84 = arith.constant 0 : index
    %swap3A_85 = vector.load %arg2[%swap3A_81, %swap3A_82, %swap3A_83, %swap3A_84] : memref<2x2x8x20000xf32, #tpu.memory_space<vmem>>, vector<1x1x1x20000xf32>
    %swap3A_86 = vector.shape_cast %swap3A_85 : vector<1x1x1x20000xf32> to vector<20000xf32>
    %swap3A_87 = vector.shape_cast %get3A_80 : vector<20000xf32> to vector<1x1x1x20000xf32>
    tpu.vector_store %arg2[%swap3A_81, %swap3A_82, %swap3A_83, %swap3A_84], %swap3A_87 {strides = array<i32>} : memref<2x2x8x20000xf32, #tpu.memory_space<vmem>>, vector<1x1x1x20000xf32>,
    %get3A_88 = arith.constant 200000 : index
    %get3A_89 = vector.load %arg0[%get3A_88] : memref<320000xf32, #tpu.memory_space<vmem>>, vector<20000xf32>
    %swap3A_90 = arith.constant 0 : index
    %swap3A_91 = arith.constant 1 : index
    %swap3A_92 = arith.constant 2 : index
    %swap3A_93 = arith.constant 0 : index
    %swap3A_94 = vector.load %arg2[%swap3A_90, %swap3A_91, %swap3A_92, %swap3A_93] : memref<2x2x8x20000xf32, #tpu.memory_space<vmem>>, vector<1x1x1x20000xf32>
    %swap3A_95 = vector.shape_cast %swap3A_94 : vector<1x1x1x20000xf32> to vector<20000xf32>
    %swap3A_96 = vector.shape_cast %get3A_89 : vector<20000xf32> to vector<1x1x1x20000xf32>
    tpu.vector_store %arg2[%swap3A_90, %swap3A_91, %swap3A_92, %swap3A_93], %swap3A_96 {strides = array<i32>} : memref<2x2x8x20000xf32, #tpu.memory_space<vmem>>, vector<1x1x1x20000xf32>,
    %get3A_97 = arith.constant 220000 : index
    %get3A_98 = vector.load %arg0[%get3A_97] : memref<320000xf32, #tpu.memory_space<vmem>>, vector<20000xf32>
    %swap3A_99 = arith.constant 0 : index
    %swap3A_100 = arith.constant 1 : index
    %swap3A_101 = arith.constant 3 : index
    %swap3A_102 = arith.constant 0 : index
    %swap3A_103 = vector.load %arg2[%swap3A_99, %swap3A_100, %swap3A_101, %swap3A_102] : memref<2x2x8x20000xf32, #tpu.memory_space<vmem>>, vector<1x1x1x20000xf32>
    %swap3A_104 = vector.shape_cast %swap3A_103 : vector<1x1x1x20000xf32> to vector<20000xf32>
    %swap3A_105 = vector.shape_cast %get3A_98 : vector<20000xf32> to vector<1x1x1x20000xf32>
    tpu.vector_store %arg2[%swap3A_99, %swap3A_100, %swap3A_101, %swap3A_102], %swap3A_105 {strides = array<i32>} : memref<2x2x8x20000xf32, #tpu.memory_space<vmem>>, vector<1x1x1x20000xf32>,
    %get3A_106 = arith.constant 240000 : index
    %get3A_107 = vector.load %arg0[%get3A_106] : memref<320000xf32, #tpu.memory_space<vmem>>, vector<20000xf32>
    %swap3A_108 = arith.constant 0 : index
    %swap3A_109 = arith.constant 1 : index
    %swap3A_110 = arith.constant 4 : index
    %swap3A_111 = arith.constant 0 : index
    %swap3A_112 = vector.load %arg2[%swap3A_108, %swap3A_109, %swap3A_110, %swap3A_111] : memref<2x2x8x20000xf32, #tpu.memory_space<vmem>>, vector<1x1x1x20000xf32>
    %swap3A_113 = vector.shape_cast %swap3A_112 : vector<1x1x1x20000xf32> to vector<20000xf32>
    %swap3A_114 = vector.shape_cast %get3A_107 : vector<20000xf32> to vector<1x1x1x20000xf32>
    tpu.vector_store %arg2[%swap3A_108, %swap3A_109, %swap3A_110, %swap3A_111], %swap3A_114 {strides = array<i32>} : memref<2x2x8x20000xf32, #tpu.memory_space<vmem>>, vector<1x1x1x20000xf32>,
    %get3A_115 = arith.constant 260000 : index
    %get3A_116 = vector.load %arg0[%get3A_115] : memref<320000xf32, #tpu.memory_space<vmem>>, vector<20000xf32>
    %swap3A_117 = arith.constant 0 : index
    %swap3A_118 = arith.constant 1 : index
    %swap3A_119 = arith.constant 5 : index
    %swap3A_120 = arith.constant 0 : index
    %swap3A_121 = vector.load %arg2[%swap3A_117, %swap3A_118, %swap3A_119, %swap3A_120] : memref<2x2x8x20000xf32, #tpu.memory_space<vmem>>, vector<1x1x1x20000xf32>
    %swap3A_122 = vector.shape_cast %swap3A_121 : vector<1x1x1x20000xf32> to vector<20000xf32>
    %swap3A_123 = vector.shape_cast %get3A_116 : vector<20000xf32> to vector<1x1x1x20000xf32>
    tpu.vector_store %arg2[%swap3A_117, %swap3A_118, %swap3A_119, %swap3A_120], %swap3A_123 {strides = array<i32>} : memref<2x2x8x20000xf32, #tpu.memory_space<vmem>>, vector<1x1x1x20000xf32>,
    %get3A_124 = arith.constant 280000 : index
    %get3A_125 = vector.load %arg0[%get3A_124] : memref<320000xf32, #tpu.memory_space<vmem>>, vector<20000xf32>
    %swap3A_126 = arith.constant 0 : index
    %swap3A_127 = arith.constant 1 : index
    %swap3A_128 = arith.constant 6 : index
    %swap3A_129 = arith.constant 0 : index
    %swap3A_130 = vector.load %arg2[%swap3A_126, %swap3A_127, %swap3A_128, %swap3A_129] : memref<2x2x8x20000xf32, #tpu.memory_space<vmem>>, vector<1x1x1x20000xf32>
    %swap3A_131 = vector.shape_cast %swap3A_130 : vector<1x1x1x20000xf32> to vector<20000xf32>
    %swap3A_132 = vector.shape_cast %get3A_125 : vector<20000xf32> to vector<1x1x1x20000xf32>
    tpu.vector_store %arg2[%swap3A_126, %swap3A_127, %swap3A_128, %swap3A_129], %swap3A_132 {strides = array<i32>} : memref<2x2x8x20000xf32, #tpu.memory_space<vmem>>, vector<1x1x1x20000xf32>,
    %get3A_133 = arith.constant 300000 : index
    %get3A_134 = vector.load %arg0[%get3A_133] : memref<320000xf32, #tpu.memory_space<vmem>>, vector<20000xf32>
    %swap3A_135 = arith.constant 0 : index
    %swap3A_136 = arith.constant 1 : index
    %swap3A_137 = arith.constant 7 : index
    %swap3A_138 = arith.constant 0 : index
    %swap3A_139 = vector.load %arg2[%swap3A_135, %swap3A_136, %swap3A_137, %swap3A_138] : memref<2x2x8x20000xf32, #tpu.memory_space<vmem>>, vector<1x1x1x20000xf32>
    %swap3A_140 = vector.shape_cast %swap3A_139 : vector<1x1x1x20000xf32> to vector<20000xf32>
    %swap3A_141 = vector.shape_cast %get3A_134 : vector<20000xf32> to vector<1x1x1x20000xf32>
    tpu.vector_store %arg2[%swap3A_135, %swap3A_136, %swap3A_137, %swap3A_138], %swap3A_141 {strides = array<i32>} : memref<2x2x8x20000xf32, #tpu.memory_space<vmem>>, vector<1x1x1x20000xf32>,
    %get3A_142 = arith.constant 0 : index
    %get3A_143 = vector.load %arg1[%get3A_142] : memref<320000xf32, #tpu.memory_space<vmem>>, vector<20000xf32>
    %swap3A_144 = arith.constant 1 : index
    %swap3A_145 = arith.constant 0 : index
    %swap3A_146 = arith.constant 0 : index
    %swap3A_147 = arith.constant 0 : index
    %swap3A_148 = vector.load %arg2[%swap3A_144, %swap3A_145, %swap3A_146, %swap3A_147] : memref<2x2x8x20000xf32, #tpu.memory_space<vmem>>, vector<1x1x1x20000xf32>
    %swap3A_149 = vector.shape_cast %swap3A_148 : vector<1x1x1x20000xf32> to vector<20000xf32>
    %swap3A_150 = vector.shape_cast %get3A_143 : vector<20000xf32> to vector<1x1x1x20000xf32>
    tpu.vector_store %arg2[%swap3A_144, %swap3A_145, %swap3A_146, %swap3A_147], %swap3A_150 {strides = array<i32>} : memref<2x2x8x20000xf32, #tpu.memory_space<vmem>>, vector<1x1x1x20000xf32>,
    %get3A_151 = arith.constant 20000 : index
    %get3A_152 = vector.load %arg1[%get3A_151] : memref<320000xf32, #tpu.memory_space<vmem>>, vector<20000xf32>
    %swap3A_153 = arith.constant 1 : index
    %swap3A_154 = arith.constant 0 : index
    %swap3A_155 = arith.constant 1 : index
    %swap3A_156 = arith.constant 0 : index
    %swap3A_157 = vector.load %arg2[%swap3A_153, %swap3A_154, %swap3A_155, %swap3A_156] : memref<2x2x8x20000xf32, #tpu.memory_space<vmem>>, vector<1x1x1x20000xf32>
    %swap3A_158 = vector.shape_cast %swap3A_157 : vector<1x1x1x20000xf32> to vector<20000xf32>
    %swap3A_159 = vector.shape_cast %get3A_152 : vector<20000xf32> to vector<1x1x1x20000xf32>
    tpu.vector_store %arg2[%swap3A_153, %swap3A_154, %swap3A_155, %swap3A_156], %swap3A_159 {strides = array<i32>} : memref<2x2x8x20000xf32, #tpu.memory_space<vmem>>, vector<1x1x1x20000xf32>,
    %get3A_160 = arith.constant 40000 : index
    %get3A_161 = vector.load %arg1[%get3A_160] : memref<320000xf32, #tpu.memory_space<vmem>>, vector<20000xf32>
    %swap3A_162 = arith.constant 1 : index
    %swap3A_163 = arith.constant 0 : index
    %swap3A_164 = arith.constant 2 : index
    %swap3A_165 = arith.constant 0 : index
    %swap3A_166 = vector.load %arg2[%swap3A_162, %swap3A_163, %swap3A_164, %swap3A_165] : memref<2x2x8x20000xf32, #tpu.memory_space<vmem>>, vector<1x1x1x20000xf32>
    %swap3A_167 = vector.shape_cast %swap3A_166 : vector<1x1x1x20000xf32> to vector<20000xf32>
    %swap3A_168 = vector.shape_cast %get3A_161 : vector<20000xf32> to vector<1x1x1x20000xf32>
    tpu.vector_store %arg2[%swap3A_162, %swap3A_163, %swap3A_164, %swap3A_165], %swap3A_168 {strides = array<i32>} : memref<2x2x8x20000xf32, #tpu.memory_space<vmem>>, vector<1x1x1x20000xf32>,
    %get3A_169 = arith.constant 60000 : index
    %get3A_170 = vector.load %arg1[%get3A_169] : memref<320000xf32, #tpu.memory_space<vmem>>, vector<20000xf32>
    %swap3A_171 = arith.constant 1 : index
    %swap3A_172 = arith.constant 0 : index
    %swap3A_173 = arith.constant 3 : index
    %swap3A_174 = arith.constant 0 : index
    %swap3A_175 = vector.load %arg2[%swap3A_171, %swap3A_172, %swap3A_173, %swap3A_174] : memref<2x2x8x20000xf32, #tpu.memory_space<vmem>>, vector<1x1x1x20000xf32>
    %swap3A_176 = vector.shape_cast %swap3A_175 : vector<1x1x1x20000xf32> to vector<20000xf32>
    %swap3A_177 = vector.shape_cast %get3A_170 : vector<20000xf32> to vector<1x1x1x20000xf32>
    tpu.vector_store %arg2[%swap3A_171, %swap3A_172, %swap3A_173, %swap3A_174], %swap3A_177 {strides = array<i32>} : memref<2x2x8x20000xf32, #tpu.memory_space<vmem>>, vector<1x1x1x20000xf32>,
    %get3A_178 = arith.constant 80000 : index
    %get3A_179 = vector.load %arg1[%get3A_178] : memref<320000xf32, #tpu.memory_space<vmem>>, vector<20000xf32>
    %swap3A_180 = arith.constant 1 : index
    %swap3A_181 = arith.constant 0 : index
    %swap3A_182 = arith.constant 4 : index
    %swap3A_183 = arith.constant 0 : index
    %swap3A_184 = vector.load %arg2[%swap3A_180, %swap3A_181, %swap3A_182, %swap3A_183] : memref<2x2x8x20000xf32, #tpu.memory_space<vmem>>, vector<1x1x1x20000xf32>
    %swap3A_185 = vector.shape_cast %swap3A_184 : vector<1x1x1x20000xf32> to vector<20000xf32>
    %swap3A_186 = vector.shape_cast %get3A_179 : vector<20000xf32> to vector<1x1x1x20000xf32>
    tpu.vector_store %arg2[%swap3A_180, %swap3A_181, %swap3A_182, %swap3A_183], %swap3A_186 {strides = array<i32>} : memref<2x2x8x20000xf32, #tpu.memory_space<vmem>>, vector<1x1x1x20000xf32>,
    %get3A_187 = arith.constant 100000 : index
    %get3A_188 = vector.load %arg1[%get3A_187] : memref<320000xf32, #tpu.memory_space<vmem>>, vector<20000xf32>
    %swap3A_189 = arith.constant 1 : index
    %swap3A_190 = arith.constant 0 : index
    %swap3A_191 = arith.constant 5 : index
    %swap3A_192 = arith.constant 0 : index
    %swap3A_193 = vector.load %arg2[%swap3A_189, %swap3A_190, %swap3A_191, %swap3A_192] : memref<2x2x8x20000xf32, #tpu.memory_space<vmem>>, vector<1x1x1x20000xf32>
    %swap3A_194 = vector.shape_cast %swap3A_193 : vector<1x1x1x20000xf32> to vector<20000xf32>
    %swap3A_195 = vector.shape_cast %get3A_188 : vector<20000xf32> to vector<1x1x1x20000xf32>
    tpu.vector_store %arg2[%swap3A_189, %swap3A_190, %swap3A_191, %swap3A_192], %swap3A_195 {strides = array<i32>} : memref<2x2x8x20000xf32, #tpu.memory_space<vmem>>, vector<1x1x1x20000xf32>,
    %get3A_196 = arith.constant 120000 : index
    %get3A_197 = vector.load %arg1[%get3A_196] : memref<320000xf32, #tpu.memory_space<vmem>>, vector<20000xf32>
    %swap3A_198 = arith.constant 1 : index
    %swap3A_199 = arith.constant 0 : index
    %swap3A_200 = arith.constant 6 : index
    %swap3A_201 = arith.constant 0 : index
    %swap3A_202 = vector.load %arg2[%swap3A_198, %swap3A_199, %swap3A_200, %swap3A_201] : memref<2x2x8x20000xf32, #tpu.memory_space<vmem>>, vector<1x1x1x20000xf32>
    %swap3A_203 = vector.shape_cast %swap3A_202 : vector<1x1x1x20000xf32> to vector<20000xf32>
    %swap3A_204 = vector.shape_cast %get3A_197 : vector<20000xf32> to vector<1x1x1x20000xf32>
    tpu.vector_store %arg2[%swap3A_198, %swap3A_199, %swap3A_200, %swap3A_201], %swap3A_204 {strides = array<i32>} : memref<2x2x8x20000xf32, #tpu.memory_space<vmem>>, vector<1x1x1x20000xf32>,
    %get3A_205 = arith.constant 140000 : index
    %get3A_206 = vector.load %arg1[%get3A_205] : memref<320000xf32, #tpu.memory_space<vmem>>, vector<20000xf32>
    %swap3A_207 = arith.constant 1 : index
    %swap3A_208 = arith.constant 0 : index
    %swap3A_209 = arith.constant 7 : index
    %swap3A_210 = arith.constant 0 : index
    %swap3A_211 = vector.load %arg2[%swap3A_207, %swap3A_208, %swap3A_209, %swap3A_210] : memref<2x2x8x20000xf32, #tpu.memory_space<vmem>>, vector<1x1x1x20000xf32>
    %swap3A_212 = vector.shape_cast %swap3A_211 : vector<1x1x1x20000xf32> to vector<20000xf32>
    %swap3A_213 = vector.shape_cast %get3A_206 : vector<20000xf32> to vector<1x1x1x20000xf32>
    tpu.vector_store %arg2[%swap3A_207, %swap3A_208, %swap3A_209, %swap3A_210], %swap3A_213 {strides = array<i32>} : memref<2x2x8x20000xf32, #tpu.memory_space<vmem>>, vector<1x1x1x20000xf32>,
    %get3A_214 = arith.constant 160000 : index
    %get3A_215 = vector.load %arg1[%get3A_214] : memref<320000xf32, #tpu.memory_space<vmem>>, vector<20000xf32>
    %swap3A_216 = arith.constant 1 : index
    %swap3A_217 = arith.constant 1 : index
    %swap3A_218 = arith.constant 0 : index
    %swap3A_219 = arith.constant 0 : index
    %swap3A_220 = vector.load %arg2[%swap3A_216, %swap3A_217, %swap3A_218, %swap3A_219] : memref<2x2x8x20000xf32, #tpu.memory_space<vmem>>, vector<1x1x1x20000xf32>
    %swap3A_221 = vector.shape_cast %swap3A_220 : vector<1x1x1x20000xf32> to vector<20000xf32>
    %swap3A_222 = vector.shape_cast %get3A_215 : vector<20000xf32> to vector<1x1x1x20000xf32>
    tpu.vector_store %arg2[%swap3A_216, %swap3A_217, %swap3A_218, %swap3A_219], %swap3A_222 {strides = array<i32>} : memref<2x2x8x20000xf32, #tpu.memory_space<vmem>>, vector<1x1x1x20000xf32>,
    %get3A_223 = arith.constant 180000 : index
    %get3A_224 = vector.load %arg1[%get3A_223] : memref<320000xf32, #tpu.memory_space<vmem>>, vector<20000xf32>
    %swap3A_225 = arith.constant 1 : index
    %swap3A_226 = arith.constant 1 : index
    %swap3A_227 = arith.constant 1 : index
    %swap3A_228 = arith.constant 0 : index
    %swap3A_229 = vector.load %arg2[%swap3A_225, %swap3A_226, %swap3A_227, %swap3A_228] : memref<2x2x8x20000xf32, #tpu.memory_space<vmem>>, vector<1x1x1x20000xf32>
    %swap3A_230 = vector.shape_cast %swap3A_229 : vector<1x1x1x20000xf32> to vector<20000xf32>
    %swap3A_231 = vector.shape_cast %get3A_224 : vector<20000xf32> to vector<1x1x1x20000xf32>
    tpu.vector_store %arg2[%swap3A_225, %swap3A_226, %swap3A_227, %swap3A_228], %swap3A_231 {strides = array<i32>} : memref<2x2x8x20000xf32, #tpu.memory_space<vmem>>, vector<1x1x1x20000xf32>,
    %get3A_232 = arith.constant 200000 : index
    %get3A_233 = vector.load %arg1[%get3A_232] : memref<320000xf32, #tpu.memory_space<vmem>>, vector<20000xf32>
    %swap3A_234 = arith.constant 1 : index
    %swap3A_235 = arith.constant 1 : index
    %swap3A_236 = arith.constant 2 : index
    %swap3A_237 = arith.constant 0 : index
    %swap3A_238 = vector.load %arg2[%swap3A_234, %swap3A_235, %swap3A_236, %swap3A_237] : memref<2x2x8x20000xf32, #tpu.memory_space<vmem>>, vector<1x1x1x20000xf32>
    %swap3A_239 = vector.shape_cast %swap3A_238 : vector<1x1x1x20000xf32> to vector<20000xf32>
    %swap3A_240 = vector.shape_cast %get3A_233 : vector<20000xf32> to vector<1x1x1x20000xf32>
    tpu.vector_store %arg2[%swap3A_234, %swap3A_235, %swap3A_236, %swap3A_237], %swap3A_240 {strides = array<i32>} : memref<2x2x8x20000xf32, #tpu.memory_space<vmem>>, vector<1x1x1x20000xf32>,
    %get3A_241 = arith.constant 220000 : index
    %get3A_242 = vector.load %arg1[%get3A_241] : memref<320000xf32, #tpu.memory_space<vmem>>, vector<20000xf32>
    %swap3A_243 = arith.constant 1 : index
    %swap3A_244 = arith.constant 1 : index
    %swap3A_245 = arith.constant 3 : index
    %swap3A_246 = arith.constant 0 : index
    %swap3A_247 = vector.load %arg2[%swap3A_243, %swap3A_244, %swap3A_245, %swap3A_246] : memref<2x2x8x20000xf32, #tpu.memory_space<vmem>>, vector<1x1x1x20000xf32>
    %swap3A_248 = vector.shape_cast %swap3A_247 : vector<1x1x1x20000xf32> to vector<20000xf32>
    %swap3A_249 = vector.shape_cast %get3A_242 : vector<20000xf32> to vector<1x1x1x20000xf32>
    tpu.vector_store %arg2[%swap3A_243, %swap3A_244, %swap3A_245, %swap3A_246], %swap3A_249 {strides = array<i32>} : memref<2x2x8x20000xf32, #tpu.memory_space<vmem>>, vector<1x1x1x20000xf32>,
    %get3A_250 = arith.constant 240000 : index
    %get3A_251 = vector.load %arg1[%get3A_250] : memref<320000xf32, #tpu.memory_space<vmem>>, vector<20000xf32>
    %swap3A_252 = arith.constant 1 : index
    %swap3A_253 = arith.constant 1 : index
    %swap3A_254 = arith.constant 4 : index
    %swap3A_255 = arith.constant 0 : index
    %swap3A_256 = vector.load %arg2[%swap3A_252, %swap3A_253, %swap3A_254, %swap3A_255] : memref<2x2x8x20000xf32, #tpu.memory_space<vmem>>, vector<1x1x1x20000xf32>
    %swap3A_257 = vector.shape_cast %swap3A_256 : vector<1x1x1x20000xf32> to vector<20000xf32>
    %swap3A_258 = vector.shape_cast %get3A_251 : vector<20000xf32> to vector<1x1x1x20000xf32>
    tpu.vector_store %arg2[%swap3A_252, %swap3A_253, %swap3A_254, %swap3A_255], %swap3A_258 {strides = array<i32>} : memref<2x2x8x20000xf32, #tpu.memory_space<vmem>>, vector<1x1x1x20000xf32>,
    %get3A_259 = arith.constant 260000 : index
    %get3A_260 = vector.load %arg1[%get3A_259] : memref<320000xf32, #tpu.memory_space<vmem>>, vector<20000xf32>
    %swap3A_261 = arith.constant 1 : index
    %swap3A_262 = arith.constant 1 : index
    %swap3A_263 = arith.constant 5 : index
    %swap3A_264 = arith.constant 0 : index
    %swap3A_265 = vector.load %arg2[%swap3A_261, %swap3A_262, %swap3A_263, %swap3A_264] : memref<2x2x8x20000xf32, #tpu.memory_space<vmem>>, vector<1x1x1x20000xf32>
    %swap3A_266 = vector.shape_cast %swap3A_265 : vector<1x1x1x20000xf32> to vector<20000xf32>
    %swap3A_267 = vector.shape_cast %get3A_260 : vector<20000xf32> to vector<1x1x1x20000xf32>
    tpu.vector_store %arg2[%swap3A_261, %swap3A_262, %swap3A_263, %swap3A_264], %swap3A_267 {strides = array<i32>} : memref<2x2x8x20000xf32, #tpu.memory_space<vmem>>, vector<1x1x1x20000xf32>,
    %get3A_268 = arith.constant 280000 : index
    %get3A_269 = vector.load %arg1[%get3A_268] : memref<320000xf32, #tpu.memory_space<vmem>>, vector<20000xf32>
    %swap3A_270 = arith.constant 1 : index
    %swap3A_271 = arith.constant 1 : index
    %swap3A_272 = arith.constant 6 : index
    %swap3A_273 = arith.constant 0 : index
    %swap3A_274 = vector.load %arg2[%swap3A_270, %swap3A_271, %swap3A_272, %swap3A_273] : memref<2x2x8x20000xf32, #tpu.memory_space<vmem>>, vector<1x1x1x20000xf32>
    %swap3A_275 = vector.shape_cast %swap3A_274 : vector<1x1x1x20000xf32> to vector<20000xf32>
    %swap3A_276 = vector.shape_cast %get3A_269 : vector<20000xf32> to vector<1x1x1x20000xf32>
    tpu.vector_store %arg2[%swap3A_270, %swap3A_271, %swap3A_272, %swap3A_273], %swap3A_276 {strides = array<i32>} : memref<2x2x8x20000xf32, #tpu.memory_space<vmem>>, vector<1x1x1x20000xf32>,
    %get3A_277 = arith.constant 300000 : index
    %get3A_278 = vector.load %arg1[%get3A_277] : memref<320000xf32, #tpu.memory_space<vmem>>, vector<20000xf32>
    %swap3A_279 = arith.constant 1 : index
    %swap3A_280 = arith.constant 1 : index
    %swap3A_281 = arith.constant 7 : index
    %swap3A_282 = arith.constant 0 : index
    %swap3A_283 = vector.load %arg2[%swap3A_279, %swap3A_280, %swap3A_281, %swap3A_282] : memref<2x2x8x20000xf32, #tpu.memory_space<vmem>>, vector<1x1x1x20000xf32>
    %swap3A_284 = vector.shape_cast %swap3A_283 : vector<1x1x1x20000xf32> to vector<20000xf32>
    %swap3A_285 = vector.shape_cast %get3A_278 : vector<20000xf32> to vector<1x1x1x20000xf32>
    tpu.vector_store %arg2[%swap3A_279, %swap3A_280, %swap3A_281, %swap3A_282], %swap3A_285 {strides = array<i32>} : memref<2x2x8x20000xf32, #tpu.memory_space<vmem>>, vector<1x1x1x20000xf32>,
    return
  }
}

</mosaic_0001>

<sc_bundles>
// kernel: kernel.6.cloned.1.call-start
scs
__scs_entry_jumppad:
0x0: {  	(pc) =	sbr.rel $0x88, $3  }
0x1: {  	(tag) =	ssettag $0x0;
	lr =	simm.s32 $0x1  }
0x2: {  	[smem:$0x3F9B] =	sst lr;
	_ =	strace $0xD0000000  }
0x3: {  	_ = 	snop  }
0x4: {  	_ = 	snop  }
0x5: {  	_ = 	snop  }
0x6: {  	_ = 	snop  }
0x7: {  	_ = 	snop  }
__scs_overlays_trampoline_lowered:
0x8: {  	[smem:$0x3FAA] =	sst s0  }
0x9: {  	[smem:$0x3FAB] =	sst s1  }
0xa: {  	[smem:$0x3FAC] =	sst s2  }
0xb: {  	[smem:$0x3FAD] =	sst s3  }
0xc: {  	[smem:$0x3FAE] =	sst s4  }
0xd: {  	[smem:$0x3FAF] =	sst s5  }
0xe: {  	[smem:$0x3FB0] =	sst s6  }
0xf: {  	[smem:$0x3FB1] =	sst s7  }
0x10: {  	[smem:$0x3FB2] =	sst s8  }
0x11: {  	[smem:$0x3FB3] =	sst s9;
	s0 =	simm.s32 @!p0 $0x0  }
0x12: {  	s1 =	sld [smem:$0x3F99];
	s0 =	simm.s32 @p0 $0x1  }
0x13: {  	[smem:$0x3FB4] =	sst s0;
	s0 =	simm.s32 @!p1 $0x0  }
0x14: {  	s2 =	sld [smem:$0x3F98];
	s0 =	simm.s32 @p1 $0x1  }
0x15: {  	[smem:$0x3FB5] =	sst s0;
	s0 =	simm.s32 @!p2 $0x0  }
0x16: {  	s3 =	sld [smem:$0x3FDB];
	s0 =	simm.s32 @p2 $0x1  }
0x17: {  	s4 =	simm.s32 $0x1BF5;
	[smem:$0x3FB7] =	sst s0  }
0x18: {  	s0 =	sld [smem:$0x3F9A];
	_ =	swait.ge [sflag:s4], $0x0  }
0x19: {  	s7 =	sld [smem:$0x3F9B]  }
0x1a: {  	s8 =	sadd.s32 $0xFFFFE003, lr  }
0x1b: {  	s9 =	sadd.s32 $0xFFFFFEF7, lr;
	s5 =	simm.s32 $0xFFFFFFFF;
	p2 =	slt.u32 s8, $0xFFFFF086  }
0x1c: {  	p1 =	slt.u32 s9, $0xF7A;
	s5 =	simm.s32 @!p2 $0x0  }
0x1d: {  	s5 =	simm.s32 @p1 $0x1;
	p0 =	seq.s32 s7, s2  }
0x1e: {  	s7 =	smul.u32 @!p0 $0xF7A, s2;
	p2 =	seq.s32 @!p0 s5, $0x0  }
0x1f: {  	s9 =	smul.u32 $0xF7A, s1;
	s8 =	simm.s32 @!p0 $0x1BF5;
	p2 =	por !p2, p0  }
0x20: {  	[sflag:s8] =	ssyncset.s32 @!p0 $0xFFFFF086;
	s6 =	sadd.s32 @!p0 s3, s7;
	s7 =	simm.s32 @!p0 $0x108  }
0x21: {  	s3 =	sadd.s32 s3, s9;
	s6 =	sadd.s32 @!p0 $0x88, s6;
	s7 =	simm.s32 @p2 $0x1082  }
0x22: {  	[simem:s7], [sflag:s8] =	dma.local @!p0 [hbm:s6], $0xF7A  }
0x23: {  	s9 =	sor.u32 $0xD0000000, s2;
	s6 =	simm.s32 $0x108;
	_ =	swait.ge @!p0 [sflag:s8], $0x0  }
0x24: {  	s3 =	sadd.s32 $0x88, s3;
	s6 =	simm.s32 @!p1 $0x1082;
	[sflag:s4] =	ssyncset.s32 $0xFFFFF086  }
0x25: {  	[simem:s6], [sflag:s4] =	dma.local [hbm:s3], $0xF7A  }
0x26: {  	[smem:$0x3F9B] =	sst s1;
	(tag) =	ssettag s2;
	_ =	strace s9  }
0x27: {  	s1 =	sld [smem:$0x3FAB]  }
0x28: {  	s2 =	sld [smem:$0x3FAC]  }
0x29: {  	s4 =	sld [smem:$0x3FAE]  }
0x2a: {  	p0 =	seq.s32 s5, $0x0;
	s5 =	sld [smem:$0x3FAF]  }
0x2b: {  	s6 =	sld [smem:$0x3FB0]  }
0x2c: {  	s7 =	sld [smem:$0x3FB1]  }
0x2d: {  	s3 =	simm.s32 $0x108;
	s8 =	sld [smem:$0x3FB2]  }
0x2e: {  	s3 =	simm.s32 @!p0 $0x1082;
	s9 =	sld [smem:$0x3FB3]  }
0x2f: {  	lr =	sadd.s32 s0, s3;
	s0 =	sld [smem:$0x3FAA]  }
0x30: {  	s3 =	sld [smem:$0x3FAD]  }
0x31: {  	[smem:$0x3FB6] =	sst s10  }
0x32: {  	s10 =	sld [smem:$0x3FB4];
	_ =	sdelay $0x3  }
0x33: {  	p0 =	seq.s32 s10, $0x1;
	s10 =	sld [smem:$0x3FB6];
	_ =	sdelay $0x3  }
0x34: {  	[smem:$0x3FB6] =	sst s10  }
0x35: {  	s10 =	sld [smem:$0x3FB5];
	_ =	sdelay $0x3  }
0x36: {  	p1 =	seq.s32 s10, $0x1;
	s10 =	sld [smem:$0x3FB6];
	_ =	sdelay $0x3  }
0x37: {  	[smem:$0x3FB6] =	sst s10  }
0x38: {  	s10 =	sld [smem:$0x3FB7]  }
0x39: {  	_ = 	snop;
	(pc) =	sbr.ind lr, $3  }
0x3a: {  	_ = 	snop  }
0x3b: {  	_ = 	snop  }
0x3c: {  	p2 =	seq.s32 s10, $0x1;
	s10 =	sld [smem:$0x3FB6]  }
0x3d: {  	_ =	shalt  }
0x3e: {  	_ =	shalt  }
0x3f: {  	_ =	shalt  }
0x40: {  	_ =	shalt  }
0x41: {  	_ =	shalt  }
0x42: {  	_ =	shalt  }
0x43: {  	_ =	shalt  }
0x44: {  	_ =	shalt  }
0x45: {  	_ =	shalt  }
0x46: {  	_ =	shalt  }
0x47: {  	_ =	shalt  }
0x48: {  	_ =	shalt  }
0x49: {  	_ =	shalt  }
0x4a: {  	_ =	shalt  }
0x4b: {  	_ =	shalt  }
0x4c: {  	_ =	shalt  }
0x4d: {  	_ =	shalt  }
0x4e: {  	_ =	shalt  }
0x4f: {  	_ =	shalt  }
0x50: {  	_ =	shalt  }
0x51: {  	_ =	shalt  }
0x52: {  	_ =	shalt  }
0x53: {  	_ =	shalt  }
0x54: {  	_ =	shalt  }
0x55: {  	_ =	shalt  }
0x56: {  	_ =	shalt  }
0x57: {  	_ =	shalt  }
0x58: {  	_ =	shalt  }
0x59: {  	_ =	shalt  }
0x5a: {  	_ =	shalt  }
0x5b: {  	_ =	shalt  }
0x5c: {  	_ =	shalt  }
0x5d: {  	_ =	shalt  }
0x5e: {  	_ =	shalt  }
0x5f: {  	_ =	shalt  }
0x60: {  	_ =	shalt  }
0x61: {  	_ =	shalt  }
0x62: {  	_ =	shalt  }
0x63: {  	_ =	shalt  }
0x64: {  	_ =	shalt  }
0x65: {  	_ =	shalt  }
0x66: {  	_ =	shalt  }
0x67: {  	_ =	shalt  }
0x68: {  	_ =	shalt  }
0x69: {  	_ =	shalt  }
0x6a: {  	_ =	shalt  }
0x6b: {  	_ =	shalt  }
0x6c: {  	_ =	shalt  }
0x6d: {  	_ =	shalt  }
0x6e: {  	_ =	shalt  }
0x6f: {  	_ =	shalt  }
0x70: {  	_ =	shalt  }
0x71: {  	_ =	shalt  }
0x72: {  	_ =	shalt  }
0x73: {  	_ =	shalt  }
0x74: {  	_ =	shalt  }
0x75: {  	_ =	shalt  }
0x76: {  	_ =	shalt  }
0x77: {  	_ =	shalt  }
0x78: {  	_ =	shalt  }
0x79: {  	_ =	shalt  }
0x7a: {  	_ =	shalt  }
0x7b: {  	_ =	shalt  }
0x7c: {  	_ =	shalt  }
0x7d: {  	_ =	shalt  }
0x7e: {  	_ =	shalt  }
0x7f: {  	_ =	shalt  }
0x80: {  	_ =	shalt  }
0x81: {  	_ =	shalt  }
0x82: {  	_ =	shalt  }
0x83: {  	_ =	shalt  }
0x84: {  	_ =	shalt  }
0x85: {  	_ =	shalt  }
0x86: {  	_ =	shalt  }
0x87: {  	_ =	shalt  }
.Lfunc_end0:
.L_simem_size_0:
called_computation_lowered:
.L_overlay_start_0:
0x88: {  	s0 =	sld [smem:$0x3FD9]  }
0x89: {  	s1 =	sld [smem:$0x3FFE];
	_ =	sdelay $0x3  }
0x8a: {  	s0 =	sadd.s32 s1, s0  }
0x8b: {  	[smem:$0x3FC2] =	sst s0  }
0x8c: {  	_ = 	snop  }
0x8d: {  	s0 =	sld [smem:$0x3FD0];
	(tm) =	ssettm $0x1  }
0x8e: {  	s16 =	sld [smem:$0x3FFB];
	_ =	sdelay $0x3  }
0x8f: {  	_ =	strace s16  }
0x90: {  	s1 =	sld [smem:$0x3FFC];
	_ =	sdelay $0x3  }
0x91: {  	_ =	strace s1  }
0x92: {  	s1 =	sld [smem:$0x3FFD];
	_ =	sdelay $0x3  }
0x93: {  	_ =	strace s1  }
0x94: {  	_ =	strace $0x8FFFFFFF  }
0x95: {  	s17 =	sld [smem:$0x3FDB];
	_ =	sdelay $0x1  }
0x96: {  	s2 =	simm.s32 $_scs_section_size  }
0x97: {  	s3 =	simm.s32 $_size__tile_overlayer_lowered;
	s4 =	simm.s32 $_tile_overlayer_lowered  }
0x98: {  	s20 =	simm.s32 $0x1BFF;
	s19 =	sshll.u32 s4, $0x1;
	s1 =	sadd.s32 s2, s17  }
0x99: {  	s5 =	simm.s32 $0x0;
	s18 =	sshll.u32 s3, $0x1;
	s3 =	sadd.s32 s19, s1  }
0x9a: {  	[timem:s5], [sflag:s20] =	dma.local [hbm:s3], s18  }
0x9b: {  	_ =	swait.ge [sflag:s20], s18  }
0x9c: {  	s2 =	ssub.s32 $0x0, s18;
	[sflag:s20] =	ssyncset.done $0x0  }
0x9d: {  	[sflag:s20] =	ssyncadd.s32 s2;
	_ =	sdelay $0x1  }
0x9e: {  	s21 =	simm.s32 $0x1B8B  }
0x9f: {  	_ =	swait.ge [sflag:s21], $0x1  }
0xa0: {  	[sflag:s21] =	ssyncset.done $0x0  }
0xa1: {  	s23 =	simm.s32 $0x1B8E;
	s22 =	sld [smem:$0x3FFE];
	[sflag:s21] =	ssyncadd.s32 $0xFFFFFFFF  }
0xa2: {  	s24 =	simm.s32 $execute0_lowered;
	[smem:$0x3FD2] =	sst s23  }
0xa3: {  	s3 =	sshll.u32 s24, $0x1;
	_ =	strace $0x80000046;
	[dreg:$0x1] =	wrdreg $0xFFFFFFFF  }
0xa4: {  	s25 =	simm.s32 $_size_execute0_lowered;
	s1 =	sadd.s32 s1, s3;
	[dreg:$0x0] =	wrdreg $0x0  }
0xa5: {  	s3 =	sshll.u32 s25, $0x1;
	[dreg:$0x2] =	wrdreg s1  }
0xa6: {  	[dreg:$0x3] =	wrdreg s3  }
0xa7: {  	[dreg:$0x4] =	wrdreg $0xC0  }
0xa8: {  	_ =	task [dreg:s5], $0x5FFFF  }
0xa9: {  	[dreg:$0x1] =	wrdreg $0xFFFFFFFF  }
0xaa: {  	[dreg:$0x0] =	wrdreg $0x60  }
0xab: {  	[dreg:$0x2] =	wrdreg s0  }
0xac: {  	[dreg:$0x3] =	wrdreg s22  }
0xad: {  	[dreg:$0x4] =	wrdreg $0x0  }
0xae: {  	[dreg:$0x5] =	wrdreg $0x9  }
0xaf: {  	_ =	task.clear_ibuf [dreg:s5], $0x6FFFF;
	_ =	strace $0x90000046  }
0xb0: {  	s26 =	simm.s32 $0x9;
	_ =	strace $0x80000048  }
0xb1: {  	_ =	swait.ge [sflag:s26], $0x1  }
0xb2: {  	[sflag:s26] =	ssyncadd.s32 $0xFFFFFFFF  }
0xb3: {  	_ =	strace $0x90000048  }
0xb4: {  	_ =	sfence  }
0xb5: {  	s28 =	sld [smem:$0x0];
	_ =	sdelay $0x1  }
0xb6: {  	s29 =	srdreg.scid  }
0xb7: {  	s30 =	sshll.u32 s29, $0xD;
	s31 =	sshrl.u32 s29, $0x2  }
0xb8: {  	s2 =	sand.u32 $0x4000, s30;
	s1 =	sand.u32 $0x1, s29;
	s0 =	sadd.s32 s31, s28  }
0xb9: {  	s1 =	sor.u32 s2, s1;
	s0 =	sshll.u32 s0, $0x11  }
0xba: {  	s0 =	sor.u32 s0, s1  }
0xbb: {  	s0 =	sadd.s32 $0x8F2B, s0  }
0xbc: {  	[sflag:s0] =	ssyncadd.remote.s32 $0x1  }
0xbd: {  	_ =	sfence.sel $0xFFFF  }
0xbe: {  	[dreg:$0x0] =	wrdreg $0xFFFFFFFF;
	(pc) =	sbr.abs _section_cstart, $3  }
0xbf: {  	[dreg:$0x1] =	wrdreg $0xFFFFFFFF  }
0xc0: {  	_ =	task.clear_ibuf [dreg:s5], $0x2FFFF;
	_ =	strace $0x9FFFFFFF  }
0xc1: {  	(tm) =	ssettm $0x7FFFFFFF  }
tec
execute0_lowered:
.L_overlay_start_1:
0x0: {  	(tag) =	ssettag $0x1  }
0x1: {  	s0 =	rddreg [dreg:$0x0];
	s21 =	stileid.u32  }
0x2: {  	s14 =	rddreg [dreg:$0x1];
	s22 =	smul.u32 $0x9C4, s21  }
0x3: {  	s2 =	rddreg [dreg:$0x2];
	s9 =	simm.s32 $0x0  }
0x4: {  	s11 =	simm.s32 $0xE8D0;
	[smem:$0x7FF] =	sst s9;
	s7 =	sadd.s32 s22, s0  }
0x5: {  	s10 =	simm.s32 $0x1;
	_ =	strace $0x80000047;
	s0 =	sadd.s32 $0x0, s7  }
0x6: {  	[tilespmem:s11], [sflag:$0x1] =	stream.linear.gather [hbm4b:s0+s9], $0x7D0, $0x38;
	[tilespmem:$0x13250] =	vst v63  }
0x7: {  	s4 =	sadd.s32 $0xC0E00, s14;
	_ =	swait.ge [sflag:s10], $0x7D0  }
0x8: {  	s12 =	sadd.s32 s22, s4;
	[sflag:s10] =	ssyncset.done $0x0  }
0x9: {  	s30 =	sadd.s32 $0x0, s12;
	[sflag:s10] =	ssyncadd.s32 $0xFFFFF830  }
0xa: {  	[hbm4b:s30+s9] =	stream.linear.scatter [tilespmem:s11], [sflag:$0x1], $0x7D0, $0x38;
	[tilespmem:$0x13250] =	vst v63  }
0xb: {  	s31 =	sadd.s32 s22, s14;
	_ =	swait.ge [sflag:s10], $0x7D0  }
0xc: {  	s16 =	simm.s32 $0xFA;
	s13 =	sadd.s32 $0xB6E00, s31;
	[sflag:s10] =	ssyncset.done $0x0  }
0xd: {  	s17 =	simm.s32 $0x1F4;
	s1 =	sadd.s32 $0x0, s13;
	[sflag:s10] =	ssyncadd.s32 $0xFFFFF830  }
0xe: {  	[tilespmem:s11], [sflag:$0x1] =	stream.linear.gather [hbm4b:s1+s9], $0x7D0, $0x38;
	[tilespmem:$0x13250] =	vst v63  }
0xf: {  	s5 =	sadd.s32 $0xCAC00, s14;
	s6 =	sadd.s32 $0x6737000, s14;
	_ =	swait.ge [sflag:s10], $0x7D0  }
0x10: {  	s3 =	sadd.s32 $0xAD000, s14;
	s15 =	sadd.s32 s22, s5;
	[sflag:s10] =	ssyncset.done $0x0  }
0x11: {  	s8 =	sadd.s32 $0x0, s15;
	[dreg:$0x4] =	wrdreg s3;
	[sflag:s10] =	ssyncadd.s32 $0xFFFFF830  }
0x12: {  	[hbm4b:s8+s9] =	stream.linear.scatter [tilespmem:s11], [sflag:$0x1], $0x7D0, $0x38;
	[tilespmem:$0x13250] =	vst v63  }
0x13: {  	s26 =	sadd.s32 $0x58F000, s14;
	s0 =	sadd.s32 $0x2000, s14;
	_ =	swait.ge [sflag:s10], $0x7D0  }
0x14: {  	s1 =	sadd.s32 $0x57800, s14;
	s14 =	sadd.s32 $0xC0C00, s14;
	[sflag:s10] =	ssyncset.done $0x0  }
.LBB2_1:
0x15: {  	s18 =	sadd.s32 s16, s7  }
0x16: {  	[sflag:s10] =	ssyncadd.s32 $0xFFFFF830;
	s19 =	smov.u32 s17;
	s20 =	sadd.s32 $0xFA, s17  }
0x17: {  	[tilespmem:s11], [sflag:$0x1] =	stream.linear.gather [hbm4b:s18+s9], $0x7D0, $0x38;
	[tilespmem:$0x13250] =	vst v63  }
0x18: {  	p0 =	sne.s32 s17, $0x8CA;
	_ =	swait.ge [sflag:s10], $0x7D0  }
0x19: {  	[sflag:s10] =	ssyncset.done $0x0  }
0x1a: {  	s17 =	sadd.s32 s16, s12;
	[sflag:s10] =	ssyncadd.s32 $0xFFFFF830  }
0x1b: {  	[hbm4b:s17+s9] =	stream.linear.scatter [tilespmem:s11], [sflag:$0x1], $0x7D0, $0x38;
	[tilespmem:$0x13250] =	vst v63  }
0x1c: {  	_ =	swait.ge [sflag:s10], $0x7D0  }
0x1d: {  	[sflag:s10] =	ssyncset.done $0x0  }
0x1e: {  	s17 =	sadd.s32 s16, s13;
	[sflag:s10] =	ssyncadd.s32 $0xFFFFF830  }
0x1f: {  	[tilespmem:s11], [sflag:$0x1] =	stream.linear.gather [hbm4b:s17+s9], $0x7D0, $0x38;
	[tilespmem:$0x13250] =	vst v63  }
0x20: {  	_ =	swait.ge [sflag:s10], $0x7D0  }
.Ltmp0:
0x21: {  	[sflag:s10] =	ssyncset.done $0x0;
	(pc) =	sbr.rel @p0 .LBB2_1-.Ltmp0, $4  }
0x22: {  	s17 =	sadd.s32 s16, s15;
	s16 =	smov.u32 s19;
	[sflag:s10] =	ssyncadd.s32 $0xFFFFF830  }
0x23: {  	[hbm4b:s17+s9] =	stream.linear.scatter [tilespmem:s11], [sflag:$0x1], $0x7D0, $0x38;
	[tilespmem:$0x13250] =	vst v63  }
0x24: {  	_ =	swait.ge [sflag:s10], $0x7D0  }
0x25: {  	s17 =	smov.u32 s20;
	[sflag:s10] =	ssyncset.done $0x0  }
0x26: {  	s7 =	sadd.s32 s16, s7;
	[sflag:s10] =	ssyncadd.s32 $0xFFFFF830  }
0x27: {  	[tilespmem:s11], [sflag:$0x1] =	stream.linear.gather [hbm4b:s7+s9], $0x7D0, $0x38;
	[tilespmem:$0x13250] =	vst v63  }
0x28: {  	_ =	swait.ge [sflag:s10], $0x7D0  }
0x29: {  	[sflag:s10] =	ssyncset.done $0x0  }
0x2a: {  	s24 =	sadd.s32 s16, s12;
	[sflag:s10] =	ssyncadd.s32 $0xFFFFF830  }
0x2b: {  	[hbm4b:s24+s9] =	stream.linear.scatter [tilespmem:s11], [sflag:$0x1], $0x7D0, $0x38;
	[tilespmem:$0x13250] =	vst v63  }
0x2c: {  	_ =	swait.ge [sflag:s10], $0x7D0  }
0x2d: {  	[sflag:s10] =	ssyncset.done $0x0  }
0x2e: {  	s25 =	sadd.s32 s16, s13;
	[sflag:s10] =	ssyncadd.s32 $0xFFFFF830  }
0x2f: {  	[tilespmem:s11], [sflag:$0x1] =	stream.linear.gather [hbm4b:s25+s9], $0x7D0, $0x38;
	[tilespmem:$0x13250] =	vst v63  }
0x30: {  	_ =	swait.ge [sflag:s10], $0x7D0  }
0x31: {  	[sflag:s10] =	ssyncset.done $0x0  }
0x32: {  	s28 =	sadd.s32 s16, s15;
	[sflag:s10] =	ssyncadd.s32 $0xFFFFF830  }
0x33: {  	[hbm4b:s28+s9] =	stream.linear.scatter [tilespmem:s11], [sflag:$0x1], $0x7D0, $0x38;
	[tilespmem:$0x13250] =	vst v63  }
0x34: {  	_ =	swait.ge [sflag:s10], $0x7D0  }
0x35: {  	s29 =	smul.u32 $0x30D40, s21;
	s30 =	simm.s32 $0x0;
	[sflag:s10] =	ssyncset.done $0x0  }
0x36: {  	s7 =	simm.s32 $0x1;
	s9 =	simm.s32 $0x12E50;
	[sflag:s10] =	ssyncadd.s32 $0xFFFFF830  }
0x37: {  	[tilespmem:s9], [sflag:$0x1] =	stream.linear.gather [hbm4b:s14+s30], $0x400, $0x38;
	[tilespmem:$0x13250] =	vst v63  }
0x38: {  	s10 =	sshrl.u32 s29, $0x2;
	_ =	swait.ge [sflag:s7], $0x400  }
0x39: {  	s10 =	sadd.s32 s10, s2;
	[sflag:s7] =	ssyncset.done $0x0  }
0x3a: {  	s31 =	sadd.s32 $0x0, s10;
	[sflag:s7] =	ssyncadd.s32 $0xFFFFFC00  }
0x3b: {  	[spmem:s31] =	stream.linear.scatter [tilespmem:s9], [sflag:$0x1], $0x3E8, $0x38;
	[tilespmem:$0x13250] =	vst v63  }
0x3c: {  	s11 =	simm.s32 $0xFA0;
	_ =	swait.ge [sflag:s7], $0x3E8  }
.LBB2_3:
0x3d: {  	s12 =	sshra.s32 s11, $0x2;
	[sflag:s7] =	ssyncset.done $0x0;
	p0 =	sne.s32 s11, $0x2FDA0  }
.Ltmp1:
0x3e: {  	s12 =	sadd.s32 s12, s10;
	[sflag:s7] =	ssyncadd.s32 $0xFFFFFC18;
	(pc) =	sbr.rel @p0 .LBB2_3-.Ltmp1, $3  }
0x3f: {  	[spmem:s12] =	stream.linear.scatter [tilespmem:s9], [sflag:$0x1], $0x3E8, $0x38;
	[tilespmem:$0x13250] =	vst v63  }
0x40: {  	s11 =	sadd.s32 $0xFA0, s11;
	_ =	sdelay $0x1  }
0x41: {  	_ =	swait.ge [sflag:s7], $0x3E8  }
0x42: {  	[sflag:s7] =	ssyncset.done $0x0;
	s9 =	smul.u32 $0x190, s21;
	v0 =	vlaneseq.u32  }
0x43: {  	s31 =	sshrl.u32 s21, $0x3;
	s10 =	sand.u32 $0x8, s21;
	s12 =	simm.s32 $0xE8D0;
	v1 =	vmul.u32 $0x5, v0  }
0x44: {  	s13 =	simm.s32 $0x1;
	v2 =	vimm.s32 $0x0;
	s20 =	simm.s32 $0x128D0;
	s23 =	simm.s32 $0x12B50;
	v10 =	vmul.u32 $0x4, v0  }
0x45: {  	s24 =	simm.s32 $0x12D50;
	s25 =	simm.s32 $0x12DD0;
	s3 =	ssub.s32 s10, s31;
	v11 =	vadd.s32 $0x54, v0;
	v3 =	vadd.s32 $0x1, v1;
	v4 =	vadd.s32 $0x2, v1  }
0x46: {  	[sflag:s7] =	ssyncadd.s32 $0xFFFFFC18;
	[dreg:$0x5] =	wrdreg s3;
	s10 =	sadd.s32 s9, s1;
	v5 =	vadd.s32 $0x3, v1;
	v6 =	vadd.s32 $0x4, v1;
	v7 =	vadd.s32 $0x150, v10  }
0x47: {  	s11 =	sadd.s32 s9, s0;
	s0 =	simm.s32 $0x0;
	[bflag:$0x0] =	sbarrier.arrive $0xFFFF;
	v8 =	vadd.s32 $0x151, v10;
	v9 =	vadd.s32 $0x152, v10;
	v10 =	vadd.s32 $0x153, v10  }
.LBB2_5:
0x48: {  	p0 =	sgt.u32 s21, $0x7C  }
0x49: {  	s1 =	sadd.s32 @!p0 $0x0, s11  }
0x4a: {  	s7 =	simm.s32 @!p0 $0x0;
	s9 =	simm.s32 @!p0 $0xC350;
	s14 =	simm.s32 @!p0 $0x2  }
0x4b: {  	[tilespmem:s9], [sflag:$0x2] =	stream.linear.gather @!p0 [hbm4b:s1+s7], $0xC80, $0x38;
	[tilespmem:$0x13250] =	vst v63  }
0x4c: {  	_ =	swait.ge @!p0 [sflag:s14], $0xC80  }
0x4d: {  	[sflag:s14] =	ssyncset.done @!p0 $0x0  }
0x4e: {  	s15 =	simm.s32 @!p0 $0xCFD0;
	s1 =	sadd.s32 @!p0 $0x0, s10;
	[sflag:s14] =	ssyncadd.s32 @!p0 $0xFFFFF380  }
0x4f: {  	[tilespmem:s15], [sflag:$0x2] =	stream.linear.gather @!p0 [hbm4b:s1+s7], $0xC80, $0x38;
	[tilespmem:$0x13250] =	vst v63  }
0x50: {  	p1 =	por p0, p0;
	_ =	swait.ge @!p0 [sflag:s14], $0xC80  }
0x51: {  	[sflag:s14] =	ssyncset.done @!p1 $0x0  }
0x52: {  	s1 =	simm.s32 @!p1 $0xC80;
	s7 =	simm.s32 @!p1 $0xDC50;
	[sflag:s14] =	ssyncadd.s32 @!p1 $0xFFFFF380  }
0x53: {  	[tilespmem:s7], [sflag:$0x2] =	stream.indirect.gather @!p1 [hbm4b:s5+s1], $0x1, s9, s1, $0xb8;
	[tilespmem:$0x13250] =	vst v63  }
0x54: {  	_ =	swait.ge @!p1 [sflag:s14], $0xC80  }
0x55: {  	[sflag:s14] =	ssyncset.done @!p1 $0x0  }
0x56: {  	[sflag:s14] =	ssyncadd.s32 @!p1 $0xFFFFF380  }
0x57: {  	[spmem:s2] =	stream.indirect.scatter.add.f32 @!p1 [tilespmem:s7], [sflag:$0x1], $0x1, s15, s1, $0xb8;
	[tilespmem:$0x13250] =	vst v63  }
0x58: {  	s9 =	simm.s32 $0x3200;
	s14 =	simm.s32 @!p1 $0x1;
	s7 =	sadd.s32 $0x10, s21  }
0x59: {  	s1 =	simm.s32 $0x1900;
	p2 =	sgt.u32 s7, $0x7C;
	_ =	swait.ge @!p1 [sflag:s14], $0xC80  }
.LBB2_6:
0x5a: {  	s15 =	sadd.s32 @!p2 s1, s11;
	s16 =	simm.s32 @!p2 $0x0;
	[sflag:s14] =	ssyncset.done @!p1 $0x0  }
0x5b: {  	s17 =	simm.s32 @!p2 $0xC350;
	s18 =	simm.s32 @!p2 $0x2;
	[sflag:s14] =	ssyncadd.s32 @!p1 $0xFFFFF380  }
0x5c: {  	[tilespmem:s17], [sflag:$0x2] =	stream.linear.gather @!p2 [hbm4b:s15+s16], $0xC80, $0x38;
	[tilespmem:$0x13250] =	vst v63  }
0x5d: {  	s14 =	smov.u32 s9;
	s9 =	sadd.s32 $0x1900, s9;
	_ =	swait.ge @!p2 [sflag:s18], $0xC80  }
0x5e: {  	s19 =	simm.s32 @!p2 $0xCFD0;
	s15 =	sadd.s32 @!p2 s1, s10;
	[sflag:s18] =	ssyncset.done @!p2 $0x0  }
0x5f: {  	p3 =	sne.s32 s9, $0xC800;
	s1 =	smov.u32 s14;
	[sflag:s18] =	ssyncadd.s32 @!p2 $0xFFFFF380  }
0x60: {  	[tilespmem:s19], [sflag:$0x2] =	stream.linear.gather @!p2 [hbm4b:s15+s16], $0xC80, $0x38;
	[tilespmem:$0x13250] =	vst v63  }
0x61: {  	p1 =	por p2, p2;
	_ =	swait.ge @!p2 [sflag:s18], $0xC80  }
0x62: {  	s15 =	simm.s32 @!p1 $0xC80;
	s16 =	simm.s32 @!p1 $0xDC50;
	[sflag:s18] =	ssyncset.done @!p1 $0x0  }
0x63: {  	[sflag:s18] =	ssyncadd.s32 @!p1 $0xFFFFF380  }
0x64: {  	[tilespmem:s16], [sflag:$0x2] =	stream.indirect.gather @!p1 [hbm4b:s5+s15], $0x1, s17, s15, $0xb8;
	[tilespmem:$0x13250] =	vst v63  }
.Ltmp2:
0x65: {  	_ =	swait.ge @!p1 [sflag:s18], $0xC80;
	(pc) =	sbr.rel @p3 .LBB2_6-.Ltmp2, $4  }
0x66: {  	[sflag:s18] =	ssyncset.done @!p1 $0x0  }
0x67: {  	s7 =	sadd.s32 $0x10, s7;
	s14 =	simm.s32 @!p1 $0x1;
	[sflag:s18] =	ssyncadd.s32 @!p1 $0xFFFFF380  }
0x68: {  	[spmem:s2] =	stream.indirect.scatter.add.f32 @!p1 [tilespmem:s16], [sflag:$0x1], $0x1, s19, s15, $0xb8;
	[tilespmem:$0x13250] =	vst v63  }
0x69: {  	p2 =	sgt.u32 s7, $0x7C;
	_ =	swait.ge @!p1 [sflag:s14], $0xC80  }
0x6a: {  	s7 =	sadd.s32 @!p2 s1, s11;
	s9 =	simm.s32 @!p2 $0x0;
	[sflag:s14] =	ssyncset.done @!p1 $0x0  }
0x6b: {  	s15 =	simm.s32 @!p2 $0xC350;
	s16 =	simm.s32 @!p2 $0x2;
	[sflag:s14] =	ssyncadd.s32 @!p1 $0xFFFFF380  }
0x6c: {  	[tilespmem:s15], [sflag:$0x2] =	stream.linear.gather @!p2 [hbm4b:s7+s9], $0xC80, $0x38;
	[tilespmem:$0x13250] =	vst v63  }
0x6d: {  	_ =	swait.ge @!p2 [sflag:s16], $0xC80  }
0x6e: {  	[sflag:s16] =	ssyncset.done @!p2 $0x0  }
0x6f: {  	s1 =	sadd.s32 @!p2 s1, s10;
	s7 =	simm.s32 @!p2 $0xCFD0;
	[sflag:s16] =	ssyncadd.s32 @!p2 $0xFFFFF380  }
0x70: {  	[tilespmem:s7], [sflag:$0x2] =	stream.linear.gather @!p2 [hbm4b:s1+s9], $0xC80, $0x38;
	[tilespmem:$0x13250] =	vst v63  }
0x71: {  	p1 =	por p2, p2;
	_ =	swait.ge @!p2 [sflag:s16], $0xC80  }
0x72: {  	[sflag:s16] =	ssyncset.done @!p1 $0x0  }
0x73: {  	s1 =	simm.s32 @!p1 $0xC80;
	s9 =	simm.s32 @!p1 $0xDC50;
	[sflag:s16] =	ssyncadd.s32 @!p1 $0xFFFFF380  }
0x74: {  	[tilespmem:s9], [sflag:$0x2] =	stream.indirect.gather @!p1 [hbm4b:s5+s1], $0x1, s15, s1, $0xb8;
	[tilespmem:$0x13250] =	vst v63  }
0x75: {  	_ =	swait.ge @!p1 [sflag:s16], $0xC80  }
0x76: {  	[sflag:s16] =	ssyncset.done @!p1 $0x0  }
0x77: {  	s14 =	simm.s32 @!p1 $0x1;
	[sflag:s16] =	ssyncadd.s32 @!p1 $0xFFFFF380  }
0x78: {  	[spmem:s2] =	stream.indirect.scatter.add.f32 @!p1 [tilespmem:s9], [sflag:$0x1], $0x1, s7, s1, $0xb8;
	[tilespmem:$0x13250] =	vst v63  }
0x79: {  	s31 =	smul.u32 $0x493E00, s0;
	_ =	swait.ge @!p1 [sflag:s14], $0xC80  }
0x7a: {  	[sflag:s14] =	ssyncset.done @!p1 $0x0  }
0x7b: {  	s19 =	sadd.s32 $0x1, s0;
	s28 =	sadd.s32 $0xC3500, s31;
	[sflag:s14] =	ssyncadd.s32 @!p1 $0xFFFFF380  }
0x7c: {  	s29 =	sadd.s32 $0x30D400, s31;
	s15 =	simm.s32 $0x0;
	[bflag:$0x0] =	sbarrier.arrive $0xFFFF  }
0x7d: {  	s16 =	simm.s32 $0x0;
	s9 =	sadd.s32 $0x186A00, s31;
	s21 =	rddreg [dreg:$0x5]  }
0x7e: {  	s1 =	sadd.s32 $0x249F00, s31;
	[dreg:$0x6] =	wrdreg s19;
	s0 =	sadd.s32 s19, s21  }
0x7f: {  	s14 =	sadd.s32 $0x3D0900, s31;
	[dreg:$0x7] =	wrdreg s28;
	s30 =	smul.u32 $0x4E20, s0  }
.LBB2_8:
0x80: {  	s7 =	smul.u32 $0x64, s16;
	_ =	sdelay $0x1  }
0x81: {  	s7 =	sadd.s32 s22, s7  }
0x82: {  	s17 =	smul.u32 $0x14, s7;
	_ =	sdelay $0x1  }
0x83: {  	s18 =	sadd.s32 s17, s2  }
0x84: {  	[tilespmem:s12], [sflag:$0x1] =	stream.linear.gather [spmem:s18], $0x7D0, $0x38;
	[tilespmem:$0x13250] =	vst v63  }
0x85: {  	s19 =	sadd.s32 s31, s17;
	_ =	swait.ge [sflag:s13], $0x7D0  }
0x86: {  	s19 =	sshrl.u32 s19, $0x3;
	[sflag:s13] =	ssyncset.done $0x0  }
0x87: {  	s0 =	simm.s32 $0xF8D0;
	s19 =	sadd.s32 s6, s19;
	[sflag:s13] =	ssyncadd.s32 $0xFFFFF830  }
0x88: {  	[tilespmem:s0], [sflag:$0x1] =	stream.linear.gather [hbm4b:s19+s15], $0x7D0, $0x38;
	[tilespmem:$0x13250] =	vst v63  }
0x89: {  	_ =	swait.ge [sflag:s13], $0x7D0  }
0x8a: {  	s19 =	rddreg [dreg:$0x7]  }
0x8b: {  	s21 =	sadd.s32 s19, s17  }
0x8c: {  	s8 =	smov.u32 s22;
	[sflag:s13] =	ssyncset.done $0x0;
	s19 =	sshrl.u32 s21, $0x3  }
0x8d: {  	s22 =	simm.s32 $0x100D0;
	[sflag:s13] =	ssyncadd.s32 $0xFFFFF830;
	s19 =	sadd.s32 s6, s19  }
0x8e: {  	[tilespmem:s22], [sflag:$0x1] =	stream.linear.gather [hbm4b:s19+s15], $0x7D0, $0x38;
	[tilespmem:$0x13250] =	vst v63  }
0x8f: {  	s0 =	sadd.s32 s9, s17;
	_ =	swait.ge [sflag:s13], $0x7D0  }
0x90: {  	s19 =	sshrl.u32 s0, $0x3;
	[sflag:s13] =	ssyncset.done $0x0  }
0x91: {  	s3 =	simm.s32 $0x108D0;
	s19 =	sadd.s32 s6, s19;
	[sflag:s13] =	ssyncadd.s32 $0xFFFFF830  }
0x92: {  	[tilespmem:s3], [sflag:$0x1] =	stream.linear.gather [hbm4b:s19+s15], $0x7D0, $0x38;
	[tilespmem:$0x13250] =	vst v63  }
0x93: {  	s21 =	sadd.s32 s1, s17;
	_ =	swait.ge [sflag:s13], $0x7D0  }
0x94: {  	s19 =	sshrl.u32 s21, $0x3;
	[sflag:s13] =	ssyncset.done $0x0  }
0x95: {  	s22 =	simm.s32 $0x110D0;
	s19 =	sadd.s32 s6, s19;
	[sflag:s13] =	ssyncadd.s32 $0xFFFFF830  }
0x96: {  	[tilespmem:s22], [sflag:$0x1] =	stream.linear.gather [hbm4b:s19+s15], $0x7D0, $0x38;
	[tilespmem:$0x13250] =	vst v63  }
0x97: {  	s0 =	sadd.s32 s29, s17;
	_ =	swait.ge [sflag:s13], $0x7D0  }
0x98: {  	s19 =	sshrl.u32 s0, $0x3;
	[sflag:s13] =	ssyncset.done $0x0  }
0x99: {  	s3 =	simm.s32 $0x118D0;
	s19 =	sadd.s32 s6, s19;
	[sflag:s13] =	ssyncadd.s32 $0xFFFFF830  }
0x9a: {  	[tilespmem:s3], [sflag:$0x1] =	stream.linear.gather [hbm4b:s19+s15], $0x7D0, $0x38;
	[tilespmem:$0x13250] =	vst v63  }
0x9b: {  	s17 =	sadd.s32 s14, s17;
	_ =	swait.ge [sflag:s13], $0x7D0  }
0x9c: {  	s17 =	sshrl.u32 s17, $0x3;
	[sflag:s13] =	ssyncset.done $0x0  }
0x9d: {  	s17 =	sadd.s32 s6, s17;
	s19 =	simm.s32 $0x120D0;
	[sflag:s13] =	ssyncadd.s32 $0xFFFFF830  }
0x9e: {  	v12 =	vor.u32 s15, v0;
	[tilespmem:s19], [sflag:$0x1] =	stream.linear.gather [hbm4b:s17+s15], $0x7D0, $0x38;
	[tilespmem:$0x13250] =	vst v63  }
0x9f: {  	v13 =	vmulhi.u32 $0xCCCCCCCD, v12;
	s17 =	sadd.s32 s30, s7;
	_ =	swait.ge [sflag:s13], $0x7D0  }
0xa0: {  	s21 =	sshrl.u32 s17, $0x3;
	[sflag:s13] =	ssyncset.done $0x0;
	s3 =	rddreg [dreg:$0x4]  }
0xa1: {  	v13 =	vshrl.u32 v13, $0x4;
	[sflag:s13] =	ssyncadd.s32 $0xFFFFF830;
	s19 =	sadd.s32 s3, s21  }
0xa2: {  	v14 =	vmul.u32 $0xFFFFFFEC, v13;
	[tilespmem:s20], [sflag:$0x1] =	stream.linear.gather [hbm4b:s19+s15], $0x6C, $0x38;
	[tilespmem:$0x13250] =	vst v63  }
0xa3: {  	v15 =	vmov s15;
	v12 =	vsub.s32 $0x0, v12;
	s19 =	simm.s32 $0x10;
	_ =	swait.ge [sflag:s13], $0x6C  }
0xa4: {  	vm0 =	veq.s32 v15, v0;
	vm1 =	vne.s32 v14, v12;
	s7 =	sand.u32 $0x4, s7;
	s21 =	sshrl.u32 s17, $0x1;
	v14 =	vor.u32 s19, v0;
	[sflag:s13] =	ssyncset.done $0x0  }
0xa5: {  	vm0 =	vmand vm0, vm1;
	s22 =	simm.s32 $0x12950;
	v12 =	vmov s7;
	s21 =	sadd.s32 s26, s21;
	v15 =	vmulhi.u32 $0xCCCCCCCD, v14;
	[sflag:s13] =	ssyncadd.s32 $0xFFFFFF94  }
0xa6: {  	v16 =	vsel vm0, $0xFFFFFFFF, v2;
	v13 =	vadd.s32 v12, v13;
	[tilespmem:s22], [sflag:$0x1] =	stream.linear.gather [hbm4b:s21+s15], $0x190, $0x38;
	[tilespmem:$0x13250] =	vst v63  }
0xa7: {  	s0 =	smov.u32 s26;
	v13 =	vadd.s32 v16, v13;
	s26 =	simm.s32 $0x20;
	v15 =	vshrl.u32 v15, $0x4;
	_ =	swait.ge [sflag:s13], $0x190  }
0xa8: {  	v17 =	vmov s19;
	v18 =	vor.u32 s26, v0;
	s21 =	simm.s32 $0x30;
	v16 =	vmul.u32 $0xFFFFFFEC, v15;
	[sflag:s13] =	ssyncset.done $0x0  }
0xa9: {  	s19 =	simm.s32 $0x0;
	v14 =	vsub.s32 $0x0, v14;
	v19 =	vmulhi.u32 $0xCCCCCCCD, v18;
	v20 =	vor.u32 s21, v0;
	[sflag:s13] =	ssyncadd.s32 $0xFFFFFE70  }
0xaa: {  	vm13 =	vne.s32 v16, v14;
	v14 =	vmulhi.u32 $0xCCCCCCCD, v20;
	v16 =	vld [tilespmem:s19+$0x118D0]  }
0xab: {  	vm12 =	veq.s32 v17, v0;
	v17 =	vshrl.u32 v19, $0x4;
	v19 =	vld [tilespmem:s19+$0x110D0]  }
0xac: {  	v22 =	vmov s26;
	v21 =	vmul.u32 $0xFFFFFFEC, v17;
	v23 =	vld.idx.msk [tilespmem:v13+s20+$0x0], $0xffff;
	v14 =	vshrl.u32 v14, $0x4  }
0xad: {  	vm14 =	veq.s32 v22, v0;
	v13 =	vsub.s32 $0x0, v18;
	v22 =	vld [tilespmem:s19+$0xE8D0];
	v18 =	vmul.u32 $0xFFFFFFEC, v14  }
0xae: {  	v20 =	vsub.s32 $0x0, v20;
	vm2 =	vne.s32 v21, v13;
	v21 =	vld [tilespmem:s19+$0x100D0]  }
0xaf: {  	vm0 =	vmand vm12, vm13;
	v13 =	vmov s21;
	vm15 =	vne.s32 v18, v20;
	v20 =	vld [tilespmem:s19+$0xF8D0]  }
0xb0: {  	v17 =	vadd.s32 v12, v17;
	v24 =	vsel vm0, $0xFFFFFFFF, v2;
	vm3 =	veq.s32 v13, v0  }
0xb1: {  	vm1 =	vmand vm14, vm2;
	v13 =	vadd.s32 v12, v15;
	v14 =	vadd.s32 v12, v14  }
0xb2: {  	v15 =	vadd.s32 v24, v13;
	v18 =	vsel vm1, $0xFFFFFFFF, v2;
	v26 =	vmul.f32 v16, v22;
	v16 =	vld [tilespmem:s19+$0x120D0]  }
0xb3: {  	vm0 =	vmand vm3, vm15;
	v19 =	vmul.f32 v19, v23;
	v13 =	vadd.s32 v18, v17;
	v17 =	vld [tilespmem:s19+$0x108D0]  }
0xb4: {  	s28 =	simm.s32 $0x100;
	v25 =	vsel vm0, $0xFFFFFFFF, v2;
	v18 =	vmul.f32 v21, v22;
	v20 =	vmul.f32 v20, v23  }
0xb5: {  	s7 =	simm.s32 $0x10;
	s26 =	simm.s32 $0x20;
	s22 =	simm.s32 $0xC0;
	v14 =	vadd.s32 v25, v14;
	v19 =	vadd.f32 v26, v19  }
.LBB2_9:
0xb6: {  	p1 =	sne.s32 s28, $0x1F00;
	v18 =	vadd.f32 v18, v20;
	s3 =	smov.u32 s28;
	s28 =	sadd.s32 $0x40, s28  }
0xb7: {  	s21 =	sadd.s32 $0x10, s21;
	v16 =	vadd.f32 v19, v16  }
0xb8: {  	v19 =	vor.u32 s21, v0;
	v20 =	vld [tilespmem:s7+$0x100D0];
	v17 =	vadd.f32 v18, v17  }
0xb9: {  	v18 =	vmulhi.u32 $0xCCCCCCCD, v19;
	v21 =	vld [tilespmem:s7+$0x118D0];
	[tilespmem:s19+$0xF0D0] =	vst v16  }
0xba: {  	v22 =	vld [tilespmem:s7+$0x110D0];
	[tilespmem:s19+$0xE8D0] =	vst v17;
	s19 =	smov.u32 s7;
	s7 =	smov.u32 s26  }
0xbb: {  	v16 =	vshrl.u32 v18, $0x4;
	v23 =	vld.idx.msk [tilespmem:v15+s20+$0x0], $0xffff;
	v15 =	vmov v13;
	v13 =	vmov v14  }
0xbc: {  	v14 =	vmul.u32 $0xFFFFFFEC, v16;
	v18 =	vld [tilespmem:s19+$0xE8D0]  }
0xbd: {  	v19 =	vsub.s32 $0x0, v19;
	v17 =	vmov s21;
	v24 =	vld [tilespmem:s19+$0xF8D0]  }
0xbe: {  	vm0 =	veq.s32 v17, v0;
	vm1 =	vne.s32 v14, v19  }
.Ltmp3:
0xbf: {  	vm0 =	vmand vm0, vm1;
	(pc) =	sbr.rel @p1 .LBB2_9-.Ltmp3, $4  }
0xc0: {  	v17 =	vadd.s32 v12, v16;
	v14 =	vsel vm0, $0xFFFFFFFF, v2;
	v16 =	vld [tilespmem:s19+$0x120D0]  }
0xc1: {  	v14 =	vadd.s32 v14, v17;
	v17 =	vld [tilespmem:s19+$0x108D0];
	v19 =	vmul.f32 v21, v18;
	v21 =	vmul.f32 v22, v23  }
0xc2: {  	s26 =	sshra.s32 s22, $0x2;
	s22 =	smov.u32 s3;
	v18 =	vmul.f32 v20, v18;
	v20 =	vmul.f32 v24, v23  }
0xc3: {  	v19 =	vadd.f32 v19, v21  }
0xc4: {  	v12 =	vadd.f32 v18, v20  }
0xc5: {  	v16 =	vadd.f32 v19, v16  }
0xc6: {  	v54 =	vld [tilespmem:s7+$0x100D0];
	v12 =	vadd.f32 v12, v17  }
0xc7: {  	v55 =	vld [tilespmem:s7+$0x118D0];
	[tilespmem:s19+$0xF0D0] =	vst v16  }
0xc8: {  	v16 =	vld [tilespmem:s7+$0x110D0];
	[tilespmem:s19+$0xE8D0] =	vst v12  }
0xc9: {  	v12 =	vld.idx.msk [tilespmem:v15+s20+$0x0], $0xffff  }
0xca: {  	v15 =	vld [tilespmem:s7+$0xE8D0]  }
0xcb: {  	v17 =	vld [tilespmem:s7+$0xF8D0];
	_ =	sdelay $0x2  }
0xcc: {  	v56 =	vld [tilespmem:s7+$0x120D0]  }
0xcd: {  	v21 =	vld [tilespmem:s7+$0x108D0];
	v19 =	vmul.f32 v55, v15;
	v16 =	vmul.f32 v16, v12  }
0xce: {  	v15 =	vmul.f32 v54, v15;
	v12 =	vmul.f32 v17, v12  }
0xcf: {  	v16 =	vadd.f32 v19, v16  }
0xd0: {  	v12 =	vadd.f32 v15, v12  }
0xd1: {  	v15 =	vadd.f32 v16, v56  }
0xd2: {  	v17 =	vld [tilespmem:s26+$0x118D0];
	v12 =	vadd.f32 v12, v21  }
0xd3: {  	v16 =	vld [tilespmem:s26+$0x100D0];
	[tilespmem:s7+$0xF0D0] =	vst v15  }
0xd4: {  	v15 =	vld [tilespmem:s26+$0x110D0];
	[tilespmem:s7+$0xE8D0] =	vst v12  }
0xd5: {  	v12 =	vld.idx.msk [tilespmem:v13+s20+$0x0], $0xffff  }
0xd6: {  	v13 =	vld [tilespmem:s26+$0xE8D0]  }
0xd7: {  	v57 =	vld [tilespmem:s26+$0xF8D0];
	_ =	sdelay $0x2  }
0xd8: {  	v58 =	vld [tilespmem:s26+$0x120D0]  }
0xd9: {  	v59 =	vld [tilespmem:s26+$0x108D0];
	v17 =	vmul.f32 v17, v13;
	v15 =	vmul.f32 v15, v12  }
0xda: {  	v13 =	vmul.f32 v16, v13;
	v12 =	vmul.f32 v57, v12  }
0xdb: {  	v15 =	vadd.f32 v17, v15  }
0xdc: {  	v12 =	vadd.f32 v13, v12  }
0xdd: {  	s3 =	sshra.s32 s22, $0x2;
	v13 =	vadd.f32 v15, v58  }
0xde: {  	v16 =	vld [tilespmem:s3+$0x118D0];
	v12 =	vadd.f32 v12, v59  }
0xdf: {  	v15 =	vld [tilespmem:s3+$0x100D0];
	[tilespmem:s26+$0xF0D0] =	vst v13  }
0xe0: {  	v13 =	vld [tilespmem:s3+$0x110D0];
	[tilespmem:s26+$0xE8D0] =	vst v12  }
0xe1: {  	v12 =	vld.idx.msk [tilespmem:v14+s20+$0x0], $0xffff  }
0xe2: {  	v14 =	vld [tilespmem:s3+$0xE8D0]  }
0xe3: {  	v17 =	vld [tilespmem:s3+$0xF8D0];
	_ =	sdelay $0x3  }
0xe4: {  	v61 =	vld [tilespmem:s3+$0x108D0];
	v16 =	vmul.f32 v16, v14;
	v13 =	vmul.f32 v13, v12  }
0xe5: {  	v14 =	vmul.f32 v15, v14;
	v12 =	vmul.f32 v17, v12;
	_ =	sdelay $0x1  }
0xe6: {  	v12 =	vadd.f32 v14, v12;
	_ =	sdelay $0x1  }
0xe7: {  	v60 =	vld [tilespmem:s3+$0x120D0];
	v12 =	vadd.f32 v12, v61  }
0xe8: {  	s21 =	simm.s32 $0x0  }
0xe9: {  	[tilespmem:s3+$0xE8D0] =	vst v12;
	v12 =	vmov s21  }
0xea: {  	v13 =	vadd.f32 v16, v13;
	v12 =	vmul.u32 $0x5, v12;
	_ =	sdelay $0x1  }
0xeb: {  	v13 =	vadd.f32 v13, v60;
	v12 =	vbroadcast v12, $0x0;
	_ =	sdelay $0x1  }
0xec: {  	s19 =	simm.s32 $0xF0D0;
	[tilespmem:s3+$0xF0D0] =	vst v13;
	v13 =	vadd.s32 v5, v12  }
0xed: {  	[spmem:s18] =	stream.linear.scatter [tilespmem:s19], [sflag:$0x1], $0x7D0, $0x38;
	v14 =	vadd.s32 v4, v12;
	[tilespmem:$0x13250] =	vst v63  }
0xee: {  	_ =	swait.ge [sflag:s13], $0x7D0;
	v15 =	vadd.s32 v3, v12  }
0xef: {  	[sflag:s13] =	ssyncset.done $0x0;
	v16 =	vadd.s32 v1, v12  }
0xf0: {  	[sflag:s13] =	ssyncadd.s32 $0xFFFFF830  }
0xf1: {  	v12 =	vadd.s32 v6, v12;
	v13 =	vld.idx.msk [tilespmem:v13+s12+$0x0], $0xffff  }
0xf2: {  	v14 =	vld.idx.msk [tilespmem:v14+s12+$0x0], $0xffff  }
0xf3: {  	v15 =	vld.idx.msk [tilespmem:v15+s12+$0x0], $0xffff  }
0xf4: {  	v16 =	vld.idx.msk [tilespmem:v16+s12+$0x0], $0xffff;
	_ =	sdelay $0x1  }
0xf5: {  	v12 =	vld.idx.msk [tilespmem:v12+s12+$0x0], $0xffff;
	_ =	sdelay $0x2  }
0xf6: {  	v17 =	vmax.f32 v16, v15;
	v62 =	vmax.f32 v14, v13  }
0xf7: {  	v17 =	vmax.f32 v17, v62  }
0xf8: {  	v17 =	vmax.f32 v17, v12  }
0xf9: {  	v16 =	vsub.f32 v16, v17  }
0xfa: {  	v15 =	vsub.f32 v15, v17  }
0xfb: {  	v16 =	vmul.f32 $1.442695020e+00, v16  }
0xfc: {  	v14 =	vsub.f32 v14, v17;
	v15 =	vmul.f32 $1.442695020e+00, v15  }
0xfd: {  	(erf) = vpow2.f32 v16  }
0xfe: {  	v13 =	vsub.f32 v13, v17;
	v14 =	vmul.f32 $1.442695020e+00, v14;
	(erf) = vpow2.f32 v15;
	_ =	sdelay $0x1  }
0xff: {  	v12 =	vsub.f32 v12, v17;
	v13 =	vmul.f32 $1.442695020e+00, v13;
	(erf) = vpow2.f32 v14;
	_ =	sdelay $0x1  }
0x100: {  	v12 =	vmul.f32 $1.442695020e+00, v12;
	(erf) = vpow2.f32 v13;
	_ =	sdelay $0x1  }
0x101: {  	(erf) = vpow2.f32 v12;
	_ =	sdelay $0x1  }
0x102: {  	v12 =	vpop (erf)  }
0x103: {  	v13 =	vpop (erf)  }
0x104: {  	v12 =	vadd.f32 v13, v12  }
0x105: {  	v13 =	vpop (erf)  }
0x106: {  	v12 =	vadd.f32 v12, v13  }
0x107: {  	v13 =	vpop (erf)  }
0x108: {  	v12 =	vadd.f32 v12, v13  }
0x109: {  	v13 =	vpop (erf)  }
0x10a: {  	v12 =	vadd.f32 v12, v13;
	_ =	sdelay $0x1  }
0x10b: {  	v13 =	vand.u32 $0x7FFFFF, v12  }
0x10c: {  	v13 =	vor.u32 $0x3F800000, v13  }
0x10d: {  	v14 =	vmul.f32 $5.000000000e-01, v13  }
0x10e: {  	vm0 =	vgt.f32 v13, $1.414213540e+00  }
0x10f: {  	v13 =	vsel vm0, v14, v13  }
0x110: {  	v14 =	vadd.f32 $1.000000000e+00, v13;
	_ =	sdelay $0x1  }
0x111: {  	(erf) = vrcp.f32 v14;
	_ =	sdelay $0x7  }
0x112: {  	v13 =	vadd.f32 $-1.000000000e+00, v13  }
0x113: {  	v14 =	vpop (erf)  }
0x114: {  	v13 =	vmul.f32 v14, v13;
	_ =	sdelay $0x1  }
0x115: {  	v14 =	vmul.f32 v13, v13;
	_ =	sdelay $0x1  }
0x116: {  	v15 =	vmul.f32 $2.222222240e-01, v14;
	_ =	sdelay $0x1  }
0x117: {  	v15 =	vadd.f32 $2.857142980e-01, v15;
	_ =	sdelay $0x1  }
0x118: {  	v15 =	vmul.f32 v15, v14;
	_ =	sdelay $0x1  }
0x119: {  	v15 =	vadd.f32 $4.000000060e-01, v15;
	_ =	sdelay $0x1  }
0x11a: {  	v15 =	vmul.f32 v15, v14;
	_ =	sdelay $0x1  }
0x11b: {  	v15 =	vadd.f32 $6.666666860e-01, v15  }
0x11c: {  	v12 =	vshra.s32 v12, $0x17;
	v16 =	vsel vm0, $0x1, v2  }
0x11d: {  	v12 =	vadd.s32 v16, v12;
	v14 =	vmul.f32 v15, v14  }
0x11e: {  	v12 =	vadd.s32 $0xFFFFFF81, v12  }
0x11f: {  	s26 =	simm.s32 $0x10;
	v12 =	vcvt.s32.f32 v12;
	v14 =	vadd.f32 $2.000000000e+00, v14  }
0x120: {  	v15 =	vmov s26  }
0x121: {  	s22 =	simm.s32 $0x12950;
	v12 =	vmul.f32 $6.931471820e-01, v12;
	v15 =	vmul.u32 $0x5, v15;
	v13 =	vmul.f32 v14, v13  }
0x122: {  	v14 =	vld [tilespmem:s22+$0x0]  }
0x123: {  	v15 =	vbroadcast v15, $0x0;
	v12 =	vadd.f32 v13, v12;
	_ =	sdelay $0x1  }
0x124: {  	v13 =	vadd.s32 v5, v15;
	v12 =	vadd.f32 v12, v17  }
0x125: {  	v16 =	vadd.s32 v4, v15  }
0x126: {  	v17 =	vadd.s32 v3, v15;
	v12 =	vmul.f32 v12, v14  }
0x127: {  	s18 =	simm.s32 $0x12B50;
	v14 =	vadd.s32 v1, v15  }
0x128: {  	[tilespmem:s18+$0x0] =	vst v12  }
0x129: {  	v12 =	vadd.s32 v6, v15;
	v13 =	vld.idx.msk [tilespmem:v13+s12+$0x0], $0xffff  }
0x12a: {  	v15 =	vld.idx.msk [tilespmem:v16+s12+$0x0], $0xffff  }
0x12b: {  	v16 =	vld.idx.msk [tilespmem:v17+s12+$0x0], $0xffff  }
0x12c: {  	v14 =	vld.idx.msk [tilespmem:v14+s12+$0x0], $0xffff;
	_ =	sdelay $0x1  }
0x12d: {  	v17 =	vld.idx.msk [tilespmem:v12+s12+$0x0], $0xffff;
	_ =	sdelay $0x2  }
0x12e: {  	v63 =	vmax.f32 v15, v13;
	v12 =	vmax.f32 v14, v16  }
0x12f: {  	v12 =	vmax.f32 v12, v63  }
0x130: {  	v12 =	vmax.f32 v12, v17  }
0x131: {  	v14 =	vsub.f32 v14, v12  }
0x132: {  	v16 =	vsub.f32 v16, v12  }
0x133: {  	v14 =	vmul.f32 $1.442695020e+00, v14  }
0x134: {  	v15 =	vsub.f32 v15, v12;
	v16 =	vmul.f32 $1.442695020e+00, v16  }
0x135: {  	(erf) = vpow2.f32 v14  }
0x136: {  	v13 =	vsub.f32 v13, v12;
	v14 =	vmul.f32 $1.442695020e+00, v15;
	(erf) = vpow2.f32 v16;
	_ =	sdelay $0x1  }
0x137: {  	v13 =	vmul.f32 $1.442695020e+00, v13;
	v15 =	vsub.f32 v17, v12;
	(erf) = vpow2.f32 v14;
	_ =	sdelay $0x1  }
0x138: {  	v14 =	vmul.f32 $1.442695020e+00, v15;
	(erf) = vpow2.f32 v13;
	_ =	sdelay $0x1  }
0x139: {  	(erf) = vpow2.f32 v14;
	_ =	sdelay $0x1  }
0x13a: {  	v13 =	vpop (erf)  }
0x13b: {  	v14 =	vpop (erf)  }
0x13c: {  	v13 =	vadd.f32 v14, v13  }
0x13d: {  	v14 =	vpop (erf)  }
0x13e: {  	v13 =	vadd.f32 v13, v14  }
0x13f: {  	v14 =	vpop (erf)  }
0x140: {  	v13 =	vadd.f32 v13, v14  }
0x141: {  	v14 =	vpop (erf)  }
0x142: {  	v13 =	vadd.f32 v13, v14;
	_ =	sdelay $0x1  }
0x143: {  	v14 =	vand.u32 $0x7FFFFF, v13  }
0x144: {  	v14 =	vor.u32 $0x3F800000, v14  }
0x145: {  	v15 =	vmul.f32 $5.000000000e-01, v14  }
0x146: {  	vm15 =	vgt.f32 v14, $1.414213540e+00  }
0x147: {  	v14 =	vsel vm15, v15, v14  }
0x148: {  	v15 =	vadd.f32 $1.000000000e+00, v14;
	_ =	sdelay $0x1  }
0x149: {  	(erf) = vrcp.f32 v15;
	_ =	sdelay $0x7  }
0x14a: {  	v14 =	vadd.f32 $-1.000000000e+00, v14  }
0x14b: {  	v15 =	vpop (erf)  }
0x14c: {  	v14 =	vmul.f32 v15, v14;
	_ =	sdelay $0x1  }
0x14d: {  	v15 =	vmul.f32 v14, v14;
	_ =	sdelay $0x1  }
0x14e: {  	v16 =	vmul.f32 $2.222222240e-01, v15;
	_ =	sdelay $0x1  }
0x14f: {  	v16 =	vadd.f32 $2.857142980e-01, v16;
	_ =	sdelay $0x1  }
0x150: {  	v16 =	vmul.f32 v16, v15;
	_ =	sdelay $0x1  }
0x151: {  	v16 =	vadd.f32 $4.000000060e-01, v16;
	_ =	sdelay $0x1  }
0x152: {  	v16 =	vmul.f32 v16, v15;
	_ =	sdelay $0x1  }
0x153: {  	v16 =	vadd.f32 $6.666666860e-01, v16  }
0x154: {  	v13 =	vshra.s32 v13, $0x17;
	v17 =	vsel vm15, $0x1, v2  }
0x155: {  	v13 =	vadd.s32 v17, v13;
	v15 =	vmul.f32 v16, v15  }
0x156: {  	v13 =	vadd.s32 $0xFFFFFF81, v13  }
0x157: {  	s28 =	simm.s32 $0x20;
	v13 =	vcvt.s32.f32 v13;
	v15 =	vadd.f32 $2.000000000e+00, v15  }
0x158: {  	v16 =	vmov s28  }
0x159: {  	s19 =	simm.s32 $0x12960;
	v17 =	vmul.f32 $6.931471820e-01, v13;
	v16 =	vmul.u32 $0x5, v16;
	v15 =	vmul.f32 v15, v14  }
0x15a: {  	v14 =	vld [tilespmem:s19+$0x0]  }
0x15b: {  	v13 =	vbroadcast v16, $0x0;
	v15 =	vadd.f32 v15, v17  }
0x15c: {  	s21 =	simm.s32 $0x30;
	s26 =	smov.u32 s0;
	s22 =	smov.u32 s8  }
.LBB2_11:
0x15d: {  	p1 =	seq.s32 s21, $0x180;
	v16 =	vadd.s32 v5, v13;
	v12 =	vadd.f32 v15, v12  }
0x15e: {  	v15 =	vadd.s32 v4, v13  }
0x15f: {  	v17 =	vadd.s32 v3, v13;
	v12 =	vmul.f32 v12, v14  }
0x160: {  	s18 =	sadd.s32 $0x10, s18;
	v14 =	vadd.s32 v1, v13  }
0x161: {  	[tilespmem:s18+$0x0] =	vst v12  }
0x162: {  	v12 =	vadd.s32 v6, v13;
	v16 =	vld.idx.msk [tilespmem:v16+s12+$0x0], $0xffff  }
0x163: {  	v13 =	vld.idx.msk [tilespmem:v15+s12+$0x0], $0xffff  }
0x164: {  	v15 =	vld.idx.msk [tilespmem:v17+s12+$0x0], $0xffff  }
0x165: {  	v14 =	vld.idx.msk [tilespmem:v14+s12+$0x0], $0xffff;
	_ =	sdelay $0x1  }
0x166: {  	v17 =	vld.idx.msk [tilespmem:v12+s12+$0x0], $0xffff;
	_ =	sdelay $0x3  }
0x167: {  	v18 =	vmax.f32 v13, v16;
	v12 =	vmax.f32 v14, v15  }
0x168: {  	v12 =	vmax.f32 v12, v18  }
0x169: {  	v12 =	vmax.f32 v12, v17  }
0x16a: {  	v14 =	vsub.f32 v14, v12  }
0x16b: {  	v15 =	vsub.f32 v15, v12  }
0x16c: {  	v14 =	vmul.f32 $1.442695020e+00, v14  }
0x16d: {  	v13 =	vsub.f32 v13, v12;
	v15 =	vmul.f32 $1.442695020e+00, v15  }
0x16e: {  	(erf) = vpow2.f32 v14  }
0x16f: {  	v13 =	vmul.f32 $1.442695020e+00, v13;
	v14 =	vsub.f32 v16, v12;
	(erf) = vpow2.f32 v15;
	_ =	sdelay $0x1  }
0x170: {  	v15 =	vsub.f32 v17, v12;
	v14 =	vmul.f32 $1.442695020e+00, v14;
	(erf) = vpow2.f32 v13;
	_ =	sdelay $0x1  }
0x171: {  	v13 =	vmul.f32 $1.442695020e+00, v15;
	(erf) = vpow2.f32 v14;
	_ =	sdelay $0x1  }
0x172: {  	(erf) = vpow2.f32 v13;
	_ =	sdelay $0x1  }
0x173: {  	v13 =	vpop (erf)  }
0x174: {  	v14 =	vpop (erf)  }
0x175: {  	v13 =	vadd.f32 v14, v13  }
0x176: {  	v14 =	vpop (erf)  }
0x177: {  	v13 =	vadd.f32 v13, v14  }
0x178: {  	v14 =	vpop (erf)  }
0x179: {  	v13 =	vadd.f32 v13, v14  }
0x17a: {  	v14 =	vpop (erf)  }
0x17b: {  	v13 =	vadd.f32 v13, v14;
	_ =	sdelay $0x1  }
0x17c: {  	v14 =	vand.u32 $0x7FFFFF, v13  }
0x17d: {  	v14 =	vor.u32 $0x3F800000, v14  }
0x17e: {  	v15 =	vmul.f32 $5.000000000e-01, v14  }
0x17f: {  	vm0 =	vgt.f32 v14, $1.414213540e+00  }
0x180: {  	v14 =	vsel vm0, v15, v14  }
0x181: {  	v15 =	vadd.f32 $1.000000000e+00, v14;
	_ =	sdelay $0x1  }
0x182: {  	(erf) = vrcp.f32 v15;
	_ =	sdelay $0x7  }
0x183: {  	v14 =	vadd.f32 $-1.000000000e+00, v14  }
0x184: {  	v15 =	vpop (erf)  }
0x185: {  	v14 =	vmul.f32 v15, v14;
	_ =	sdelay $0x1  }
0x186: {  	v15 =	vmul.f32 v14, v14;
	_ =	sdelay $0x1  }
0x187: {  	v16 =	vmul.f32 $2.222222240e-01, v15;
	_ =	sdelay $0x1  }
0x188: {  	v16 =	vadd.f32 $2.857142980e-01, v16;
	_ =	sdelay $0x1  }
0x189: {  	v16 =	vmul.f32 v16, v15;
	_ =	sdelay $0x1  }
0x18a: {  	v16 =	vadd.f32 $4.000000060e-01, v16;
	_ =	sdelay $0x1  }
0x18b: {  	v16 =	vmul.f32 v16, v15;
	_ =	sdelay $0x1  }
0x18c: {  	v16 =	vadd.f32 $6.666666860e-01, v16  }
0x18d: {  	v13 =	vshra.s32 v13, $0x17;
	v17 =	vsel vm0, $0x1, v2  }
0x18e: {  	v13 =	vadd.s32 v17, v13;
	v15 =	vmul.f32 v16, v15  }
0x18f: {  	v13 =	vadd.s32 $0xFFFFFF81, v13  }
0x190: {  	v13 =	vcvt.s32.f32 v13;
	v15 =	vadd.f32 $2.000000000e+00, v15  }
.Ltmp4:
0x191: {  	v16 =	vmov s21;
	(pc) =	sbr.rel @!p1 .LBB2_11-.Ltmp4, $4  }
0x192: {  	s19 =	sadd.s32 $0x10, s19;
	v17 =	vmul.f32 $6.931471820e-01, v13;
	v16 =	vmul.u32 $0x5, v16;
	v15 =	vmul.f32 v15, v14  }
0x193: {  	v14 =	vld [tilespmem:s19+$0x0]  }
0x194: {  	v13 =	vbroadcast v16, $0x0;
	v15 =	vadd.f32 v15, v17  }
0x195: {  	s21 =	sadd.s32 $0x10, s21  }
0x196: {  	v16 =	vadd.s32 v5, v13;
	v12 =	vadd.f32 v15, v12  }
0x197: {  	v15 =	vadd.s32 v4, v13  }
0x198: {  	v17 =	vadd.s32 v3, v13;
	v12 =	vmul.f32 v12, v14  }
0x199: {  	s7 =	sadd.s32 $0x10, s18;
	v14 =	vadd.s32 v1, v13  }
0x19a: {  	[tilespmem:s7+$0x0] =	vst v12  }
0x19b: {  	v13 =	vadd.s32 v6, v13;
	v12 =	vld.idx.msk [tilespmem:v16+s12+$0x0], $0xffff  }
0x19c: {  	v15 =	vld.idx.msk [tilespmem:v15+s12+$0x0], $0xffff  }
0x19d: {  	v16 =	vld.idx.msk [tilespmem:v17+s12+$0x0], $0xffff  }
0x19e: {  	v14 =	vld.idx.msk [tilespmem:v14+s12+$0x0], $0xffff;
	_ =	sdelay $0x1  }
0x19f: {  	v13 =	vld.idx.msk [tilespmem:v13+s12+$0x0], $0xffff;
	_ =	sdelay $0x2  }
0x1a0: {  	v18 =	vmax.f32 v15, v12;
	v17 =	vmax.f32 v14, v16  }
0x1a1: {  	v17 =	vmax.f32 v17, v18  }
0x1a2: {  	v17 =	vmax.f32 v17, v13  }
0x1a3: {  	v14 =	vsub.f32 v14, v17  }
0x1a4: {  	v16 =	vsub.f32 v16, v17  }
0x1a5: {  	v14 =	vmul.f32 $1.442695020e+00, v14  }
0x1a6: {  	v15 =	vsub.f32 v15, v17;
	v16 =	vmul.f32 $1.442695020e+00, v16  }
0x1a7: {  	(erf) = vpow2.f32 v14  }
0x1a8: {  	v12 =	vsub.f32 v12, v17;
	v14 =	vmul.f32 $1.442695020e+00, v15;
	(erf) = vpow2.f32 v16;
	_ =	sdelay $0x1  }
0x1a9: {  	v13 =	vsub.f32 v13, v17;
	v12 =	vmul.f32 $1.442695020e+00, v12;
	(erf) = vpow2.f32 v14;
	_ =	sdelay $0x1  }
0x1aa: {  	v13 =	vmul.f32 $1.442695020e+00, v13;
	(erf) = vpow2.f32 v12;
	_ =	sdelay $0x1  }
0x1ab: {  	(erf) = vpow2.f32 v13;
	_ =	sdelay $0x1  }
0x1ac: {  	v12 =	vpop (erf)  }
0x1ad: {  	v13 =	vpop (erf)  }
0x1ae: {  	v12 =	vadd.f32 v13, v12  }
0x1af: {  	v13 =	vpop (erf)  }
0x1b0: {  	v12 =	vadd.f32 v12, v13  }
0x1b1: {  	v13 =	vpop (erf)  }
0x1b2: {  	v12 =	vadd.f32 v12, v13  }
0x1b3: {  	v13 =	vpop (erf)  }
0x1b4: {  	v12 =	vadd.f32 v12, v13;
	_ =	sdelay $0x1  }
0x1b5: {  	v13 =	vand.u32 $0x7FFFFF, v12  }
0x1b6: {  	v13 =	vor.u32 $0x3F800000, v13  }
0x1b7: {  	v14 =	vmul.f32 $5.000000000e-01, v13  }
0x1b8: {  	vm0 =	vgt.f32 v13, $1.414213540e+00  }
0x1b9: {  	v13 =	vsel vm0, v14, v13  }
0x1ba: {  	v14 =	vadd.f32 $1.000000000e+00, v13;
	_ =	sdelay $0x1  }
0x1bb: {  	(erf) = vrcp.f32 v14;
	_ =	sdelay $0x7  }
0x1bc: {  	v13 =	vadd.f32 $-1.000000000e+00, v13  }
0x1bd: {  	v14 =	vpop (erf)  }
0x1be: {  	v13 =	vmul.f32 v14, v13;
	_ =	sdelay $0x1  }
0x1bf: {  	v14 =	vmul.f32 v13, v13;
	_ =	sdelay $0x1  }
0x1c0: {  	v15 =	vmul.f32 $2.222222240e-01, v14;
	_ =	sdelay $0x1  }
0x1c1: {  	v15 =	vadd.f32 $2.857142980e-01, v15;
	_ =	sdelay $0x1  }
0x1c2: {  	v15 =	vmul.f32 v15, v14;
	_ =	sdelay $0x1  }
0x1c3: {  	v15 =	vadd.f32 $4.000000060e-01, v15;
	_ =	sdelay $0x1  }
0x1c4: {  	v15 =	vmul.f32 v15, v14;
	_ =	sdelay $0x1  }
0x1c5: {  	v15 =	vadd.f32 $6.666666860e-01, v15  }
0x1c6: {  	v12 =	vshra.s32 v12, $0x17;
	v16 =	vsel vm0, $0x1, v2  }
0x1c7: {  	v12 =	vadd.s32 v16, v12;
	v14 =	vmul.f32 v15, v14  }
0x1c8: {  	v12 =	vadd.s32 $0xFFFFFF81, v12  }
0x1c9: {  	v12 =	vcvt.s32.f32 v12;
	v14 =	vadd.f32 $2.000000000e+00, v14;
	_ =	sdelay $0x1  }
0x1ca: {  	s3 =	sadd.s32 $0x10, s19;
	v12 =	vmul.f32 $6.931471820e-01, v12;
	v13 =	vmul.f32 v14, v13  }
0x1cb: {  	v14 =	vld [tilespmem:s3+$0x0]  }
0x1cc: {  	v12 =	vadd.f32 v13, v12;
	_ =	sdelay $0x1  }
0x1cd: {  	s21 =	simm.s32 $0x0;
	v12 =	vadd.f32 v12, v17  }
0x1ce: {  	v13 =	vadd.s32 s21, v0  }
0x1cf: {  	v12 =	vmul.f32 v12, v14;
	v14 =	vshll.u32 v13, $0x2  }
0x1d0: {  	v15 =	vor.u32 $0x1, v14;
	_ =	sdelay $0x1  }
0x1d1: {  	s19 =	sadd.s32 $0x10, s7  }
0x1d2: {  	v16 =	vor.u32 $0x2, v14;
	[tilespmem:s19+$0x0] =	vst v12  }
0x1d3: {  	v17 =	vld.idx.msk [tilespmem:v14+s23+$0x0], $0xffff  }
0x1d4: {  	v18 =	vor.u32 $0x3, v14;
	v15 =	vld.idx.msk [tilespmem:v15+s23+$0x0], $0xffff;
	_ =	sdelay $0x2  }
0x1d5: {  	v16 =	vld.idx.msk [tilespmem:v16+s23+$0x0], $0xffff;
	_ =	sdelay $0x1  }
0x1d6: {  	v19 =	vadd.f32 v15, v17;
	v17 =	vld.idx.msk [tilespmem:v18+s23+$0x0], $0xffff  }
0x1d7: {  	s28 =	simm.s32 $0x10  }
0x1d8: {  	v14 =	vadd.s32 s28, v0  }
0x1d9: {  	v15 =	vshll.u32 v14, $0x2;
	v18 =	vadd.f32 v16, v19  }
0x1da: {  	s8 =	simm.s32 $0x64;
	s7 =	simm.s32 $0x20;
	v12 =	vmov s17;
	v16 =	vor.u32 $0x1, v15  }
.LBB2_13:
0x1db: {  	p1 =	sne.s32 s7, $0x50;
	v17 =	vadd.f32 v17, v18;
	_ =	sdelay $0x1  }
0x1dc: {  	v18 =	vor.u32 $0x2, v15;
	[tilespmem:v13+s24+$0x0] =	vst.idx.msk $0xffff, v17;
	v17 =	vadd.s32 v12, v13  }
0x1dd: {  	[tilespmem:v13+s25+$0x0] =	vst.idx.msk $0xffff, v17;
	v13 =	vmov v14  }
0x1de: {  	v14 =	vld.idx.msk [tilespmem:v16+s23+$0x0], $0xffff;
	v16 =	vor.u32 $0x3, v15  }
0x1df: {  	v15 =	vld.idx.msk [tilespmem:v15+s23+$0x0], $0xffff;
	_ =	sdelay $0x1  }
0x1e0: {  	v18 =	vld.idx.msk [tilespmem:v18+s23+$0x0], $0xffff;
	_ =	sdelay $0x1  }
0x1e1: {  	v17 =	vld.idx.msk [tilespmem:v16+s23+$0x0], $0xffff  }
.Ltmp5:
0x1e2: {  	(pc) =	sbr.rel @p1 .LBB2_13-.Ltmp5, $4  }
0x1e3: {  	v16 =	vadd.f32 v14, v15  }
0x1e4: {  	v14 =	vadd.s32 s7, v0  }
0x1e5: {  	v15 =	vshll.u32 v14, $0x2;
	v18 =	vadd.f32 v18, v16  }
0x1e6: {  	s7 =	sadd.s32 $0x10, s7;
	v16 =	vor.u32 $0x1, v15  }
0x1e7: {  	_ =	sdelay $0x1  }
0x1e8: {  	v17 =	vadd.f32 v17, v18;
	_ =	sdelay $0x1  }
0x1e9: {  	v56 =	vor.u32 $0x2, v15;
	v57 =	vadd.s32 v12, v13;
	[tilespmem:v13+s24+$0x0] =	vst.idx.msk $0xffff, v17  }
0x1ea: {  	[tilespmem:v13+s25+$0x0] =	vst.idx.msk $0xffff, v57  }
0x1eb: {  	v58 =	vor.u32 $0x3, v15;
	v13 =	vld.idx.msk [tilespmem:v16+s23+$0x0], $0xffff  }
0x1ec: {  	v59 =	vld.idx.msk [tilespmem:v15+s23+$0x0], $0xffff;
	_ =	sdelay $0x1  }
0x1ed: {  	v17 =	vld.idx.msk [tilespmem:v56+s23+$0x0], $0xffff;
	_ =	sdelay $0x1  }
0x1ee: {  	v16 =	vld.idx.msk [tilespmem:v58+s23+$0x0], $0xffff  }
0x1ef: {  	v13 =	vadd.f32 v13, v59;
	_ =	sdelay $0x1  }
0x1f0: {  	v13 =	vadd.f32 v17, v13;
	_ =	sdelay $0x1  }
0x1f1: {  	v13 =	vadd.f32 v16, v13;
	_ =	sdelay $0x1  }
0x1f2: {  	v60 =	vadd.s32 v12, v14;
	[tilespmem:v14+s24+$0x0] =	vst.idx.msk $0xffff, v13  }
0x1f3: {  	[tilespmem:v14+s25+$0x0] =	vst.idx.msk $0xffff, v60  }
0x1f4: {  	v13 =	vld.idx.msk [tilespmem:v7+s23+$0x0], $0xffff  }
0x1f5: {  	v14 =	vld.idx.msk [tilespmem:v8+s23+$0x0], $0xffff;
	_ =	sdelay $0x1  }
0x1f6: {  	v61 =	vld.idx.msk [tilespmem:v9+s23+$0x0], $0xffff;
	_ =	sdelay $0x1  }
0x1f7: {  	v62 =	vld.idx.msk [tilespmem:v10+s23+$0x0], $0xffff  }
0x1f8: {  	v13 =	vadd.f32 v14, v13;
	_ =	sdelay $0x1  }
0x1f9: {  	v13 =	vadd.f32 v61, v13;
	_ =	sdelay $0x1  }
0x1fa: {  	v13 =	vadd.f32 v62, v13  }
0x1fb: {  	s16 =	sadd.s32 $0x1, s16  }
0x1fc: {  	v63 =	vadd.s32 v11, v12;
	p1 =	sne.s32 s16, $0x19;
	[tilespmem:v11+s24+$0x0] =	vst.idx.msk $0xffff, v13  }
.Ltmp6:
0x1fd: {  	[tilespmem:v11+s25+$0x0] =	vst.idx.msk $0xffff, v63;
	(pc) =	sbr.rel @p1 .LBB2_8-.Ltmp6, $4  }
0x1fe: {  	[hbm4b:s5+s8] =	stream.indirect.scatter [tilespmem:s24], [sflag:$0x1], $0x1, s25, s8, $0xb8;
	[tilespmem:$0x13250] =	vst v63  }
0x1ff: {  	_ =	swait.ge [sflag:s13], $0x64  }
0x200: {  	[sflag:s13] =	ssyncset.done $0x0  }
0x201: {  	[sflag:s13] =	ssyncadd.s32 $0xFFFFFF9C  }
0x202: {  	[bflag:$0x0] =	sbarrier.arrive $0xFFFF;
	s0 =	sadd.s32 @!p0 $0x0, s11  }
0x203: {  	s1 =	simm.s32 @!p0 $0x0;
	s3 =	simm.s32 @!p0 $0xC350;
	s7 =	simm.s32 @!p0 $0x2  }
0x204: {  	[tilespmem:s3], [sflag:$0x2] =	stream.linear.gather @!p0 [hbm4b:s0+s1], $0xC80, $0x38;
	[tilespmem:$0x13250] =	vst v63  }
0x205: {  	_ =	swait.ge @!p0 [sflag:s7], $0xC80  }
0x206: {  	[sflag:s7] =	ssyncset.done @!p0 $0x0  }
0x207: {  	s9 =	simm.s32 @!p0 $0xCFD0;
	s0 =	sadd.s32 @!p0 $0x0, s10;
	[sflag:s7] =	ssyncadd.s32 @!p0 $0xFFFFF380  }
0x208: {  	[tilespmem:s9], [sflag:$0x2] =	stream.linear.gather @!p0 [hbm4b:s0+s1], $0xC80, $0x38;
	[tilespmem:$0x13250] =	vst v63  }
0x209: {  	_ =	swait.ge @!p0 [sflag:s7], $0xC80;
	p0 =	por p0, p0  }
0x20a: {  	[sflag:s7] =	ssyncset.done @!p0 $0x0  }
0x20b: {  	s0 =	simm.s32 @!p0 $0xC80;
	s1 =	simm.s32 @!p0 $0xDC50;
	[sflag:s7] =	ssyncadd.s32 @!p0 $0xFFFFF380  }
0x20c: {  	[tilespmem:s1], [sflag:$0x2] =	stream.indirect.gather @!p0 [hbm4b:s4+s0], $0x1, s3, s0, $0xb8;
	[tilespmem:$0x13250] =	vst v63  }
0x20d: {  	_ =	swait.ge @!p0 [sflag:s7], $0xC80  }
0x20e: {  	[sflag:s7] =	ssyncset.done @!p0 $0x0  }
0x20f: {  	s21 =	stileid.u32;
	s18 =	simm.s32 $0x12E50;
	[sflag:s7] =	ssyncadd.s32 @!p0 $0xFFFFF380  }
0x210: {  	[spmem:s2] =	stream.indirect.scatter.add.f32 @!p0 [tilespmem:s1], [sflag:$0x1], $0x1, s9, s0, $0xb8;
	[tilespmem:$0x13250] =	vst v63  }
0x211: {  	s7 =	simm.s32 $0x3200;
	s9 =	simm.s32 @!p0 $0x1;
	s1 =	sadd.s32 $0x10, s21  }
0x212: {  	s0 =	simm.s32 $0x1900;
	p1 =	sgt.u32 s1, $0x7C;
	_ =	swait.ge @!p0 [sflag:s9], $0xC80  }
.LBB2_16:
0x213: {  	s3 =	sadd.s32 @!p1 s0, s11;
	s14 =	simm.s32 @!p1 $0x0;
	[sflag:s9] =	ssyncset.done @!p0 $0x0  }
0x214: {  	s15 =	simm.s32 @!p1 $0xC350;
	s16 =	simm.s32 @!p1 $0x2;
	[sflag:s9] =	ssyncadd.s32 @!p0 $0xFFFFF380  }
0x215: {  	[tilespmem:s15], [sflag:$0x2] =	stream.linear.gather @!p1 [hbm4b:s3+s14], $0xC80, $0x38;
	[tilespmem:$0x13250] =	vst v63  }
0x216: {  	s3 =	smov.u32 s7;
	s7 =	sadd.s32 $0x1900, s7;
	_ =	swait.ge @!p1 [sflag:s16], $0xC80  }
0x217: {  	s17 =	simm.s32 @!p1 $0xCFD0;
	s9 =	sadd.s32 @!p1 s0, s10;
	[sflag:s16] =	ssyncset.done @!p1 $0x0  }
0x218: {  	p2 =	sne.s32 s7, $0xC800;
	s0 =	smov.u32 s3;
	[sflag:s16] =	ssyncadd.s32 @!p1 $0xFFFFF380  }
0x219: {  	[tilespmem:s17], [sflag:$0x2] =	stream.linear.gather @!p1 [hbm4b:s9+s14], $0xC80, $0x38;
	[tilespmem:$0x13250] =	vst v63  }
0x21a: {  	p0 =	por p1, p1;
	_ =	swait.ge @!p1 [sflag:s16], $0xC80  }
0x21b: {  	s3 =	simm.s32 @!p0 $0xC80;
	s14 =	simm.s32 @!p0 $0xDC50;
	[sflag:s16] =	ssyncset.done @!p0 $0x0  }
0x21c: {  	[sflag:s16] =	ssyncadd.s32 @!p0 $0xFFFFF380  }
0x21d: {  	[tilespmem:s14], [sflag:$0x2] =	stream.indirect.gather @!p0 [hbm4b:s4+s3], $0x1, s15, s3, $0xb8;
	[tilespmem:$0x13250] =	vst v63  }
.Ltmp7:
0x21e: {  	_ =	swait.ge @!p0 [sflag:s16], $0xC80;
	(pc) =	sbr.rel @p2 .LBB2_16-.Ltmp7, $4  }
0x21f: {  	[sflag:s16] =	ssyncset.done @!p0 $0x0  }
0x220: {  	s1 =	sadd.s32 $0x10, s1;
	s9 =	simm.s32 @!p0 $0x1;
	[sflag:s16] =	ssyncadd.s32 @!p0 $0xFFFFF380  }
0x221: {  	[spmem:s2] =	stream.indirect.scatter.add.f32 @!p0 [tilespmem:s14], [sflag:$0x1], $0x1, s17, s3, $0xb8;
	[tilespmem:$0x13250] =	vst v63  }
0x222: {  	p1 =	sgt.u32 s1, $0x7C;
	_ =	swait.ge @!p0 [sflag:s9], $0xC80  }
0x223: {  	s1 =	sadd.s32 @!p1 s0, s11;
	s3 =	simm.s32 @!p1 $0x0;
	[sflag:s9] =	ssyncset.done @!p0 $0x0  }
0x224: {  	s7 =	simm.s32 @!p1 $0xC350;
	s14 =	simm.s32 @!p1 $0x2;
	[sflag:s9] =	ssyncadd.s32 @!p0 $0xFFFFF380  }
0x225: {  	[tilespmem:s7], [sflag:$0x2] =	stream.linear.gather @!p1 [hbm4b:s1+s3], $0xC80, $0x38;
	[tilespmem:$0x13250] =	vst v63  }
0x226: {  	_ =	swait.ge @!p1 [sflag:s14], $0xC80  }
0x227: {  	[sflag:s14] =	ssyncset.done @!p1 $0x0  }
0x228: {  	s0 =	sadd.s32 @!p1 s0, s10;
	s1 =	simm.s32 @!p1 $0xCFD0;
	[sflag:s14] =	ssyncadd.s32 @!p1 $0xFFFFF380  }
0x229: {  	[tilespmem:s1], [sflag:$0x2] =	stream.linear.gather @!p1 [hbm4b:s0+s3], $0xC80, $0x38;
	[tilespmem:$0x13250] =	vst v63  }
0x22a: {  	p0 =	por p1, p1;
	_ =	swait.ge @!p1 [sflag:s14], $0xC80  }
0x22b: {  	[sflag:s14] =	ssyncset.done @!p0 $0x0  }
0x22c: {  	s0 =	simm.s32 @!p0 $0xC80;
	s3 =	simm.s32 @!p0 $0xDC50;
	[sflag:s14] =	ssyncadd.s32 @!p0 $0xFFFFF380  }
0x22d: {  	[tilespmem:s3], [sflag:$0x2] =	stream.indirect.gather @!p0 [hbm4b:s4+s0], $0x1, s7, s0, $0xb8;
	[tilespmem:$0x13250] =	vst v63  }
0x22e: {  	_ =	swait.ge @!p0 [sflag:s14], $0xC80  }
0x22f: {  	[sflag:s14] =	ssyncset.done @!p0 $0x0  }
0x230: {  	s7 =	simm.s32 @!p0 $0x1;
	[sflag:s14] =	ssyncadd.s32 @!p0 $0xFFFFF380  }
0x231: {  	[spmem:s2] =	stream.indirect.scatter.add.f32 @!p0 [tilespmem:s3], [sflag:$0x1], $0x1, s1, s0, $0xb8;
	[tilespmem:$0x13250] =	vst v63  }
0x232: {  	_ =	swait.ge @!p0 [sflag:s7], $0xC80  }
0x233: {  	[sflag:s7] =	ssyncset.done @!p0 $0x0  }
0x234: {  	[sflag:s7] =	ssyncadd.s32 @!p0 $0xFFFFF380  }
0x235: {  	s0 =	simm.s32 $0x0;
	s1 =	simm.s32 $0x0;
	[bflag:$0x0] =	sbarrier.arrive $0xFFFF  }
.LBB2_18:
0x236: {  	s3 =	smul.u32 $0x64, s1;
	_ =	sdelay $0x1  }
0x237: {  	s3 =	sadd.s32 s22, s3  }
0x238: {  	s7 =	smul.u32 $0x50, s3;
	_ =	sdelay $0x1  }
0x239: {  	v12 =	vmov s0;
	s7 =	sshra.s32 s7, $0x2  }
0x23a: {  	v12 =	vmul.u32 $0x5, v12;
	s9 =	sadd.s32 s7, s2  }
0x23b: {  	[tilespmem:s12], [sflag:$0x1] =	stream.linear.gather [spmem:s9], $0x7D0, $0x38;
	[tilespmem:$0x13250] =	vst v63  }
0x23c: {  	s14 =	sadd.s32 s30, s3;
	v12 =	vbroadcast v12, $0x0;
	_ =	swait.ge [sflag:s13], $0x7D0  }
0x23d: {  	s3 =	sshrl.u32 s14, $0x1;
	[sflag:s13] =	ssyncset.done $0x0  }
0x23e: {  	s28 =	simm.s32 $0x12950;
	s3 =	sadd.s32 s26, s3;
	v13 =	vadd.s32 v5, v12;
	[sflag:s13] =	ssyncadd.s32 $0xFFFFF830  }
0x23f: {  	v14 =	vadd.s32 v4, v12;
	[tilespmem:s28], [sflag:$0x1] =	stream.linear.gather [hbm4b:s3+s0], $0x190, $0x38;
	[tilespmem:$0x13250] =	vst v63  }
0x240: {  	v15 =	vadd.s32 v3, v12;
	_ =	swait.ge [sflag:s13], $0x190  }
0x241: {  	v16 =	vadd.s32 v1, v12;
	[sflag:s13] =	ssyncset.done $0x0  }
0x242: {  	[sflag:s13] =	ssyncadd.s32 $0xFFFFFE70  }
0x243: {  	v12 =	vadd.s32 v6, v12;
	v13 =	vld.idx.msk [tilespmem:v13+s12+$0x0], $0xffff  }
0x244: {  	v14 =	vld.idx.msk [tilespmem:v14+s12+$0x0], $0xffff  }
0x245: {  	v15 =	vld.idx.msk [tilespmem:v15+s12+$0x0], $0xffff  }
0x246: {  	v16 =	vld.idx.msk [tilespmem:v16+s12+$0x0], $0xffff;
	_ =	sdelay $0x1  }
0x247: {  	v12 =	vld.idx.msk [tilespmem:v12+s12+$0x0], $0xffff;
	_ =	sdelay $0x2  }
0x248: {  	v17 =	vmax.f32 v16, v15;
	v18 =	vmax.f32 v14, v13  }
0x249: {  	v17 =	vmax.f32 v17, v18  }
0x24a: {  	v17 =	vmax.f32 v17, v12  }
0x24b: {  	v16 =	vsub.f32 v16, v17  }
0x24c: {  	v15 =	vsub.f32 v15, v17  }
0x24d: {  	v16 =	vmul.f32 $1.442695020e+00, v16  }
0x24e: {  	v14 =	vsub.f32 v14, v17;
	v15 =	vmul.f32 $1.442695020e+00, v15  }
0x24f: {  	(erf) = vpow2.f32 v16  }
0x250: {  	v13 =	vsub.f32 v13, v17;
	v14 =	vmul.f32 $1.442695020e+00, v14;
	(erf) = vpow2.f32 v15;
	_ =	sdelay $0x1  }
0x251: {  	v12 =	vsub.f32 v12, v17;
	v13 =	vmul.f32 $1.442695020e+00, v13;
	(erf) = vpow2.f32 v14;
	_ =	sdelay $0x1  }
0x252: {  	v12 =	vmul.f32 $1.442695020e+00, v12;
	(erf) = vpow2.f32 v13;
	_ =	sdelay $0x1  }
0x253: {  	(erf) = vpow2.f32 v12;
	_ =	sdelay $0x1  }
0x254: {  	v12 =	vpop (erf)  }
0x255: {  	v13 =	vpop (erf)  }
0x256: {  	v12 =	vadd.f32 v13, v12  }
0x257: {  	v13 =	vpop (erf)  }
0x258: {  	v12 =	vadd.f32 v12, v13  }
0x259: {  	v13 =	vpop (erf)  }
0x25a: {  	v12 =	vadd.f32 v12, v13  }
0x25b: {  	v13 =	vpop (erf)  }
0x25c: {  	v12 =	vadd.f32 v12, v13;
	_ =	sdelay $0x1  }
0x25d: {  	v13 =	vand.u32 $0x7FFFFF, v12  }
0x25e: {  	v13 =	vor.u32 $0x3F800000, v13  }
0x25f: {  	v14 =	vmul.f32 $5.000000000e-01, v13  }
0x260: {  	vm0 =	vgt.f32 v13, $1.414213540e+00  }
0x261: {  	v13 =	vsel vm0, v14, v13  }
0x262: {  	v14 =	vadd.f32 $1.000000000e+00, v13;
	_ =	sdelay $0x1  }
0x263: {  	(erf) = vrcp.f32 v14;
	_ =	sdelay $0x7  }
0x264: {  	v13 =	vadd.f32 $-1.000000000e+00, v13  }
0x265: {  	v14 =	vpop (erf)  }
0x266: {  	v13 =	vmul.f32 v14, v13;
	_ =	sdelay $0x1  }
0x267: {  	v14 =	vmul.f32 v13, v13;
	_ =	sdelay $0x1  }
0x268: {  	v15 =	vmul.f32 $2.222222240e-01, v14;
	_ =	sdelay $0x1  }
0x269: {  	v15 =	vadd.f32 $2.857142980e-01, v15;
	_ =	sdelay $0x1  }
0x26a: {  	v15 =	vmul.f32 v15, v14;
	_ =	sdelay $0x1  }
0x26b: {  	v15 =	vadd.f32 $4.000000060e-01, v15;
	_ =	sdelay $0x1  }
0x26c: {  	v15 =	vmul.f32 v15, v14;
	_ =	sdelay $0x1  }
0x26d: {  	v15 =	vadd.f32 $6.666666860e-01, v15  }
0x26e: {  	v12 =	vshra.s32 v12, $0x17;
	v16 =	vsel vm0, $0x1, v2  }
0x26f: {  	v12 =	vadd.s32 v16, v12;
	v14 =	vmul.f32 v15, v14  }
0x270: {  	v12 =	vadd.s32 $0xFFFFFF81, v12  }
0x271: {  	s29 =	simm.s32 $0x10;
	v12 =	vcvt.s32.f32 v12;
	v14 =	vadd.f32 $2.000000000e+00, v14  }
0x272: {  	v15 =	vmov s29  }
0x273: {  	v12 =	vmul.f32 $6.931471820e-01, v12;
	v15 =	vmul.u32 $0x5, v15;
	v13 =	vmul.f32 v14, v13  }
0x274: {  	v14 =	vld [tilespmem:s28+$0x0]  }
0x275: {  	v15 =	vbroadcast v15, $0x0;
	v12 =	vadd.f32 v13, v12;
	_ =	sdelay $0x1  }
0x276: {  	v13 =	vadd.s32 v5, v15;
	v12 =	vadd.f32 v12, v17  }
0x277: {  	v16 =	vadd.s32 v4, v15  }
0x278: {  	v17 =	vadd.s32 v3, v15;
	v12 =	vmul.f32 v12, v14  }
0x279: {  	s15 =	simm.s32 $0x12B50;
	v14 =	vadd.s32 v1, v15  }
0x27a: {  	[tilespmem:s15+$0x0] =	vst v12  }
0x27b: {  	v12 =	vadd.s32 v6, v15;
	v13 =	vld.idx.msk [tilespmem:v13+s12+$0x0], $0xffff  }
0x27c: {  	v15 =	vld.idx.msk [tilespmem:v16+s12+$0x0], $0xffff  }
0x27d: {  	v16 =	vld.idx.msk [tilespmem:v17+s12+$0x0], $0xffff  }
0x27e: {  	v14 =	vld.idx.msk [tilespmem:v14+s12+$0x0], $0xffff;
	_ =	sdelay $0x1  }
0x27f: {  	v17 =	vld.idx.msk [tilespmem:v12+s12+$0x0], $0xffff;
	_ =	sdelay $0x2  }
0x280: {  	v63 =	vmax.f32 v15, v13;
	v12 =	vmax.f32 v14, v16  }
0x281: {  	v12 =	vmax.f32 v12, v63  }
0x282: {  	v12 =	vmax.f32 v12, v17  }
0x283: {  	v14 =	vsub.f32 v14, v12  }
0x284: {  	v16 =	vsub.f32 v16, v12  }
0x285: {  	v14 =	vmul.f32 $1.442695020e+00, v14  }
0x286: {  	v15 =	vsub.f32 v15, v12;
	v16 =	vmul.f32 $1.442695020e+00, v16  }
0x287: {  	(erf) = vpow2.f32 v14  }
0x288: {  	v13 =	vsub.f32 v13, v12;
	v14 =	vmul.f32 $1.442695020e+00, v15;
	(erf) = vpow2.f32 v16;
	_ =	sdelay $0x1  }
0x289: {  	v13 =	vmul.f32 $1.442695020e+00, v13;
	v15 =	vsub.f32 v17, v12;
	(erf) = vpow2.f32 v14;
	_ =	sdelay $0x1  }
0x28a: {  	v14 =	vmul.f32 $1.442695020e+00, v15;
	(erf) = vpow2.f32 v13;
	_ =	sdelay $0x1  }
0x28b: {  	(erf) = vpow2.f32 v14;
	_ =	sdelay $0x1  }
0x28c: {  	v13 =	vpop (erf)  }
0x28d: {  	v14 =	vpop (erf)  }
0x28e: {  	v13 =	vadd.f32 v14, v13  }
0x28f: {  	v14 =	vpop (erf)  }
0x290: {  	v13 =	vadd.f32 v13, v14  }
0x291: {  	v14 =	vpop (erf)  }
0x292: {  	v13 =	vadd.f32 v13, v14  }
0x293: {  	v14 =	vpop (erf)  }
0x294: {  	v13 =	vadd.f32 v13, v14;
	_ =	sdelay $0x1  }
0x295: {  	v14 =	vand.u32 $0x7FFFFF, v13  }
0x296: {  	v14 =	vor.u32 $0x3F800000, v14  }
0x297: {  	v15 =	vmul.f32 $5.000000000e-01, v14  }
0x298: {  	vm15 =	vgt.f32 v14, $1.414213540e+00  }
0x299: {  	v14 =	vsel vm15, v15, v14  }
0x29a: {  	v15 =	vadd.f32 $1.000000000e+00, v14;
	_ =	sdelay $0x1  }
0x29b: {  	(erf) = vrcp.f32 v15;
	_ =	sdelay $0x7  }
0x29c: {  	v14 =	vadd.f32 $-1.000000000e+00, v14  }
0x29d: {  	v15 =	vpop (erf)  }
0x29e: {  	v14 =	vmul.f32 v15, v14;
	_ =	sdelay $0x1  }
0x29f: {  	v15 =	vmul.f32 v14, v14;
	_ =	sdelay $0x1  }
0x2a0: {  	v16 =	vmul.f32 $2.222222240e-01, v15;
	_ =	sdelay $0x1  }
0x2a1: {  	v16 =	vadd.f32 $2.857142980e-01, v16;
	_ =	sdelay $0x1  }
0x2a2: {  	v16 =	vmul.f32 v16, v15;
	_ =	sdelay $0x1  }
0x2a3: {  	v16 =	vadd.f32 $4.000000060e-01, v16;
	_ =	sdelay $0x1  }
0x2a4: {  	v16 =	vmul.f32 v16, v15;
	_ =	sdelay $0x1  }
0x2a5: {  	v16 =	vadd.f32 $6.666666860e-01, v16  }
0x2a6: {  	v13 =	vshra.s32 v13, $0x17;
	v17 =	vsel vm15, $0x1, v2  }
0x2a7: {  	v13 =	vadd.s32 v17, v13;
	v15 =	vmul.f32 v16, v15  }
0x2a8: {  	v13 =	vadd.s32 $0xFFFFFF81, v13  }
0x2a9: {  	s31 =	simm.s32 $0x20;
	v13 =	vcvt.s32.f32 v13;
	v15 =	vadd.f32 $2.000000000e+00, v15  }
0x2aa: {  	v16 =	vmov s31  }
0x2ab: {  	s16 =	simm.s32 $0x12960;
	v17 =	vmul.f32 $6.931471820e-01, v13;
	v16 =	vmul.u32 $0x5, v16;
	v15 =	vmul.f32 v15, v14  }
0x2ac: {  	v14 =	vld [tilespmem:s16+$0x0]  }
0x2ad: {  	v13 =	vbroadcast v16, $0x0;
	v15 =	vadd.f32 v15, v17  }
0x2ae: {  	s17 =	simm.s32 $0x30  }
.LBB2_19:
0x2af: {  	p0 =	seq.s32 s17, $0x180;
	v16 =	vadd.s32 v5, v13;
	v12 =	vadd.f32 v15, v12  }
0x2b0: {  	v15 =	vadd.s32 v4, v13  }
0x2b1: {  	v17 =	vadd.s32 v3, v13;
	v12 =	vmul.f32 v12, v14  }
0x2b2: {  	s15 =	sadd.s32 $0x10, s15;
	v14 =	vadd.s32 v1, v13  }
0x2b3: {  	[tilespmem:s15+$0x0] =	vst v12  }
0x2b4: {  	v12 =	vadd.s32 v6, v13;
	v16 =	vld.idx.msk [tilespmem:v16+s12+$0x0], $0xffff  }
0x2b5: {  	v13 =	vld.idx.msk [tilespmem:v15+s12+$0x0], $0xffff  }
0x2b6: {  	v15 =	vld.idx.msk [tilespmem:v17+s12+$0x0], $0xffff  }
0x2b7: {  	v14 =	vld.idx.msk [tilespmem:v14+s12+$0x0], $0xffff;
	_ =	sdelay $0x1  }
0x2b8: {  	v17 =	vld.idx.msk [tilespmem:v12+s12+$0x0], $0xffff;
	_ =	sdelay $0x3  }
0x2b9: {  	v18 =	vmax.f32 v13, v16;
	v12 =	vmax.f32 v14, v15  }
0x2ba: {  	v12 =	vmax.f32 v12, v18  }
0x2bb: {  	v12 =	vmax.f32 v12, v17  }
0x2bc: {  	v14 =	vsub.f32 v14, v12  }
0x2bd: {  	v15 =	vsub.f32 v15, v12  }
0x2be: {  	v14 =	vmul.f32 $1.442695020e+00, v14  }
0x2bf: {  	v13 =	vsub.f32 v13, v12;
	v15 =	vmul.f32 $1.442695020e+00, v15  }
0x2c0: {  	(erf) = vpow2.f32 v14  }
0x2c1: {  	v13 =	vmul.f32 $1.442695020e+00, v13;
	v14 =	vsub.f32 v16, v12;
	(erf) = vpow2.f32 v15;
	_ =	sdelay $0x1  }
0x2c2: {  	v15 =	vsub.f32 v17, v12;
	v14 =	vmul.f32 $1.442695020e+00, v14;
	(erf) = vpow2.f32 v13;
	_ =	sdelay $0x1  }
0x2c3: {  	v13 =	vmul.f32 $1.442695020e+00, v15;
	(erf) = vpow2.f32 v14;
	_ =	sdelay $0x1  }
0x2c4: {  	(erf) = vpow2.f32 v13;
	_ =	sdelay $0x1  }
0x2c5: {  	v13 =	vpop (erf)  }
0x2c6: {  	v14 =	vpop (erf)  }
0x2c7: {  	v13 =	vadd.f32 v14, v13  }
0x2c8: {  	v14 =	vpop (erf)  }
0x2c9: {  	v13 =	vadd.f32 v13, v14  }
0x2ca: {  	v14 =	vpop (erf)  }
0x2cb: {  	v13 =	vadd.f32 v13, v14  }
0x2cc: {  	v14 =	vpop (erf)  }
0x2cd: {  	v13 =	vadd.f32 v13, v14;
	_ =	sdelay $0x1  }
0x2ce: {  	v14 =	vand.u32 $0x7FFFFF, v13  }
0x2cf: {  	v14 =	vor.u32 $0x3F800000, v14  }
0x2d0: {  	v15 =	vmul.f32 $5.000000000e-01, v14  }
0x2d1: {  	vm0 =	vgt.f32 v14, $1.414213540e+00  }
0x2d2: {  	v14 =	vsel vm0, v15, v14  }
0x2d3: {  	v15 =	vadd.f32 $1.000000000e+00, v14;
	_ =	sdelay $0x1  }
0x2d4: {  	(erf) = vrcp.f32 v15;
	_ =	sdelay $0x7  }
0x2d5: {  	v14 =	vadd.f32 $-1.000000000e+00, v14  }
0x2d6: {  	v15 =	vpop (erf)  }
0x2d7: {  	v14 =	vmul.f32 v15, v14;
	_ =	sdelay $0x1  }
0x2d8: {  	v15 =	vmul.f32 v14, v14;
	_ =	sdelay $0x1  }
0x2d9: {  	v16 =	vmul.f32 $2.222222240e-01, v15;
	_ =	sdelay $0x1  }
0x2da: {  	v16 =	vadd.f32 $2.857142980e-01, v16;
	_ =	sdelay $0x1  }
0x2db: {  	v16 =	vmul.f32 v16, v15;
	_ =	sdelay $0x1  }
0x2dc: {  	v16 =	vadd.f32 $4.000000060e-01, v16;
	_ =	sdelay $0x1  }
0x2dd: {  	v16 =	vmul.f32 v16, v15;
	_ =	sdelay $0x1  }
0x2de: {  	v16 =	vadd.f32 $6.666666860e-01, v16  }
0x2df: {  	v13 =	vshra.s32 v13, $0x17;
	v17 =	vsel vm0, $0x1, v2  }
0x2e0: {  	v13 =	vadd.s32 v17, v13;
	v15 =	vmul.f32 v16, v15  }
0x2e1: {  	v13 =	vadd.s32 $0xFFFFFF81, v13  }
0x2e2: {  	v13 =	vcvt.s32.f32 v13;
	v15 =	vadd.f32 $2.000000000e+00, v15  }
.Ltmp8:
0x2e3: {  	v16 =	vmov s17;
	(pc) =	sbr.rel @!p0 .LBB2_19-.Ltmp8, $4  }
0x2e4: {  	s16 =	sadd.s32 $0x10, s16;
	v17 =	vmul.f32 $6.931471820e-01, v13;
	v16 =	vmul.u32 $0x5, v16;
	v15 =	vmul.f32 v15, v14  }
0x2e5: {  	v14 =	vld [tilespmem:s16+$0x0]  }
0x2e6: {  	v13 =	vbroadcast v16, $0x0;
	v15 =	vadd.f32 v15, v17  }
0x2e7: {  	s17 =	sadd.s32 $0x10, s17  }
0x2e8: {  	v16 =	vadd.s32 v5, v13;
	v12 =	vadd.f32 v15, v12  }
0x2e9: {  	v15 =	vadd.s32 v4, v13  }
0x2ea: {  	v17 =	vadd.s32 v3, v13;
	v12 =	vmul.f32 v12, v14  }
0x2eb: {  	s7 =	sadd.s32 $0x10, s15;
	v14 =	vadd.s32 v1, v13  }
0x2ec: {  	[tilespmem:s7+$0x0] =	vst v12  }
0x2ed: {  	v13 =	vadd.s32 v6, v13;
	v12 =	vld.idx.msk [tilespmem:v16+s12+$0x0], $0xffff  }
0x2ee: {  	v15 =	vld.idx.msk [tilespmem:v15+s12+$0x0], $0xffff  }
0x2ef: {  	v16 =	vld.idx.msk [tilespmem:v17+s12+$0x0], $0xffff  }
0x2f0: {  	v14 =	vld.idx.msk [tilespmem:v14+s12+$0x0], $0xffff;
	_ =	sdelay $0x1  }
0x2f1: {  	v13 =	vld.idx.msk [tilespmem:v13+s12+$0x0], $0xffff;
	_ =	sdelay $0x2  }
0x2f2: {  	v18 =	vmax.f32 v15, v12;
	v17 =	vmax.f32 v14, v16  }
0x2f3: {  	v17 =	vmax.f32 v17, v18  }
0x2f4: {  	v17 =	vmax.f32 v17, v13  }
0x2f5: {  	v14 =	vsub.f32 v14, v17  }
0x2f6: {  	v16 =	vsub.f32 v16, v17  }
0x2f7: {  	v14 =	vmul.f32 $1.442695020e+00, v14  }
0x2f8: {  	v15 =	vsub.f32 v15, v17;
	v16 =	vmul.f32 $1.442695020e+00, v16  }
0x2f9: {  	(erf) = vpow2.f32 v14  }
0x2fa: {  	v12 =	vsub.f32 v12, v17;
	v14 =	vmul.f32 $1.442695020e+00, v15;
	(erf) = vpow2.f32 v16;
	_ =	sdelay $0x1  }
0x2fb: {  	v13 =	vsub.f32 v13, v17;
	v12 =	vmul.f32 $1.442695020e+00, v12;
	(erf) = vpow2.f32 v14;
	_ =	sdelay $0x1  }
0x2fc: {  	v13 =	vmul.f32 $1.442695020e+00, v13;
	(erf) = vpow2.f32 v12;
	_ =	sdelay $0x1  }
0x2fd: {  	(erf) = vpow2.f32 v13;
	_ =	sdelay $0x1  }
0x2fe: {  	v12 =	vpop (erf)  }
0x2ff: {  	v13 =	vpop (erf)  }
0x300: {  	v12 =	vadd.f32 v13, v12  }
0x301: {  	v13 =	vpop (erf)  }
0x302: {  	v12 =	vadd.f32 v12, v13  }
0x303: {  	v13 =	vpop (erf)  }
0x304: {  	v12 =	vadd.f32 v12, v13  }
0x305: {  	v13 =	vpop (erf)  }
0x306: {  	v12 =	vadd.f32 v12, v13;
	_ =	sdelay $0x1  }
0x307: {  	v13 =	vand.u32 $0x7FFFFF, v12  }
0x308: {  	v13 =	vor.u32 $0x3F800000, v13  }
0x309: {  	v14 =	vmul.f32 $5.000000000e-01, v13  }
0x30a: {  	vm0 =	vgt.f32 v13, $1.414213540e+00  }
0x30b: {  	v13 =	vsel vm0, v14, v13  }
0x30c: {  	v14 =	vadd.f32 $1.000000000e+00, v13;
	_ =	sdelay $0x1  }
0x30d: {  	(erf) = vrcp.f32 v14;
	_ =	sdelay $0x7  }
0x30e: {  	v13 =	vadd.f32 $-1.000000000e+00, v13  }
0x30f: {  	v14 =	vpop (erf)  }
0x310: {  	v13 =	vmul.f32 v14, v13;
	_ =	sdelay $0x1  }
0x311: {  	v14 =	vmul.f32 v13, v13;
	_ =	sdelay $0x1  }
0x312: {  	v15 =	vmul.f32 $2.222222240e-01, v14;
	_ =	sdelay $0x1  }
0x313: {  	v15 =	vadd.f32 $2.857142980e-01, v15;
	_ =	sdelay $0x1  }
0x314: {  	v15 =	vmul.f32 v15, v14;
	_ =	sdelay $0x1  }
0x315: {  	v15 =	vadd.f32 $4.000000060e-01, v15;
	_ =	sdelay $0x1  }
0x316: {  	v15 =	vmul.f32 v15, v14;
	_ =	sdelay $0x1  }
0x317: {  	v15 =	vadd.f32 $6.666666860e-01, v15  }
0x318: {  	v12 =	vshra.s32 v12, $0x17;
	v16 =	vsel vm0, $0x1, v2  }
0x319: {  	v12 =	vadd.s32 v16, v12;
	v14 =	vmul.f32 v15, v14  }
0x31a: {  	v12 =	vadd.s32 $0xFFFFFF81, v12  }
0x31b: {  	v12 =	vcvt.s32.f32 v12;
	v14 =	vadd.f32 $2.000000000e+00, v14;
	_ =	sdelay $0x1  }
0x31c: {  	s3 =	sadd.s32 $0x10, s16;
	v12 =	vmul.f32 $6.931471820e-01, v12;
	v13 =	vmul.f32 v14, v13  }
0x31d: {  	v14 =	vld [tilespmem:s3+$0x0]  }
0x31e: {  	v12 =	vadd.f32 v13, v12;
	_ =	sdelay $0x1  }
0x31f: {  	s29 =	simm.s32 $0x0;
	v12 =	vadd.f32 v12, v17  }
0x320: {  	v13 =	vadd.s32 s29, v0  }
0x321: {  	v12 =	vmul.f32 v12, v14;
	v14 =	vshll.u32 v13, $0x2  }
0x322: {  	v15 =	vor.u32 $0x1, v14;
	_ =	sdelay $0x1  }
0x323: {  	s28 =	sadd.s32 $0x10, s7  }
0x324: {  	v16 =	vor.u32 $0x2, v14;
	[tilespmem:s28+$0x0] =	vst v12  }
0x325: {  	v17 =	vld.idx.msk [tilespmem:v14+s23+$0x0], $0xffff  }
0x326: {  	v18 =	vor.u32 $0x3, v14;
	v15 =	vld.idx.msk [tilespmem:v15+s23+$0x0], $0xffff;
	_ =	sdelay $0x2  }
0x327: {  	v16 =	vld.idx.msk [tilespmem:v16+s23+$0x0], $0xffff;
	_ =	sdelay $0x1  }
0x328: {  	v19 =	vadd.f32 v15, v17;
	v17 =	vld.idx.msk [tilespmem:v18+s23+$0x0], $0xffff  }
0x329: {  	s31 =	simm.s32 $0x10  }
0x32a: {  	v14 =	vadd.s32 s31, v0  }
0x32b: {  	v15 =	vshll.u32 v14, $0x2;
	v18 =	vadd.f32 v16, v19  }
0x32c: {  	s7 =	simm.s32 $0x20;
	v12 =	vmov s14;
	v16 =	vor.u32 $0x1, v15  }
.LBB2_21:
0x32d: {  	p0 =	sne.s32 s7, $0x50;
	v17 =	vadd.f32 v17, v18;
	_ =	sdelay $0x1  }
0x32e: {  	v18 =	vor.u32 $0x2, v15;
	[tilespmem:v13+s24+$0x0] =	vst.idx.msk $0xffff, v17;
	v17 =	vadd.s32 v12, v13  }
0x32f: {  	[tilespmem:v13+s25+$0x0] =	vst.idx.msk $0xffff, v17;
	v13 =	vmov v14  }
0x330: {  	v14 =	vld.idx.msk [tilespmem:v16+s23+$0x0], $0xffff;
	v16 =	vor.u32 $0x3, v15  }
0x331: {  	v15 =	vld.idx.msk [tilespmem:v15+s23+$0x0], $0xffff;
	_ =	sdelay $0x1  }
0x332: {  	v18 =	vld.idx.msk [tilespmem:v18+s23+$0x0], $0xffff;
	_ =	sdelay $0x1  }
0x333: {  	v17 =	vld.idx.msk [tilespmem:v16+s23+$0x0], $0xffff  }
.Ltmp9:
0x334: {  	(pc) =	sbr.rel @p0 .LBB2_21-.Ltmp9, $4  }
0x335: {  	v16 =	vadd.f32 v14, v15  }
0x336: {  	v14 =	vadd.s32 s7, v0  }
0x337: {  	v15 =	vshll.u32 v14, $0x2;
	v18 =	vadd.f32 v18, v16  }
0x338: {  	s7 =	sadd.s32 $0x10, s7;
	v16 =	vor.u32 $0x1, v15  }
0x339: {  	_ =	sdelay $0x1  }
0x33a: {  	v17 =	vadd.f32 v17, v18;
	_ =	sdelay $0x1  }
0x33b: {  	v56 =	vor.u32 $0x2, v15;
	v57 =	vadd.s32 v12, v13;
	[tilespmem:v13+s24+$0x0] =	vst.idx.msk $0xffff, v17  }
0x33c: {  	[tilespmem:v13+s25+$0x0] =	vst.idx.msk $0xffff, v57  }
0x33d: {  	v58 =	vor.u32 $0x3, v15;
	v13 =	vld.idx.msk [tilespmem:v16+s23+$0x0], $0xffff  }
0x33e: {  	v59 =	vld.idx.msk [tilespmem:v15+s23+$0x0], $0xffff;
	_ =	sdelay $0x1  }
0x33f: {  	v17 =	vld.idx.msk [tilespmem:v56+s23+$0x0], $0xffff;
	_ =	sdelay $0x1  }
0x340: {  	v16 =	vld.idx.msk [tilespmem:v58+s23+$0x0], $0xffff  }
0x341: {  	v13 =	vadd.f32 v13, v59;
	_ =	sdelay $0x1  }
0x342: {  	v13 =	vadd.f32 v17, v13;
	_ =	sdelay $0x1  }
0x343: {  	v13 =	vadd.f32 v16, v13;
	_ =	sdelay $0x1  }
0x344: {  	v60 =	vadd.s32 v12, v14;
	[tilespmem:v14+s24+$0x0] =	vst.idx.msk $0xffff, v13  }
0x345: {  	[tilespmem:v14+s25+$0x0] =	vst.idx.msk $0xffff, v60  }
0x346: {  	v13 =	vld.idx.msk [tilespmem:v7+s23+$0x0], $0xffff  }
0x347: {  	v14 =	vld.idx.msk [tilespmem:v8+s23+$0x0], $0xffff;
	_ =	sdelay $0x1  }
0x348: {  	v61 =	vld.idx.msk [tilespmem:v9+s23+$0x0], $0xffff;
	_ =	sdelay $0x1  }
0x349: {  	v62 =	vld.idx.msk [tilespmem:v10+s23+$0x0], $0xffff  }
0x34a: {  	v13 =	vadd.f32 v14, v13;
	_ =	sdelay $0x1  }
0x34b: {  	v13 =	vadd.f32 v61, v13;
	_ =	sdelay $0x1  }
0x34c: {  	v13 =	vadd.f32 v62, v13;
	_ =	sdelay $0x1  }
0x34d: {  	v63 =	vadd.s32 v11, v12;
	[tilespmem:v11+s24+$0x0] =	vst.idx.msk $0xffff, v13  }
0x34e: {  	[tilespmem:v11+s25+$0x0] =	vst.idx.msk $0xffff, v63  }
0x34f: {  	[hbm4b:s4+s8] =	stream.indirect.scatter [tilespmem:s24], [sflag:$0x1], $0x1, s25, s8, $0xb8;
	[tilespmem:$0x13250] =	vst v63  }
0x350: {  	_ =	swait.ge [sflag:s13], $0x64  }
0x351: {  	[sflag:s13] =	ssyncset.done $0x0  }
0x352: {  	[sflag:s13] =	ssyncadd.s32 $0xFFFFFF9C  }
0x353: {  	[spmem:s9] =	stream.linear.scatter [tilespmem:s18], [sflag:$0x1], $0x3E8, $0x38;
	[tilespmem:$0x13250] =	vst v63  }
0x354: {  	s1 =	sadd.s32 $0x1, s1;
	_ =	swait.ge [sflag:s13], $0x3E8  }
0x355: {  	p0 =	sne.s32 s1, $0x19;
	[sflag:s13] =	ssyncset.done $0x0  }
.Ltmp10:
0x356: {  	s3 =	sadd.s32 $0x3E8, s9;
	[sflag:s13] =	ssyncadd.s32 $0xFFFFFC18;
	(pc) =	sbr.rel @p0 .LBB2_18-.Ltmp10, $4  }
0x357: {  	[spmem:s3] =	stream.linear.scatter [tilespmem:s18], [sflag:$0x1], $0x3E8, $0x38;
	[tilespmem:$0x13250] =	vst v63  }
0x358: {  	_ =	swait.ge [sflag:s13], $0x3E8  }
0x359: {  	[sflag:s13] =	ssyncset.done $0x0  }
0x35a: {  	[sflag:s13] =	ssyncadd.s32 $0xFFFFFC18  }
0x35b: {  	s0 =	rddreg [dreg:$0x6]  }
0x35c: {  	p0 =	sne.s32 s0, $0x7  }
.Ltmp11:
0x35d: {  	_ = 	snop;
	(pc) =	sbr.rel @p0 .LBB2_5-.Ltmp11, $3  }
0x35e: {  	_ =	sdelay $0x1  }
0x35f: {  	[bflag:$0x0] =	sbarrier.arrive $0xFFFF  }
0x360: {  	s10 =	sadd.s32 $0xC350, s10;
	s11 =	sadd.s32 $0xC350, s11  }
0x361: {  	_ =	sfence.sel $0x180000  }
0x362: {  	[bflag:$0x0] =	sbarrier.arrive $0xFFFF  }
0x363: {  	_ =	strace $0x90000047  }
0x364: {  	[bflag:$0x2] =	sbarrier.arrive $0xFFFF  }
0x365: {  	p0 =	sne.s32 s21, $0x0;
	s0 =	rddreg [dreg:$0x3]  }
0x366: {  	s0 =	sadd.s32 @!p0 $0x100000, s0  }
0x367: {  	[sflag:s0] =	ssyncadd.tile.s32 @!p0 $0x1;
	_ =	shalt  }
.Lfunc_end2:
_tile_overlayer_lowered:
.L_overlay_start_2:
0x368: {  	(tag) =	ssettag $0x2  }
0x369: {  	s0 =	rddreg [dreg:$0x0];
	s2 =	stileid.u32  }
0x36a: {  	s1 =	rddreg [dreg:$0x1];
	p0 =	sne.s32 s2, $0x0  }
0x36b: {  	s3 =	rddreg [dreg:$0x2];
	[bflag:$0x3] =	sbarrier.arrive $0xFFFF;
	s2 =	simm.s32 @!p0 $0x1C01  }
0x36c: {  	[timem:s3], [sflag:s2] =	dma.local @!p0 [hbm:s0], s1  }
0x36d: {  	s0 =	simm.s32 @!p0 $0x1  }
0x36e: {  	_ =	swait.ge @!p0 [sflag:s0], s1  }
0x36f: {  	s1 =	ssub.s32 @!p0 $0x0, s1;
	[sflag:s0] =	ssyncset.done @!p0 $0x0  }
0x370: {  	[sflag:s0] =	ssyncadd.s32 @!p0 s1  }
0x371: {  	[bflag:$0x3] =	sbarrier.arrive $0xFFFF  }
0x372: {  	_ =	shalt  }

</sc_bundles>
